<compile_context>
chip_gen: v7x
topology: tpu7x:2x2x1
jax: 0.10.2.dev20260603
libtpu: 0.0.44.dev20260713+nightly
codegen_flags: <defaults>
</compile_context>

<pallas_src>
import jax
import jax.numpy as jnp
from jax import lax
from jax.experimental import pallas as pl
from jax.experimental.pallas import tpu as pltpu
from jax.experimental.pallas import tpu_sc as plsc

_EPS = 1e-8
_M = 256
_NROW = 256
_C = (_M + 1) / 2.0
_NC = 2
_NS = 16
_NW = _NC * _NS
_RPW = _NROW // _NW
_L = 16


def _iota16():
    return lax.broadcasted_iota(jnp.int32, (_L,), 0)


def _cmp_exchange(keys, vals, a, b, desc):
    ka, kb = keys[a], keys[b]
    va, vb = vals[a], vals[b]
    m = (ka >= kb) if desc else (ka <= kb)
    if desc:
        keys[a] = jnp.maximum(ka, kb)
        keys[b] = jnp.minimum(ka, kb)
    else:
        keys[a] = jnp.minimum(ka, kb)
        keys[b] = jnp.maximum(ka, kb)
    vals[a] = jnp.where(m, va, vb)
    vals[b] = jnp.where(m, vb, va)


def _sort_row_desc(keys, vals):
    nv = _M // _L
    for j in range(nv):
        keys[j], vals[j] = plsc.sort_key_val(
            keys[j], vals[j], descending=(j % 2 == 0))
    for size in (2, 4, 8, 16):
        for base in range(0, nv, size):
            desc = ((base // size) % 2 == 0)
            d = size // 2
            while d >= 1:
                for off in range(0, size, 2 * d):
                    for i in range(d):
                        _cmp_exchange(keys, vals, base + off + i,
                                      base + off + i + d, desc)
                d //= 2
            for j in range(base, base + size):
                keys[j], vals[j] = plsc.sort_key_val(
                    keys[j], vals[j], descending=desc)


def _sc_body(pred_hbm, targ_hbm, out_hbm,
             rows, sk, perm, sums, cnts, outb, pvec, semp, semt):
    c = lax.axis_index("c")
    s = lax.axis_index("s")
    wid = s * _NC + c
    lane = _iota16()
    lane_f = lane.astype(jnp.float32)

    cp_p = pltpu.make_async_copy(pred_hbm.at[pl.ds(wid * _RPW, _RPW)],
                                 rows.at[pl.ds(0, _RPW)], semp)
    cp_t = pltpu.make_async_copy(targ_hbm.at[pl.ds(wid * _RPW, _RPW)],
                                 rows.at[pl.ds(_RPW, _RPW)], semt)
    cp_p.start()
    cp_t.start()
    cp_p.wait()
    cp_t.wait()

    @plsc.parallel_loop(0, _L, unroll=2)
    def _sort_loop(r):
        keys = [rows[r, pl.ds(j * _L, _L)] for j in range(_M // _L)]
        vals = [lane + j * _L for j in range(_M // _L)]
        _sort_row_desc(keys, vals)
        for j in range(_M // _L):
            idx = j * _M + lane * _L + r
            plsc.store_scatter(sk, [idx], keys[j])
            plsc.store_scatter(perm, [idx], vals[j])

    def pav_step(it, st):
        (cur_sum, cur_cnt, prev_sum, prev_cnt,
         p2_sum, p2_cnt, depth, tpos) = st
        tsafe = jnp.minimum(tpos, _M - 1)
        ynext = plsc.load_gather(sk, [tsafe * _L + lane])
        ynext = ynext - (jnp.float32(_M) - tsafe.astype(jnp.float32))
        viol = (depth > 0) & (cur_sum * prev_cnt >= prev_sum * cur_cnt)
        msum = cur_sum + jnp.where(viol, prev_sum, 0.0)
        mcnt = cur_cnt + jnp.where(viol, prev_cnt, 0.0)
        gm = viol & (depth >= 3)
        gidx = jnp.where(gm, (depth - 3) * _L + lane, lane)
        gs = plsc.load_gather(sums, [gidx], mask=gm)
        gc = plsc.load_gather(cnts, [gidx], mask=gm)
        depth2 = depth - viol.astype(jnp.int32)
        pushm = (~viol) & (tpos < _M)
        pidx = depth2 * _L + lane
        plsc.store_scatter(sums, [pidx], msum, mask=pushm)
        plsc.store_scatter(cnts, [pidx], mcnt, mask=pushm)
        p2s = jnp.where(pushm, prev_sum, jnp.where(viol, gs, p2_sum))
        p2c = jnp.where(pushm, prev_cnt, jnp.where(viol, gc, p2_cnt))
        prs = jnp.where(pushm, msum, jnp.where(viol, p2_sum, prev_sum))
        prc = jnp.where(pushm, mcnt, jnp.where(viol, p2_cnt, prev_cnt))
        depth3 = depth2 + pushm.astype(jnp.int32)
        cs = jnp.where(pushm, ynext, msum)
        cc = jnp.where(pushm, 1.0, mcnt)
        tpos = tpos + pushm.astype(jnp.int32)
        return cs, cc, prs, prc, p2s, p2c, depth3, tpos

    y0 = sk[pl.ds(0, _L)] - jnp.float32(_M)
    zf = jnp.zeros((_L,), jnp.float32)
    init_pav = (y0, jnp.ones((_L,), jnp.float32), zf, zf, zf, zf,
                jnp.zeros((_L,), jnp.int32), jnp.ones((_L,), jnp.int32))
    cur_sum, cur_cnt, _, _, _, _, depth, _ = lax.fori_loop(
        0, 2 * _M - 2, pav_step, init_pav)
    pidx = depth * _L + lane
    plsc.store_scatter(sums, [pidx], cur_sum)
    plsc.store_scatter(cnts, [pidx], cur_cnt)

    off = jnp.where(lane < _RPW, lane, _M * _RPW + lane - _RPW)

    def expand_step(carry, t):
        b, rem, mean, nmean, nrem, ssum, ssq = carry
        sk_t = sk[pl.ds(t * _L, _L)]
        perm_t = perm[pl.ds(t * _L, _L)]
        need = rem <= 0.0
        mean = jnp.where(need, nmean, mean)
        rem = jnp.where(need, nrem, rem)
        b = b + need.astype(jnp.int32)
        gidx = jnp.minimum(b + 1, _M - 1) * _L + lane
        gs = plsc.load_gather(sums, [gidx], mask=need)
        gc = plsc.load_gather(cnts, [gidx], mask=need)
        nmean = jnp.where(need, gs / gc + jnp.float32(_C), nmean)
        nrem = jnp.where(need, gc, nrem)
        out_c = sk_t - mean
        rem = rem - 1.0
        plsc.store_scatter(outb, [perm_t * _RPW + off], out_c)
        return b, rem, mean, nmean, nrem, ssum + out_c, ssq + out_c * out_c

    s0 = sums[pl.ds(0, _L)]
    c0 = cnts[pl.ds(0, _L)]
    s1 = sums[pl.ds(_L, _L)]
    c1 = cnts[pl.ds(_L, _L)]
    zf32 = jnp.zeros((_L,), jnp.float32)
    init = (jnp.zeros((_L,), jnp.int32), c0, s0 / c0 + jnp.float32(_C),
            s1 / c1 + jnp.float32(_C), c1, zf32, zf32)

    @plsc.parallel_loop(0, _M, unroll=2, carry=init)
    def _expand_loop(t, carry):
        return expand_step(carry, t)

    _, _, _, _, _, ssum, ssq = _expand_loop

    @plsc.parallel_loop(0, _M * _RPW // _L, unroll=4,
                        carry=jnp.zeros((_L,), jnp.float32))
    def _prod_loop(t, pacc):
        op = outb[pl.ds(t * _L, _L)]
        ot = outb[pl.ds(_M * _RPW + t * _L, _L)]
        return pacc + op * ot

    pacc = _prod_loop

    is_p = lane < _RPW
    zero = jnp.zeros((_L,), jnp.float32)
    sp = jnp.sum(jnp.where(is_p, ssum, zero))
    st = jnp.sum(jnp.where(is_p, zero, ssum))
    spp = jnp.sum(jnp.where(is_p, ssq, zero))
    stt = jnp.sum(jnp.where(is_p, zero, ssq))
    spt = jnp.sum(pacc)
    res = (sp * (lane_f == 0.0).astype(jnp.float32)
           + spp * (lane_f == 1.0).astype(jnp.float32)
           + st * (lane_f == 2.0).astype(jnp.float32)
           + stt * (lane_f == 3.0).astype(jnp.float32)
           + spt * (lane_f == 4.0).astype(jnp.float32))
    pvec[...] = res
    pltpu.sync_copy(pvec, out_hbm.at[wid])


def _combine_body(p_ref, out_ref):
    x = p_ref[...]
    n = jnp.float32(_M * _NROW)
    sp = jnp.sum(x[:, 0])
    spp = jnp.sum(x[:, 1])
    st = jnp.sum(x[:, 2])
    stt = jnp.sum(x[:, 3])
    spt = jnp.sum(x[:, 4])
    varp = spp - sp * sp / n
    vart = stt - st * st / n
    cov = spt - sp * st / n
    denom = (jnp.sqrt(varp) + _EPS) * (jnp.sqrt(vart) + _EPS)
    out_ref[0, 0] = 1.0 - cov / denom


def kernel(pred, target):
    mesh = plsc.VectorSubcoreMesh(core_axis_name="c", subcore_axis_name="s",
                                  num_cores=_NC, num_subcores=_NS)
    sc = pl.kernel(
        _sc_body,
        out_type=jax.ShapeDtypeStruct((_NW, _L), jnp.float32),
        mesh=mesh,
        compiler_params=pltpu.CompilerParams(needs_layout_passes=False),
        scratch_types=[
            pltpu.VMEM((_L, _M), jnp.float32),
            pltpu.VMEM((_M * _L,), jnp.float32),
            pltpu.VMEM((_M * _L,), jnp.int32),
            pltpu.VMEM((_M * _L,), jnp.float32),
            pltpu.VMEM((_M * _L,), jnp.float32),
            pltpu.VMEM((2 * _M * _RPW,), jnp.float32),
            pltpu.VMEM((_L,), jnp.float32),
            pltpu.SemaphoreType.DMA,
            pltpu.SemaphoreType.DMA,
        ],
    )
    partials = sc(pred, target)
    out = pl.pallas_call(
        _combine_body,
        in_specs=[pl.BlockSpec((_NW, _L), lambda: (0, 0))],
        out_specs=pl.BlockSpec(memory_space=pltpu.SMEM),
        out_shape=jax.ShapeDtypeStruct((1, 1), jnp.float32),
    )(partials)
    return out[0, 0]

# --- scband reference (transcript-rebuilt; emitter-appended) ---
"""Pipeline reference for scband-srccloss-70798240907319 (READ-ONLY COPY).

The authoritative reference and input builder live on the scoring server;
editing this copy changes nothing except your own understanding.
"""

import jax
import jax.numpy as jnp
import numpy as np

EPS = 1e-08


def _isotonic_nonincreasing(y):
    # Solve min_v ||v - y||^2 s.t. v_1 >= v_2 >= ... (PAV solution) via the
    # differentiable min-max interval-mean formula:
    #   v_i = min_{j<=i} max_{k>=i} mean(y[j..k])
    m = y.shape[0]
    cs = jnp.concatenate([jnp.zeros((1,), y.dtype), jnp.cumsum(y)])
    j = jnp.arange(m)[:, None]
    k = jnp.arange(m)[None, :]
    valid = k >= j
    lengths = jnp.where(valid, (k - j + 1), 1).astype(y.dtype)
    means = (cs[k + 1] - cs[j]) / lengths
    means = jnp.where(valid, means, jnp.array(-jnp.inf, y.dtype))
    # A[j, i] = max_{k >= i} means[j, k]  (reverse cummax along k)
    A = jnp.flip(jax.lax.cummax(jnp.flip(means, axis=1), axis=1), axis=1)
    # v_i = min_{j <= i} A[j, i]  -> cummin down axis 0, read diagonal
    V = jax.lax.cummin(A, axis=0)
    return jnp.diagonal(V)


def _soft_rank_l2(x):
    # torchsort.soft_rank with regularization='l2', regularization_strength=1.0
    # (defaults; SRCCLoss.forward passes no kwargs).
    # Ascending ranks: smallest value -> rank ~1.
    m = x.shape[0]
    z = x  # / regularization_strength (== 1.0)
    perm = jnp.argsort(-z)  # descending order
    s = z[perm]
    w = jnp.arange(m, 0, -1).astype(z.dtype)
    v = _isotonic_nonincreasing(s - w)
    out_sorted = s - v
    inv = jnp.argsort(perm)
    return out_sorted[inv]


def setup_inputs(seed: int = 0) -> dict:
    key = jax.random.key(seed)
    k1, k2 = jax.random.split(key)
    pred = jax.random.normal(k1, (256, 256), dtype=jnp.float32)
    target = jax.random.normal(k2, (256, 256), dtype=jnp.float32)
    return {"pred": pred, "target": target}


def reference(pred, target):
    b, n = pred.shape
    pred = pred.reshape(n, b)
    target = target.reshape(n, b)
    pred = jax.vmap(_soft_rank_l2)(pred)
    target = jax.vmap(_soft_rank_l2)(target)
    pred = pred - pred.mean()
    pred = pred / (jnp.linalg.norm(pred) + EPS)
    target = target - target.mean()
    target = target / (jnp.linalg.norm(target) + EPS)
    return 1.0 - (pred * target).sum()

if __name__ == "__main__":
    import jax
    _d = setup_inputs()
    print(jax.jit(kernel)(*tuple(_d.values())))

</pallas_src>

<mosaic_0001>
#map = affine_map<(d0, d1) -> (0, 0)>
module attributes {stable_mosaic.version = 14 : i64} {
  func.func @_sc_body(%arg0: i32, %arg1: i32, %arg2: memref<256x256xf32, #tpu.memory_space<hbm>>, %arg3: memref<256x256xf32, #tpu.memory_space<hbm>>, %arg4: memref<32x16xf32, #tpu.memory_space<hbm>>, %arg5: memref<16x256xf32, #tpu.memory_space<vmem>>, %arg6: memref<4096xf32, #tpu.memory_space<vmem>>, %arg7: memref<4096xi32, #tpu.memory_space<vmem>>, %arg8: memref<4096xf32, #tpu.memory_space<vmem>>, %arg9: memref<4096xf32, #tpu.memory_space<vmem>>, %arg10: memref<4096xf32, #tpu.memory_space<vmem>>, %arg11: memref<16xf32, #tpu.memory_space<vmem>>, %arg12: memref<!tpu.dma_semaphore, #tpu.memory_space<semaphore_mem>>, %arg13: memref<!tpu.dma_semaphore, #tpu.memory_space<semaphore_mem>>) attributes {dimension_semantics = [#tpu.dimension_semantics<core_parallel>, #tpu.dimension_semantics<subcore_parallel>], iteration_bounds = array<i64: 2, 16>, scalar_prefetch = 0 : i64, scratch_operands = 9 : i64, tpu.core_type = #tpu.core_type<sc_vector_subcore>, window_params = [{transform_indices = #map}, {transform_indices = #map}, {transform_indices = #map}]} {
    %mul3A = arith.constant 2 : i32
    %mul3A_0 = arith.muli %arg1, %mul3A : i32
    %add3A = arith.addi %mul3A_0, %arg0 : i32
    %iota3A = tpu.iota {dimensions = array<i32: 0>} : vector<16xi32>
    %convert_element_type3A = arith.sitofp %iota3A : vector<16xi32> to vector<16xf32>
    %mul3A_1 = arith.constant 8 : i32
    %mul3A_2 = arith.muli %add3A, %mul3A_1 : i32
    %mul3A_3 = arith.constant 8 : i32
    %mul3A_4 = arith.muli %add3A, %mul3A_3 : i32
    %dma_start3A = arith.constant 0 : i32
    %dma_start3A_5 = arith.constant 0 : i32
    %dma_start3A_6 = tpu.memref_slice %arg5[%dma_start3A, %dma_start3A_5] : memref<16x256xf32, #tpu.memory_space<vmem>> -> memref<8x256xf32, #tpu.memory_space<vmem>>
    %dma_start3A_7 = arith.constant 0 : i32
    %dma_start3A_8 = tpu.memref_slice %arg2[%mul3A_2, %dma_start3A_7] : memref<256x256xf32, #tpu.memory_space<hbm>> -> memref<8x256xf32, #tpu.memory_space<hbm>>
    %dma_start3A_9 = arith.constant 0 : i32
    %dma_start3A_10 = arith.constant 0 : i32
    %dma_start3A_11 = tpu.memref_slice %arg5[%dma_start3A_9, %dma_start3A_10] : memref<16x256xf32, #tpu.memory_space<vmem>> -> memref<8x256xf32, #tpu.memory_space<vmem>>
    %dma_start3A_12 = arith.constant 0 : i32
    %dma_start3A_13 = tpu.memref_slice %arg2[%mul3A_2, %dma_start3A_12] : memref<256x256xf32, #tpu.memory_space<hbm>> -> memref<8x256xf32, #tpu.memory_space<hbm>>
    tpu.enqueue_dma source(%dma_start3A_13 : memref<8x256xf32, #tpu.memory_space<hbm>>) target(%dma_start3A_11 : memref<8x256xf32, #tpu.memory_space<vmem>>) target_semaphore(%arg12 : memref<!tpu.dma_semaphore, #tpu.memory_space<semaphore_mem>>)
    %dma_start3A_14 = arith.constant 8 : i32
    %dma_start3A_15 = arith.constant 0 : i32
    %dma_start3A_16 = tpu.memref_slice %arg5[%dma_start3A_14, %dma_start3A_15] : memref<16x256xf32, #tpu.memory_space<vmem>> -> memref<8x256xf32, #tpu.memory_space<vmem>>
    %dma_start3A_17 = arith.constant 0 : i32
    %dma_start3A_18 = tpu.memref_slice %arg3[%mul3A_4, %dma_start3A_17] : memref<256x256xf32, #tpu.memory_space<hbm>> -> memref<8x256xf32, #tpu.memory_space<hbm>>
    %dma_start3A_19 = arith.constant 8 : i32
    %dma_start3A_20 = arith.constant 0 : i32
    %dma_start3A_21 = tpu.memref_slice %arg5[%dma_start3A_19, %dma_start3A_20] : memref<16x256xf32, #tpu.memory_space<vmem>> -> memref<8x256xf32, #tpu.memory_space<vmem>>
    %dma_start3A_22 = arith.constant 0 : i32
    %dma_start3A_23 = tpu.memref_slice %arg3[%mul3A_4, %dma_start3A_22] : memref<256x256xf32, #tpu.memory_space<hbm>> -> memref<8x256xf32, #tpu.memory_space<hbm>>
    tpu.enqueue_dma source(%dma_start3A_23 : memref<8x256xf32, #tpu.memory_space<hbm>>) target(%dma_start3A_21 : memref<8x256xf32, #tpu.memory_space<vmem>>) target_semaphore(%arg13 : memref<!tpu.dma_semaphore, #tpu.memory_space<semaphore_mem>>)
    %dma_wait3A = arith.constant 0 : i32
    %dma_wait3A_24 = arith.constant 0 : i32
    %dma_wait3A_25 = tpu.memref_slice %arg5[%dma_wait3A, %dma_wait3A_24] : memref<16x256xf32, #tpu.memory_space<vmem>> -> memref<8x256xf32, #tpu.memory_space<vmem>>
    %dma_wait3A_26 = arith.constant 0 : i32
    %dma_wait3A_27 = tpu.memref_slice %arg2[%mul3A_2, %dma_wait3A_26] : memref<256x256xf32, #tpu.memory_space<hbm>> -> memref<8x256xf32, #tpu.memory_space<hbm>>
    %dma_wait3A_28 = arith.constant 0 : i32
    %dma_wait3A_29 = arith.constant 0 : i32
    %dma_wait3A_30 = tpu.memref_slice %arg5[%dma_wait3A_28, %dma_wait3A_29] : memref<16x256xf32, #tpu.memory_space<vmem>> -> memref<8x256xf32, #tpu.memory_space<vmem>>
    %dma_wait3A_31 = arith.constant 0 : i32
    %dma_wait3A_32 = tpu.memref_slice %arg2[%mul3A_2, %dma_wait3A_31] : memref<256x256xf32, #tpu.memory_space<hbm>> -> memref<8x256xf32, #tpu.memory_space<hbm>>
    tpu.wait_dma2 semaphore(%arg12 : memref<!tpu.dma_semaphore, #tpu.memory_space<semaphore_mem>>) src(%dma_wait3A_32 : memref<8x256xf32, #tpu.memory_space<hbm>>) dst(%dma_wait3A_30 : memref<8x256xf32, #tpu.memory_space<vmem>>)
    %dma_wait3A_33 = arith.constant 8 : i32
    %dma_wait3A_34 = arith.constant 0 : i32
    %dma_wait3A_35 = tpu.memref_slice %arg5[%dma_wait3A_33, %dma_wait3A_34] : memref<16x256xf32, #tpu.memory_space<vmem>> -> memref<8x256xf32, #tpu.memory_space<vmem>>
    %dma_wait3A_36 = arith.constant 0 : i32
    %dma_wait3A_37 = tpu.memref_slice %arg3[%mul3A_4, %dma_wait3A_36] : memref<256x256xf32, #tpu.memory_space<hbm>> -> memref<8x256xf32, #tpu.memory_space<hbm>>
    %dma_wait3A_38 = arith.constant 8 : i32
    %dma_wait3A_39 = arith.constant 0 : i32
    %dma_wait3A_40 = tpu.memref_slice %arg5[%dma_wait3A_38, %dma_wait3A_39] : memref<16x256xf32, #tpu.memory_space<vmem>> -> memref<8x256xf32, #tpu.memory_space<vmem>>
    %dma_wait3A_41 = arith.constant 0 : i32
    %dma_wait3A_42 = tpu.memref_slice %arg3[%mul3A_4, %dma_wait3A_41] : memref<256x256xf32, #tpu.memory_space<hbm>> -> memref<8x256xf32, #tpu.memory_space<hbm>>
    tpu.wait_dma2 semaphore(%arg13 : memref<!tpu.dma_semaphore, #tpu.memory_space<semaphore_mem>>) src(%dma_wait3A_42 : memref<8x256xf32, #tpu.memory_space<hbm>>) dst(%dma_wait3A_40 : memref<8x256xf32, #tpu.memory_space<vmem>>)
    %parallel_loop3A = arith.constant 0 : i32
    %parallel_loop3A_43 = arith.constant 16 : i32
    %parallel_loop3A_44 = arith.constant 1 : i32
    scf.for %parallel_loop3A_168 = %parallel_loop3A to %parallel_loop3A_43 step %parallel_loop3A_44  : i32 {
      %parallel_loop3A_169 = arith.index_cast %parallel_loop3A_168 : i32 to index
      %parallel_loop3A_170 = arith.constant 0 : index
      %parallel_loop3A_171 = tpu.vector_load %arg5[%parallel_loop3A_169, %parallel_loop3A_170] {strides = array<i32>} : memref<16x256xf32, #tpu.memory_space<vmem>>, vector<16xf32>,
      %parallel_loop3A_172 = arith.index_cast %parallel_loop3A_168 : i32 to index
      %parallel_loop3A_173 = arith.constant 16 : index
      %parallel_loop3A_174 = tpu.vector_load %arg5[%parallel_loop3A_172, %parallel_loop3A_173] {strides = array<i32>} : memref<16x256xf32, #tpu.memory_space<vmem>>, vector<16xf32>,
      %parallel_loop3A_175 = arith.index_cast %parallel_loop3A_168 : i32 to index
      %parallel_loop3A_176 = arith.constant 32 : index
      %parallel_loop3A_177 = tpu.vector_load %arg5[%parallel_loop3A_175, %parallel_loop3A_176] {strides = array<i32>} : memref<16x256xf32, #tpu.memory_space<vmem>>, vector<16xf32>,
      %parallel_loop3A_178 = arith.index_cast %parallel_loop3A_168 : i32 to index
      %parallel_loop3A_179 = arith.constant 48 : index
      %parallel_loop3A_180 = tpu.vector_load %arg5[%parallel_loop3A_178, %parallel_loop3A_179] {strides = array<i32>} : memref<16x256xf32, #tpu.memory_space<vmem>>, vector<16xf32>,
      %parallel_loop3A_181 = arith.index_cast %parallel_loop3A_168 : i32 to index
      %parallel_loop3A_182 = arith.constant 64 : index
      %parallel_loop3A_183 = tpu.vector_load %arg5[%parallel_loop3A_181, %parallel_loop3A_182] {strides = array<i32>} : memref<16x256xf32, #tpu.memory_space<vmem>>, vector<16xf32>,
      %parallel_loop3A_184 = arith.index_cast %parallel_loop3A_168 : i32 to index
      %parallel_loop3A_185 = arith.constant 80 : index
      %parallel_loop3A_186 = tpu.vector_load %arg5[%parallel_loop3A_184, %parallel_loop3A_185] {strides = array<i32>} : memref<16x256xf32, #tpu.memory_space<vmem>>, vector<16xf32>,
      %parallel_loop3A_187 = arith.index_cast %parallel_loop3A_168 : i32 to index
      %parallel_loop3A_188 = arith.constant 96 : index
      %parallel_loop3A_189 = tpu.vector_load %arg5[%parallel_loop3A_187, %parallel_loop3A_188] {strides = array<i32>} : memref<16x256xf32, #tpu.memory_space<vmem>>, vector<16xf32>,
      %parallel_loop3A_190 = arith.index_cast %parallel_loop3A_168 : i32 to index
      %parallel_loop3A_191 = arith.constant 112 : index
      %parallel_loop3A_192 = tpu.vector_load %arg5[%parallel_loop3A_190, %parallel_loop3A_191] {strides = array<i32>} : memref<16x256xf32, #tpu.memory_space<vmem>>, vector<16xf32>,
      %parallel_loop3A_193 = arith.index_cast %parallel_loop3A_168 : i32 to index
      %parallel_loop3A_194 = arith.constant 128 : index
      %parallel_loop3A_195 = tpu.vector_load %arg5[%parallel_loop3A_193, %parallel_loop3A_194] {strides = array<i32>} : memref<16x256xf32, #tpu.memory_space<vmem>>, vector<16xf32>,
      %parallel_loop3A_196 = arith.index_cast %parallel_loop3A_168 : i32 to index
      %parallel_loop3A_197 = arith.constant 144 : index
      %parallel_loop3A_198 = tpu.vector_load %arg5[%parallel_loop3A_196, %parallel_loop3A_197] {strides = array<i32>} : memref<16x256xf32, #tpu.memory_space<vmem>>, vector<16xf32>,
      %parallel_loop3A_199 = arith.index_cast %parallel_loop3A_168 : i32 to index
      %parallel_loop3A_200 = arith.constant 160 : index
      %parallel_loop3A_201 = tpu.vector_load %arg5[%parallel_loop3A_199, %parallel_loop3A_200] {strides = array<i32>} : memref<16x256xf32, #tpu.memory_space<vmem>>, vector<16xf32>,
      %parallel_loop3A_202 = arith.index_cast %parallel_loop3A_168 : i32 to index
      %parallel_loop3A_203 = arith.constant 176 : index
      %parallel_loop3A_204 = tpu.vector_load %arg5[%parallel_loop3A_202, %parallel_loop3A_203] {strides = array<i32>} : memref<16x256xf32, #tpu.memory_space<vmem>>, vector<16xf32>,
      %parallel_loop3A_205 = arith.index_cast %parallel_loop3A_168 : i32 to index
      %parallel_loop3A_206 = arith.constant 192 : index
      %parallel_loop3A_207 = tpu.vector_load %arg5[%parallel_loop3A_205, %parallel_loop3A_206] {strides = array<i32>} : memref<16x256xf32, #tpu.memory_space<vmem>>, vector<16xf32>,
      %parallel_loop3A_208 = arith.index_cast %parallel_loop3A_168 : i32 to index
      %parallel_loop3A_209 = arith.constant 208 : index
      %parallel_loop3A_210 = tpu.vector_load %arg5[%parallel_loop3A_208, %parallel_loop3A_209] {strides = array<i32>} : memref<16x256xf32, #tpu.memory_space<vmem>>, vector<16xf32>,
      %parallel_loop3A_211 = arith.index_cast %parallel_loop3A_168 : i32 to index
      %parallel_loop3A_212 = arith.constant 224 : index
      %parallel_loop3A_213 = tpu.vector_load %arg5[%parallel_loop3A_211, %parallel_loop3A_212] {strides = array<i32>} : memref<16x256xf32, #tpu.memory_space<vmem>>, vector<16xf32>,
      %parallel_loop3A_214 = arith.index_cast %parallel_loop3A_168 : i32 to index
      %parallel_loop3A_215 = arith.constant 240 : index
      %parallel_loop3A_216 = tpu.vector_load %arg5[%parallel_loop3A_214, %parallel_loop3A_215] {strides = array<i32>} : memref<16x256xf32, #tpu.memory_space<vmem>>, vector<16xf32>,
      %parallel_loop3A_217 = arith.constant 0 : i32
      %parallel_loop3A_218 = vector.broadcast %parallel_loop3A_217 : i32 to vector<16xi32>
      %parallel_loop3A_219 = arith.addi %iota3A, %parallel_loop3A_218 : vector<16xi32>
      %parallel_loop3A_220 = arith.constant 16 : i32
      %parallel_loop3A_221 = vector.broadcast %parallel_loop3A_220 : i32 to vector<16xi32>
      %parallel_loop3A_222 = arith.addi %iota3A, %parallel_loop3A_221 : vector<16xi32>
      %parallel_loop3A_223 = arith.constant 32 : i32
      %parallel_loop3A_224 = vector.broadcast %parallel_loop3A_223 : i32 to vector<16xi32>
      %parallel_loop3A_225 = arith.addi %iota3A, %parallel_loop3A_224 : vector<16xi32>
      %parallel_loop3A_226 = arith.constant 48 : i32
      %parallel_loop3A_227 = vector.broadcast %parallel_loop3A_226 : i32 to vector<16xi32>
      %parallel_loop3A_228 = arith.addi %iota3A, %parallel_loop3A_227 : vector<16xi32>
      %parallel_loop3A_229 = arith.constant 64 : i32
      %parallel_loop3A_230 = vector.broadcast %parallel_loop3A_229 : i32 to vector<16xi32>
      %parallel_loop3A_231 = arith.addi %iota3A, %parallel_loop3A_230 : vector<16xi32>
      %parallel_loop3A_232 = arith.constant 80 : i32
      %parallel_loop3A_233 = vector.broadcast %parallel_loop3A_232 : i32 to vector<16xi32>
      %parallel_loop3A_234 = arith.addi %iota3A, %parallel_loop3A_233 : vector<16xi32>
      %parallel_loop3A_235 = arith.constant 96 : i32
      %parallel_loop3A_236 = vector.broadcast %parallel_loop3A_235 : i32 to vector<16xi32>
      %parallel_loop3A_237 = arith.addi %iota3A, %parallel_loop3A_236 : vector<16xi32>
      %parallel_loop3A_238 = arith.constant 112 : i32
      %parallel_loop3A_239 = vector.broadcast %parallel_loop3A_238 : i32 to vector<16xi32>
      %parallel_loop3A_240 = arith.addi %iota3A, %parallel_loop3A_239 : vector<16xi32>
      %parallel_loop3A_241 = arith.constant 128 : i32
      %parallel_loop3A_242 = vector.broadcast %parallel_loop3A_241 : i32 to vector<16xi32>
      %parallel_loop3A_243 = arith.addi %iota3A, %parallel_loop3A_242 : vector<16xi32>
      %parallel_loop3A_244 = arith.constant 144 : i32
      %parallel_loop3A_245 = vector.broadcast %parallel_loop3A_244 : i32 to vector<16xi32>
      %parallel_loop3A_246 = arith.addi %iota3A, %parallel_loop3A_245 : vector<16xi32>
      %parallel_loop3A_247 = arith.constant 160 : i32
      %parallel_loop3A_248 = vector.broadcast %parallel_loop3A_247 : i32 to vector<16xi32>
      %parallel_loop3A_249 = arith.addi %iota3A, %parallel_loop3A_248 : vector<16xi32>
      %parallel_loop3A_250 = arith.constant 176 : i32
      %parallel_loop3A_251 = vector.broadcast %parallel_loop3A_250 : i32 to vector<16xi32>
      %parallel_loop3A_252 = arith.addi %iota3A, %parallel_loop3A_251 : vector<16xi32>
      %parallel_loop3A_253 = arith.constant 192 : i32
      %parallel_loop3A_254 = vector.broadcast %parallel_loop3A_253 : i32 to vector<16xi32>
      %parallel_loop3A_255 = arith.addi %iota3A, %parallel_loop3A_254 : vector<16xi32>
      %parallel_loop3A_256 = arith.constant 208 : i32
      %parallel_loop3A_257 = vector.broadcast %parallel_loop3A_256 : i32 to vector<16xi32>
      %parallel_loop3A_258 = arith.addi %iota3A, %parallel_loop3A_257 : vector<16xi32>
      %parallel_loop3A_259 = arith.constant 224 : i32
      %parallel_loop3A_260 = vector.broadcast %parallel_loop3A_259 : i32 to vector<16xi32>
      %parallel_loop3A_261 = arith.addi %iota3A, %parallel_loop3A_260 : vector<16xi32>
      %parallel_loop3A_262 = arith.constant 240 : i32
      %parallel_loop3A_263 = vector.broadcast %parallel_loop3A_262 : i32 to vector<16xi32>
      %parallel_loop3A_264 = arith.addi %iota3A, %parallel_loop3A_263 : vector<16xi32>
      %parallel_loop3A_265 = arith.constant dense<true> : vector<16xi1>
      %parallel_loop3A_266, %parallel_loop3A_267, %parallel_loop3A_268 = tpu.sort %parallel_loop3A_171, %parallel_loop3A_219 masked %parallel_loop3A_265 {descending = true} : (vector<16xf32>, vector<16xi32>, vector<16xi1>) -> (vector<16xi1>, vector<16xf32>, vector<16xi32>)
      %parallel_loop3A_269 = arith.constant dense<true> : vector<16xi1>
      %parallel_loop3A_270, %parallel_loop3A_271, %parallel_loop3A_272 = tpu.sort %parallel_loop3A_174, %parallel_loop3A_222 masked %parallel_loop3A_269 : (vector<16xf32>, vector<16xi32>, vector<16xi1>) -> (vector<16xi1>, vector<16xf32>, vector<16xi32>)
      %parallel_loop3A_273 = arith.constant dense<true> : vector<16xi1>
      %parallel_loop3A_274, %parallel_loop3A_275, %parallel_loop3A_276 = tpu.sort %parallel_loop3A_177, %parallel_loop3A_225 masked %parallel_loop3A_273 {descending = true} : (vector<16xf32>, vector<16xi32>, vector<16xi1>) -> (vector<16xi1>, vector<16xf32>, vector<16xi32>)
      %parallel_loop3A_277 = arith.constant dense<true> : vector<16xi1>
      %parallel_loop3A_278, %parallel_loop3A_279, %parallel_loop3A_280 = tpu.sort %parallel_loop3A_180, %parallel_loop3A_228 masked %parallel_loop3A_277 : (vector<16xf32>, vector<16xi32>, vector<16xi1>) -> (vector<16xi1>, vector<16xf32>, vector<16xi32>)
      %parallel_loop3A_281 = arith.constant dense<true> : vector<16xi1>
      %parallel_loop3A_282, %parallel_loop3A_283, %parallel_loop3A_284 = tpu.sort %parallel_loop3A_183, %parallel_loop3A_231 masked %parallel_loop3A_281 {descending = true} : (vector<16xf32>, vector<16xi32>, vector<16xi1>) -> (vector<16xi1>, vector<16xf32>, vector<16xi32>)
      %parallel_loop3A_285 = arith.constant dense<true> : vector<16xi1>
      %parallel_loop3A_286, %parallel_loop3A_287, %parallel_loop3A_288 = tpu.sort %parallel_loop3A_186, %parallel_loop3A_234 masked %parallel_loop3A_285 : (vector<16xf32>, vector<16xi32>, vector<16xi1>) -> (vector<16xi1>, vector<16xf32>, vector<16xi32>)
      %parallel_loop3A_289 = arith.constant dense<true> : vector<16xi1>
      %parallel_loop3A_290, %parallel_loop3A_291, %parallel_loop3A_292 = tpu.sort %parallel_loop3A_189, %parallel_loop3A_237 masked %parallel_loop3A_289 {descending = true} : (vector<16xf32>, vector<16xi32>, vector<16xi1>) -> (vector<16xi1>, vector<16xf32>, vector<16xi32>)
      %parallel_loop3A_293 = arith.constant dense<true> : vector<16xi1>
      %parallel_loop3A_294, %parallel_loop3A_295, %parallel_loop3A_296 = tpu.sort %parallel_loop3A_192, %parallel_loop3A_240 masked %parallel_loop3A_293 : (vector<16xf32>, vector<16xi32>, vector<16xi1>) -> (vector<16xi1>, vector<16xf32>, vector<16xi32>)
      %parallel_loop3A_297 = arith.constant dense<true> : vector<16xi1>
      %parallel_loop3A_298, %parallel_loop3A_299, %parallel_loop3A_300 = tpu.sort %parallel_loop3A_195, %parallel_loop3A_243 masked %parallel_loop3A_297 {descending = true} : (vector<16xf32>, vector<16xi32>, vector<16xi1>) -> (vector<16xi1>, vector<16xf32>, vector<16xi32>)
      %parallel_loop3A_301 = arith.constant dense<true> : vector<16xi1>
      %parallel_loop3A_302, %parallel_loop3A_303, %parallel_loop3A_304 = tpu.sort %parallel_loop3A_198, %parallel_loop3A_246 masked %parallel_loop3A_301 : (vector<16xf32>, vector<16xi32>, vector<16xi1>) -> (vector<16xi1>, vector<16xf32>, vector<16xi32>)
      %parallel_loop3A_305 = arith.constant dense<true> : vector<16xi1>
      %parallel_loop3A_306, %parallel_loop3A_307, %parallel_loop3A_308 = tpu.sort %parallel_loop3A_201, %parallel_loop3A_249 masked %parallel_loop3A_305 {descending = true} : (vector<16xf32>, vector<16xi32>, vector<16xi1>) -> (vector<16xi1>, vector<16xf32>, vector<16xi32>)
      %parallel_loop3A_309 = arith.constant dense<true> : vector<16xi1>
      %parallel_loop3A_310, %parallel_loop3A_311, %parallel_loop3A_312 = tpu.sort %parallel_loop3A_204, %parallel_loop3A_252 masked %parallel_loop3A_309 : (vector<16xf32>, vector<16xi32>, vector<16xi1>) -> (vector<16xi1>, vector<16xf32>, vector<16xi32>)
      %parallel_loop3A_313 = arith.constant dense<true> : vector<16xi1>
      %parallel_loop3A_314, %parallel_loop3A_315, %parallel_loop3A_316 = tpu.sort %parallel_loop3A_207, %parallel_loop3A_255 masked %parallel_loop3A_313 {descending = true} : (vector<16xf32>, vector<16xi32>, vector<16xi1>) -> (vector<16xi1>, vector<16xf32>, vector<16xi32>)
      %parallel_loop3A_317 = arith.constant dense<true> : vector<16xi1>
      %parallel_loop3A_318, %parallel_loop3A_319, %parallel_loop3A_320 = tpu.sort %parallel_loop3A_210, %parallel_loop3A_258 masked %parallel_loop3A_317 : (vector<16xf32>, vector<16xi32>, vector<16xi1>) -> (vector<16xi1>, vector<16xf32>, vector<16xi32>)
      %parallel_loop3A_321 = arith.constant dense<true> : vector<16xi1>
      %parallel_loop3A_322, %parallel_loop3A_323, %parallel_loop3A_324 = tpu.sort %parallel_loop3A_213, %parallel_loop3A_261 masked %parallel_loop3A_321 {descending = true} : (vector<16xf32>, vector<16xi32>, vector<16xi1>) -> (vector<16xi1>, vector<16xf32>, vector<16xi32>)
      %parallel_loop3A_325 = arith.constant dense<true> : vector<16xi1>
      %parallel_loop3A_326, %parallel_loop3A_327, %parallel_loop3A_328 = tpu.sort %parallel_loop3A_216, %parallel_loop3A_264 masked %parallel_loop3A_325 : (vector<16xf32>, vector<16xi32>, vector<16xi1>) -> (vector<16xi1>, vector<16xf32>, vector<16xi32>)
      %parallel_loop3A_329 = arith.cmpf oge, %parallel_loop3A_267, %parallel_loop3A_271 : vector<16xf32>
      %parallel_loop3A_330 = arith.maximumf %parallel_loop3A_267, %parallel_loop3A_271 : vector<16xf32>
      %parallel_loop3A_331 = arith.minimumf %parallel_loop3A_267, %parallel_loop3A_271 : vector<16xf32>
      %parallel_loop3A_332 = arith.select %parallel_loop3A_329, %parallel_loop3A_268, %parallel_loop3A_272 : vector<16xi1>, vector<16xi32>
      %parallel_loop3A_333 = arith.select %parallel_loop3A_329, %parallel_loop3A_272, %parallel_loop3A_268 : vector<16xi1>, vector<16xi32>
      %parallel_loop3A_334 = arith.constant dense<true> : vector<16xi1>
      %parallel_loop3A_335, %parallel_loop3A_336, %parallel_loop3A_337 = tpu.sort %parallel_loop3A_330, %parallel_loop3A_332 masked %parallel_loop3A_334 {descending = true} : (vector<16xf32>, vector<16xi32>, vector<16xi1>) -> (vector<16xi1>, vector<16xf32>, vector<16xi32>)
      %parallel_loop3A_338 = arith.constant dense<true> : vector<16xi1>
      %parallel_loop3A_339, %parallel_loop3A_340, %parallel_loop3A_341 = tpu.sort %parallel_loop3A_331, %parallel_loop3A_333 masked %parallel_loop3A_338 {descending = true} : (vector<16xf32>, vector<16xi32>, vector<16xi1>) -> (vector<16xi1>, vector<16xf32>, vector<16xi32>)
      %parallel_loop3A_342 = arith.cmpf ole, %parallel_loop3A_275, %parallel_loop3A_279 : vector<16xf32>
      %parallel_loop3A_343 = arith.minimumf %parallel_loop3A_275, %parallel_loop3A_279 : vector<16xf32>
      %parallel_loop3A_344 = arith.maximumf %parallel_loop3A_275, %parallel_loop3A_279 : vector<16xf32>
      %parallel_loop3A_345 = arith.select %parallel_loop3A_342, %parallel_loop3A_276, %parallel_loop3A_280 : vector<16xi1>, vector<16xi32>
      %parallel_loop3A_346 = arith.select %parallel_loop3A_342, %parallel_loop3A_280, %parallel_loop3A_276 : vector<16xi1>, vector<16xi32>
      %parallel_loop3A_347 = arith.constant dense<true> : vector<16xi1>
      %parallel_loop3A_348, %parallel_loop3A_349, %parallel_loop3A_350 = tpu.sort %parallel_loop3A_343, %parallel_loop3A_345 masked %parallel_loop3A_347 : (vector<16xf32>, vector<16xi32>, vector<16xi1>) -> (vector<16xi1>, vector<16xf32>, vector<16xi32>)
      %parallel_loop3A_351 = arith.constant dense<true> : vector<16xi1>
      %parallel_loop3A_352, %parallel_loop3A_353, %parallel_loop3A_354 = tpu.sort %parallel_loop3A_344, %parallel_loop3A_346 masked %parallel_loop3A_351 : (vector<16xf32>, vector<16xi32>, vector<16xi1>) -> (vector<16xi1>, vector<16xf32>, vector<16xi32>)
      %parallel_loop3A_355 = arith.cmpf oge, %parallel_loop3A_283, %parallel_loop3A_287 : vector<16xf32>
      %parallel_loop3A_356 = arith.maximumf %parallel_loop3A_283, %parallel_loop3A_287 : vector<16xf32>
      %parallel_loop3A_357 = arith.minimumf %parallel_loop3A_283, %parallel_loop3A_287 : vector<16xf32>
      %parallel_loop3A_358 = arith.select %parallel_loop3A_355, %parallel_loop3A_284, %parallel_loop3A_288 : vector<16xi1>, vector<16xi32>
      %parallel_loop3A_359 = arith.select %parallel_loop3A_355, %parallel_loop3A_288, %parallel_loop3A_284 : vector<16xi1>, vector<16xi32>
      %parallel_loop3A_360 = arith.constant dense<true> : vector<16xi1>
      %parallel_loop3A_361, %parallel_loop3A_362, %parallel_loop3A_363 = tpu.sort %parallel_loop3A_356, %parallel_loop3A_358 masked %parallel_loop3A_360 {descending = true} : (vector<16xf32>, vector<16xi32>, vector<16xi1>) -> (vector<16xi1>, vector<16xf32>, vector<16xi32>)
      %parallel_loop3A_364 = arith.constant dense<true> : vector<16xi1>
      %parallel_loop3A_365, %parallel_loop3A_366, %parallel_loop3A_367 = tpu.sort %parallel_loop3A_357, %parallel_loop3A_359 masked %parallel_loop3A_364 {descending = true} : (vector<16xf32>, vector<16xi32>, vector<16xi1>) -> (vector<16xi1>, vector<16xf32>, vector<16xi32>)
      %parallel_loop3A_368 = arith.cmpf ole, %parallel_loop3A_291, %parallel_loop3A_295 : vector<16xf32>
      %parallel_loop3A_369 = arith.minimumf %parallel_loop3A_291, %parallel_loop3A_295 : vector<16xf32>
      %parallel_loop3A_370 = arith.maximumf %parallel_loop3A_291, %parallel_loop3A_295 : vector<16xf32>
      %parallel_loop3A_371 = arith.select %parallel_loop3A_368, %parallel_loop3A_292, %parallel_loop3A_296 : vector<16xi1>, vector<16xi32>
      %parallel_loop3A_372 = arith.select %parallel_loop3A_368, %parallel_loop3A_296, %parallel_loop3A_292 : vector<16xi1>, vector<16xi32>
      %parallel_loop3A_373 = arith.constant dense<true> : vector<16xi1>
      %parallel_loop3A_374, %parallel_loop3A_375, %parallel_loop3A_376 = tpu.sort %parallel_loop3A_369, %parallel_loop3A_371 masked %parallel_loop3A_373 : (vector<16xf32>, vector<16xi32>, vector<16xi1>) -> (vector<16xi1>, vector<16xf32>, vector<16xi32>)
      %parallel_loop3A_377 = arith.constant dense<true> : vector<16xi1>
      %parallel_loop3A_378, %parallel_loop3A_379, %parallel_loop3A_380 = tpu.sort %parallel_loop3A_370, %parallel_loop3A_372 masked %parallel_loop3A_377 : (vector<16xf32>, vector<16xi32>, vector<16xi1>) -> (vector<16xi1>, vector<16xf32>, vector<16xi32>)
      %parallel_loop3A_381 = arith.cmpf oge, %parallel_loop3A_299, %parallel_loop3A_303 : vector<16xf32>
      %parallel_loop3A_382 = arith.maximumf %parallel_loop3A_299, %parallel_loop3A_303 : vector<16xf32>
      %parallel_loop3A_383 = arith.minimumf %parallel_loop3A_299, %parallel_loop3A_303 : vector<16xf32>
      %parallel_loop3A_384 = arith.select %parallel_loop3A_381, %parallel_loop3A_300, %parallel_loop3A_304 : vector<16xi1>, vector<16xi32>
      %parallel_loop3A_385 = arith.select %parallel_loop3A_381, %parallel_loop3A_304, %parallel_loop3A_300 : vector<16xi1>, vector<16xi32>
      %parallel_loop3A_386 = arith.constant dense<true> : vector<16xi1>
      %parallel_loop3A_387, %parallel_loop3A_388, %parallel_loop3A_389 = tpu.sort %parallel_loop3A_382, %parallel_loop3A_384 masked %parallel_loop3A_386 {descending = true} : (vector<16xf32>, vector<16xi32>, vector<16xi1>) -> (vector<16xi1>, vector<16xf32>, vector<16xi32>)
      %parallel_loop3A_390 = arith.constant dense<true> : vector<16xi1>
      %parallel_loop3A_391, %parallel_loop3A_392, %parallel_loop3A_393 = tpu.sort %parallel_loop3A_383, %parallel_loop3A_385 masked %parallel_loop3A_390 {descending = true} : (vector<16xf32>, vector<16xi32>, vector<16xi1>) -> (vector<16xi1>, vector<16xf32>, vector<16xi32>)
      %parallel_loop3A_394 = arith.cmpf ole, %parallel_loop3A_307, %parallel_loop3A_311 : vector<16xf32>
      %parallel_loop3A_395 = arith.minimumf %parallel_loop3A_307, %parallel_loop3A_311 : vector<16xf32>
      %parallel_loop3A_396 = arith.maximumf %parallel_loop3A_307, %parallel_loop3A_311 : vector<16xf32>
      %parallel_loop3A_397 = arith.select %parallel_loop3A_394, %parallel_loop3A_308, %parallel_loop3A_312 : vector<16xi1>, vector<16xi32>
      %parallel_loop3A_398 = arith.select %parallel_loop3A_394, %parallel_loop3A_312, %parallel_loop3A_308 : vector<16xi1>, vector<16xi32>
      %parallel_loop3A_399 = arith.constant dense<true> : vector<16xi1>
      %parallel_loop3A_400, %parallel_loop3A_401, %parallel_loop3A_402 = tpu.sort %parallel_loop3A_395, %parallel_loop3A_397 masked %parallel_loop3A_399 : (vector<16xf32>, vector<16xi32>, vector<16xi1>) -> (vector<16xi1>, vector<16xf32>, vector<16xi32>)
      %parallel_loop3A_403 = arith.constant dense<true> : vector<16xi1>
      %parallel_loop3A_404, %parallel_loop3A_405, %parallel_loop3A_406 = tpu.sort %parallel_loop3A_396, %parallel_loop3A_398 masked %parallel_loop3A_403 : (vector<16xf32>, vector<16xi32>, vector<16xi1>) -> (vector<16xi1>, vector<16xf32>, vector<16xi32>)
      %parallel_loop3A_407 = arith.cmpf oge, %parallel_loop3A_315, %parallel_loop3A_319 : vector<16xf32>
      %parallel_loop3A_408 = arith.maximumf %parallel_loop3A_315, %parallel_loop3A_319 : vector<16xf32>
      %parallel_loop3A_409 = arith.minimumf %parallel_loop3A_315, %parallel_loop3A_319 : vector<16xf32>
      %parallel_loop3A_410 = arith.select %parallel_loop3A_407, %parallel_loop3A_316, %parallel_loop3A_320 : vector<16xi1>, vector<16xi32>
      %parallel_loop3A_411 = arith.select %parallel_loop3A_407, %parallel_loop3A_320, %parallel_loop3A_316 : vector<16xi1>, vector<16xi32>
      %parallel_loop3A_412 = arith.constant dense<true> : vector<16xi1>
      %parallel_loop3A_413, %parallel_loop3A_414, %parallel_loop3A_415 = tpu.sort %parallel_loop3A_408, %parallel_loop3A_410 masked %parallel_loop3A_412 {descending = true} : (vector<16xf32>, vector<16xi32>, vector<16xi1>) -> (vector<16xi1>, vector<16xf32>, vector<16xi32>)
      %parallel_loop3A_416 = arith.constant dense<true> : vector<16xi1>
      %parallel_loop3A_417, %parallel_loop3A_418, %parallel_loop3A_419 = tpu.sort %parallel_loop3A_409, %parallel_loop3A_411 masked %parallel_loop3A_416 {descending = true} : (vector<16xf32>, vector<16xi32>, vector<16xi1>) -> (vector<16xi1>, vector<16xf32>, vector<16xi32>)
      %parallel_loop3A_420 = arith.cmpf ole, %parallel_loop3A_323, %parallel_loop3A_327 : vector<16xf32>
      %parallel_loop3A_421 = arith.minimumf %parallel_loop3A_323, %parallel_loop3A_327 : vector<16xf32>
      %parallel_loop3A_422 = arith.maximumf %parallel_loop3A_323, %parallel_loop3A_327 : vector<16xf32>
      %parallel_loop3A_423 = arith.select %parallel_loop3A_420, %parallel_loop3A_324, %parallel_loop3A_328 : vector<16xi1>, vector<16xi32>
      %parallel_loop3A_424 = arith.select %parallel_loop3A_420, %parallel_loop3A_328, %parallel_loop3A_324 : vector<16xi1>, vector<16xi32>
      %parallel_loop3A_425 = arith.constant dense<true> : vector<16xi1>
      %parallel_loop3A_426, %parallel_loop3A_427, %parallel_loop3A_428 = tpu.sort %parallel_loop3A_421, %parallel_loop3A_423 masked %parallel_loop3A_425 : (vector<16xf32>, vector<16xi32>, vector<16xi1>) -> (vector<16xi1>, vector<16xf32>, vector<16xi32>)
      %parallel_loop3A_429 = arith.constant dense<true> : vector<16xi1>
      %parallel_loop3A_430, %parallel_loop3A_431, %parallel_loop3A_432 = tpu.sort %parallel_loop3A_422, %parallel_loop3A_424 masked %parallel_loop3A_429 : (vector<16xf32>, vector<16xi32>, vector<16xi1>) -> (vector<16xi1>, vector<16xf32>, vector<16xi32>)
      %parallel_loop3A_433 = arith.cmpf oge, %parallel_loop3A_336, %parallel_loop3A_349 : vector<16xf32>
      %parallel_loop3A_434 = arith.maximumf %parallel_loop3A_336, %parallel_loop3A_349 : vector<16xf32>
      %parallel_loop3A_435 = arith.minimumf %parallel_loop3A_336, %parallel_loop3A_349 : vector<16xf32>
      %parallel_loop3A_436 = arith.select %parallel_loop3A_433, %parallel_loop3A_337, %parallel_loop3A_350 : vector<16xi1>, vector<16xi32>
      %parallel_loop3A_437 = arith.select %parallel_loop3A_433, %parallel_loop3A_350, %parallel_loop3A_337 : vector<16xi1>, vector<16xi32>
      %parallel_loop3A_438 = arith.cmpf oge, %parallel_loop3A_340, %parallel_loop3A_353 : vector<16xf32>
      %parallel_loop3A_439 = arith.maximumf %parallel_loop3A_340, %parallel_loop3A_353 : vector<16xf32>
      %parallel_loop3A_440 = arith.minimumf %parallel_loop3A_340, %parallel_loop3A_353 : vector<16xf32>
      %parallel_loop3A_441 = arith.select %parallel_loop3A_438, %parallel_loop3A_341, %parallel_loop3A_354 : vector<16xi1>, vector<16xi32>
      %parallel_loop3A_442 = arith.select %parallel_loop3A_438, %parallel_loop3A_354, %parallel_loop3A_341 : vector<16xi1>, vector<16xi32>
      %parallel_loop3A_443 = arith.cmpf oge, %parallel_loop3A_434, %parallel_loop3A_439 : vector<16xf32>
      %parallel_loop3A_444 = arith.maximumf %parallel_loop3A_434, %parallel_loop3A_439 : vector<16xf32>
      %parallel_loop3A_445 = arith.minimumf %parallel_loop3A_434, %parallel_loop3A_439 : vector<16xf32>
      %parallel_loop3A_446 = arith.select %parallel_loop3A_443, %parallel_loop3A_436, %parallel_loop3A_441 : vector<16xi1>, vector<16xi32>
      %parallel_loop3A_447 = arith.select %parallel_loop3A_443, %parallel_loop3A_441, %parallel_loop3A_436 : vector<16xi1>, vector<16xi32>
      %parallel_loop3A_448 = arith.cmpf oge, %parallel_loop3A_435, %parallel_loop3A_440 : vector<16xf32>
      %parallel_loop3A_449 = arith.maximumf %parallel_loop3A_435, %parallel_loop3A_440 : vector<16xf32>
      %parallel_loop3A_450 = arith.minimumf %parallel_loop3A_435, %parallel_loop3A_440 : vector<16xf32>
      %parallel_loop3A_451 = arith.select %parallel_loop3A_448, %parallel_loop3A_437, %parallel_loop3A_442 : vector<16xi1>, vector<16xi32>
      %parallel_loop3A_452 = arith.select %parallel_loop3A_448, %parallel_loop3A_442, %parallel_loop3A_437 : vector<16xi1>, vector<16xi32>
      %parallel_loop3A_453 = arith.constant dense<true> : vector<16xi1>
      %parallel_loop3A_454, %parallel_loop3A_455, %parallel_loop3A_456 = tpu.sort %parallel_loop3A_444, %parallel_loop3A_446 masked %parallel_loop3A_453 {descending = true} : (vector<16xf32>, vector<16xi32>, vector<16xi1>) -> (vector<16xi1>, vector<16xf32>, vector<16xi32>)
      %parallel_loop3A_457 = arith.constant dense<true> : vector<16xi1>
      %parallel_loop3A_458, %parallel_loop3A_459, %parallel_loop3A_460 = tpu.sort %parallel_loop3A_445, %parallel_loop3A_447 masked %parallel_loop3A_457 {descending = true} : (vector<16xf32>, vector<16xi32>, vector<16xi1>) -> (vector<16xi1>, vector<16xf32>, vector<16xi32>)
      %parallel_loop3A_461 = arith.constant dense<true> : vector<16xi1>
      %parallel_loop3A_462, %parallel_loop3A_463, %parallel_loop3A_464 = tpu.sort %parallel_loop3A_449, %parallel_loop3A_451 masked %parallel_loop3A_461 {descending = true} : (vector<16xf32>, vector<16xi32>, vector<16xi1>) -> (vector<16xi1>, vector<16xf32>, vector<16xi32>)
      %parallel_loop3A_465 = arith.constant dense<true> : vector<16xi1>
      %parallel_loop3A_466, %parallel_loop3A_467, %parallel_loop3A_468 = tpu.sort %parallel_loop3A_450, %parallel_loop3A_452 masked %parallel_loop3A_465 {descending = true} : (vector<16xf32>, vector<16xi32>, vector<16xi1>) -> (vector<16xi1>, vector<16xf32>, vector<16xi32>)
      %parallel_loop3A_469 = arith.cmpf ole, %parallel_loop3A_362, %parallel_loop3A_375 : vector<16xf32>
      %parallel_loop3A_470 = arith.minimumf %parallel_loop3A_362, %parallel_loop3A_375 : vector<16xf32>
      %parallel_loop3A_471 = arith.maximumf %parallel_loop3A_362, %parallel_loop3A_375 : vector<16xf32>
      %parallel_loop3A_472 = arith.select %parallel_loop3A_469, %parallel_loop3A_363, %parallel_loop3A_376 : vector<16xi1>, vector<16xi32>
      %parallel_loop3A_473 = arith.select %parallel_loop3A_469, %parallel_loop3A_376, %parallel_loop3A_363 : vector<16xi1>, vector<16xi32>
      %parallel_loop3A_474 = arith.cmpf ole, %parallel_loop3A_366, %parallel_loop3A_379 : vector<16xf32>
      %parallel_loop3A_475 = arith.minimumf %parallel_loop3A_366, %parallel_loop3A_379 : vector<16xf32>
      %parallel_loop3A_476 = arith.maximumf %parallel_loop3A_366, %parallel_loop3A_379 : vector<16xf32>
      %parallel_loop3A_477 = arith.select %parallel_loop3A_474, %parallel_loop3A_367, %parallel_loop3A_380 : vector<16xi1>, vector<16xi32>
      %parallel_loop3A_478 = arith.select %parallel_loop3A_474, %parallel_loop3A_380, %parallel_loop3A_367 : vector<16xi1>, vector<16xi32>
      %parallel_loop3A_479 = arith.cmpf ole, %parallel_loop3A_470, %parallel_loop3A_475 : vector<16xf32>
      %parallel_loop3A_480 = arith.minimumf %parallel_loop3A_470, %parallel_loop3A_475 : vector<16xf32>
      %parallel_loop3A_481 = arith.maximumf %parallel_loop3A_470, %parallel_loop3A_475 : vector<16xf32>
      %parallel_loop3A_482 = arith.select %parallel_loop3A_479, %parallel_loop3A_472, %parallel_loop3A_477 : vector<16xi1>, vector<16xi32>
      %parallel_loop3A_483 = arith.select %parallel_loop3A_479, %parallel_loop3A_477, %parallel_loop3A_472 : vector<16xi1>, vector<16xi32>
      %parallel_loop3A_484 = arith.cmpf ole, %parallel_loop3A_471, %parallel_loop3A_476 : vector<16xf32>
      %parallel_loop3A_485 = arith.minimumf %parallel_loop3A_471, %parallel_loop3A_476 : vector<16xf32>
      %parallel_loop3A_486 = arith.maximumf %parallel_loop3A_471, %parallel_loop3A_476 : vector<16xf32>
      %parallel_loop3A_487 = arith.select %parallel_loop3A_484, %parallel_loop3A_473, %parallel_loop3A_478 : vector<16xi1>, vector<16xi32>
      %parallel_loop3A_488 = arith.select %parallel_loop3A_484, %parallel_loop3A_478, %parallel_loop3A_473 : vector<16xi1>, vector<16xi32>
      %parallel_loop3A_489 = arith.constant dense<true> : vector<16xi1>
      %parallel_loop3A_490, %parallel_loop3A_491, %parallel_loop3A_492 = tpu.sort %parallel_loop3A_480, %parallel_loop3A_482 masked %parallel_loop3A_489 : (vector<16xf32>, vector<16xi32>, vector<16xi1>) -> (vector<16xi1>, vector<16xf32>, vector<16xi32>)
      %parallel_loop3A_493 = arith.constant dense<true> : vector<16xi1>
      %parallel_loop3A_494, %parallel_loop3A_495, %parallel_loop3A_496 = tpu.sort %parallel_loop3A_481, %parallel_loop3A_483 masked %parallel_loop3A_493 : (vector<16xf32>, vector<16xi32>, vector<16xi1>) -> (vector<16xi1>, vector<16xf32>, vector<16xi32>)
      %parallel_loop3A_497 = arith.constant dense<true> : vector<16xi1>
      %parallel_loop3A_498, %parallel_loop3A_499, %parallel_loop3A_500 = tpu.sort %parallel_loop3A_485, %parallel_loop3A_487 masked %parallel_loop3A_497 : (vector<16xf32>, vector<16xi32>, vector<16xi1>) -> (vector<16xi1>, vector<16xf32>, vector<16xi32>)
      %parallel_loop3A_501 = arith.constant dense<true> : vector<16xi1>
      %parallel_loop3A_502, %parallel_loop3A_503, %parallel_loop3A_504 = tpu.sort %parallel_loop3A_486, %parallel_loop3A_488 masked %parallel_loop3A_501 : (vector<16xf32>, vector<16xi32>, vector<16xi1>) -> (vector<16xi1>, vector<16xf32>, vector<16xi32>)
      %parallel_loop3A_505 = arith.cmpf oge, %parallel_loop3A_388, %parallel_loop3A_401 : vector<16xf32>
      %parallel_loop3A_506 = arith.maximumf %parallel_loop3A_388, %parallel_loop3A_401 : vector<16xf32>
      %parallel_loop3A_507 = arith.minimumf %parallel_loop3A_388, %parallel_loop3A_401 : vector<16xf32>
      %parallel_loop3A_508 = arith.select %parallel_loop3A_505, %parallel_loop3A_389, %parallel_loop3A_402 : vector<16xi1>, vector<16xi32>
      %parallel_loop3A_509 = arith.select %parallel_loop3A_505, %parallel_loop3A_402, %parallel_loop3A_389 : vector<16xi1>, vector<16xi32>
      %parallel_loop3A_510 = arith.cmpf oge, %parallel_loop3A_392, %parallel_loop3A_405 : vector<16xf32>
      %parallel_loop3A_511 = arith.maximumf %parallel_loop3A_392, %parallel_loop3A_405 : vector<16xf32>
      %parallel_loop3A_512 = arith.minimumf %parallel_loop3A_392, %parallel_loop3A_405 : vector<16xf32>
      %parallel_loop3A_513 = arith.select %parallel_loop3A_510, %parallel_loop3A_393, %parallel_loop3A_406 : vector<16xi1>, vector<16xi32>
      %parallel_loop3A_514 = arith.select %parallel_loop3A_510, %parallel_loop3A_406, %parallel_loop3A_393 : vector<16xi1>, vector<16xi32>
      %parallel_loop3A_515 = arith.cmpf oge, %parallel_loop3A_506, %parallel_loop3A_511 : vector<16xf32>
      %parallel_loop3A_516 = arith.maximumf %parallel_loop3A_506, %parallel_loop3A_511 : vector<16xf32>
      %parallel_loop3A_517 = arith.minimumf %parallel_loop3A_506, %parallel_loop3A_511 : vector<16xf32>
      %parallel_loop3A_518 = arith.select %parallel_loop3A_515, %parallel_loop3A_508, %parallel_loop3A_513 : vector<16xi1>, vector<16xi32>
      %parallel_loop3A_519 = arith.select %parallel_loop3A_515, %parallel_loop3A_513, %parallel_loop3A_508 : vector<16xi1>, vector<16xi32>
      %parallel_loop3A_520 = arith.cmpf oge, %parallel_loop3A_507, %parallel_loop3A_512 : vector<16xf32>
      %parallel_loop3A_521 = arith.maximumf %parallel_loop3A_507, %parallel_loop3A_512 : vector<16xf32>
      %parallel_loop3A_522 = arith.minimumf %parallel_loop3A_507, %parallel_loop3A_512 : vector<16xf32>
      %parallel_loop3A_523 = arith.select %parallel_loop3A_520, %parallel_loop3A_509, %parallel_loop3A_514 : vector<16xi1>, vector<16xi32>
      %parallel_loop3A_524 = arith.select %parallel_loop3A_520, %parallel_loop3A_514, %parallel_loop3A_509 : vector<16xi1>, vector<16xi32>
      %parallel_loop3A_525 = arith.constant dense<true> : vector<16xi1>
      %parallel_loop3A_526, %parallel_loop3A_527, %parallel_loop3A_528 = tpu.sort %parallel_loop3A_516, %parallel_loop3A_518 masked %parallel_loop3A_525 {descending = true} : (vector<16xf32>, vector<16xi32>, vector<16xi1>) -> (vector<16xi1>, vector<16xf32>, vector<16xi32>)
      %parallel_loop3A_529 = arith.constant dense<true> : vector<16xi1>
      %parallel_loop3A_530, %parallel_loop3A_531, %parallel_loop3A_532 = tpu.sort %parallel_loop3A_517, %parallel_loop3A_519 masked %parallel_loop3A_529 {descending = true} : (vector<16xf32>, vector<16xi32>, vector<16xi1>) -> (vector<16xi1>, vector<16xf32>, vector<16xi32>)
      %parallel_loop3A_533 = arith.constant dense<true> : vector<16xi1>
      %parallel_loop3A_534, %parallel_loop3A_535, %parallel_loop3A_536 = tpu.sort %parallel_loop3A_521, %parallel_loop3A_523 masked %parallel_loop3A_533 {descending = true} : (vector<16xf32>, vector<16xi32>, vector<16xi1>) -> (vector<16xi1>, vector<16xf32>, vector<16xi32>)
      %parallel_loop3A_537 = arith.constant dense<true> : vector<16xi1>
      %parallel_loop3A_538, %parallel_loop3A_539, %parallel_loop3A_540 = tpu.sort %parallel_loop3A_522, %parallel_loop3A_524 masked %parallel_loop3A_537 {descending = true} : (vector<16xf32>, vector<16xi32>, vector<16xi1>) -> (vector<16xi1>, vector<16xf32>, vector<16xi32>)
      %parallel_loop3A_541 = arith.cmpf ole, %parallel_loop3A_414, %parallel_loop3A_427 : vector<16xf32>
      %parallel_loop3A_542 = arith.minimumf %parallel_loop3A_414, %parallel_loop3A_427 : vector<16xf32>
      %parallel_loop3A_543 = arith.maximumf %parallel_loop3A_414, %parallel_loop3A_427 : vector<16xf32>
      %parallel_loop3A_544 = arith.select %parallel_loop3A_541, %parallel_loop3A_415, %parallel_loop3A_428 : vector<16xi1>, vector<16xi32>
      %parallel_loop3A_545 = arith.select %parallel_loop3A_541, %parallel_loop3A_428, %parallel_loop3A_415 : vector<16xi1>, vector<16xi32>
      %parallel_loop3A_546 = arith.cmpf ole, %parallel_loop3A_418, %parallel_loop3A_431 : vector<16xf32>
      %parallel_loop3A_547 = arith.minimumf %parallel_loop3A_418, %parallel_loop3A_431 : vector<16xf32>
      %parallel_loop3A_548 = arith.maximumf %parallel_loop3A_418, %parallel_loop3A_431 : vector<16xf32>
      %parallel_loop3A_549 = arith.select %parallel_loop3A_546, %parallel_loop3A_419, %parallel_loop3A_432 : vector<16xi1>, vector<16xi32>
      %parallel_loop3A_550 = arith.select %parallel_loop3A_546, %parallel_loop3A_432, %parallel_loop3A_419 : vector<16xi1>, vector<16xi32>
      %parallel_loop3A_551 = arith.cmpf ole, %parallel_loop3A_542, %parallel_loop3A_547 : vector<16xf32>
      %parallel_loop3A_552 = arith.minimumf %parallel_loop3A_542, %parallel_loop3A_547 : vector<16xf32>
      %parallel_loop3A_553 = arith.maximumf %parallel_loop3A_542, %parallel_loop3A_547 : vector<16xf32>
      %parallel_loop3A_554 = arith.select %parallel_loop3A_551, %parallel_loop3A_544, %parallel_loop3A_549 : vector<16xi1>, vector<16xi32>
      %parallel_loop3A_555 = arith.select %parallel_loop3A_551, %parallel_loop3A_549, %parallel_loop3A_544 : vector<16xi1>, vector<16xi32>
      %parallel_loop3A_556 = arith.cmpf ole, %parallel_loop3A_543, %parallel_loop3A_548 : vector<16xf32>
      %parallel_loop3A_557 = arith.minimumf %parallel_loop3A_543, %parallel_loop3A_548 : vector<16xf32>
      %parallel_loop3A_558 = arith.maximumf %parallel_loop3A_543, %parallel_loop3A_548 : vector<16xf32>
      %parallel_loop3A_559 = arith.select %parallel_loop3A_556, %parallel_loop3A_545, %parallel_loop3A_550 : vector<16xi1>, vector<16xi32>
      %parallel_loop3A_560 = arith.select %parallel_loop3A_556, %parallel_loop3A_550, %parallel_loop3A_545 : vector<16xi1>, vector<16xi32>
      %parallel_loop3A_561 = arith.constant dense<true> : vector<16xi1>
      %parallel_loop3A_562, %parallel_loop3A_563, %parallel_loop3A_564 = tpu.sort %parallel_loop3A_552, %parallel_loop3A_554 masked %parallel_loop3A_561 : (vector<16xf32>, vector<16xi32>, vector<16xi1>) -> (vector<16xi1>, vector<16xf32>, vector<16xi32>)
      %parallel_loop3A_565 = arith.constant dense<true> : vector<16xi1>
      %parallel_loop3A_566, %parallel_loop3A_567, %parallel_loop3A_568 = tpu.sort %parallel_loop3A_553, %parallel_loop3A_555 masked %parallel_loop3A_565 : (vector<16xf32>, vector<16xi32>, vector<16xi1>) -> (vector<16xi1>, vector<16xf32>, vector<16xi32>)
      %parallel_loop3A_569 = arith.constant dense<true> : vector<16xi1>
      %parallel_loop3A_570, %parallel_loop3A_571, %parallel_loop3A_572 = tpu.sort %parallel_loop3A_557, %parallel_loop3A_559 masked %parallel_loop3A_569 : (vector<16xf32>, vector<16xi32>, vector<16xi1>) -> (vector<16xi1>, vector<16xf32>, vector<16xi32>)
      %parallel_loop3A_573 = arith.constant dense<true> : vector<16xi1>
      %parallel_loop3A_574, %parallel_loop3A_575, %parallel_loop3A_576 = tpu.sort %parallel_loop3A_558, %parallel_loop3A_560 masked %parallel_loop3A_573 : (vector<16xf32>, vector<16xi32>, vector<16xi1>) -> (vector<16xi1>, vector<16xf32>, vector<16xi32>)
      %parallel_loop3A_577 = arith.cmpf oge, %parallel_loop3A_455, %parallel_loop3A_491 : vector<16xf32>
      %parallel_loop3A_578 = arith.maximumf %parallel_loop3A_455, %parallel_loop3A_491 : vector<16xf32>
      %parallel_loop3A_579 = arith.minimumf %parallel_loop3A_455, %parallel_loop3A_491 : vector<16xf32>
      %parallel_loop3A_580 = arith.select %parallel_loop3A_577, %parallel_loop3A_456, %parallel_loop3A_492 : vector<16xi1>, vector<16xi32>
      %parallel_loop3A_581 = arith.select %parallel_loop3A_577, %parallel_loop3A_492, %parallel_loop3A_456 : vector<16xi1>, vector<16xi32>
      %parallel_loop3A_582 = arith.cmpf oge, %parallel_loop3A_459, %parallel_loop3A_495 : vector<16xf32>
      %parallel_loop3A_583 = arith.maximumf %parallel_loop3A_459, %parallel_loop3A_495 : vector<16xf32>
      %parallel_loop3A_584 = arith.minimumf %parallel_loop3A_459, %parallel_loop3A_495 : vector<16xf32>
      %parallel_loop3A_585 = arith.select %parallel_loop3A_582, %parallel_loop3A_460, %parallel_loop3A_496 : vector<16xi1>, vector<16xi32>
      %parallel_loop3A_586 = arith.select %parallel_loop3A_582, %parallel_loop3A_496, %parallel_loop3A_460 : vector<16xi1>, vector<16xi32>
      %parallel_loop3A_587 = arith.cmpf oge, %parallel_loop3A_463, %parallel_loop3A_499 : vector<16xf32>
      %parallel_loop3A_588 = arith.maximumf %parallel_loop3A_463, %parallel_loop3A_499 : vector<16xf32>
      %parallel_loop3A_589 = arith.minimumf %parallel_loop3A_463, %parallel_loop3A_499 : vector<16xf32>
      %parallel_loop3A_590 = arith.select %parallel_loop3A_587, %parallel_loop3A_464, %parallel_loop3A_500 : vector<16xi1>, vector<16xi32>
      %parallel_loop3A_591 = arith.select %parallel_loop3A_587, %parallel_loop3A_500, %parallel_loop3A_464 : vector<16xi1>, vector<16xi32>
      %parallel_loop3A_592 = arith.cmpf oge, %parallel_loop3A_467, %parallel_loop3A_503 : vector<16xf32>
      %parallel_loop3A_593 = arith.maximumf %parallel_loop3A_467, %parallel_loop3A_503 : vector<16xf32>
      %parallel_loop3A_594 = arith.minimumf %parallel_loop3A_467, %parallel_loop3A_503 : vector<16xf32>
      %parallel_loop3A_595 = arith.select %parallel_loop3A_592, %parallel_loop3A_468, %parallel_loop3A_504 : vector<16xi1>, vector<16xi32>
      %parallel_loop3A_596 = arith.select %parallel_loop3A_592, %parallel_loop3A_504, %parallel_loop3A_468 : vector<16xi1>, vector<16xi32>
      %parallel_loop3A_597 = arith.cmpf oge, %parallel_loop3A_578, %parallel_loop3A_588 : vector<16xf32>
      %parallel_loop3A_598 = arith.maximumf %parallel_loop3A_578, %parallel_loop3A_588 : vector<16xf32>
      %parallel_loop3A_599 = arith.minimumf %parallel_loop3A_578, %parallel_loop3A_588 : vector<16xf32>
      %parallel_loop3A_600 = arith.select %parallel_loop3A_597, %parallel_loop3A_580, %parallel_loop3A_590 : vector<16xi1>, vector<16xi32>
      %parallel_loop3A_601 = arith.select %parallel_loop3A_597, %parallel_loop3A_590, %parallel_loop3A_580 : vector<16xi1>, vector<16xi32>
      %parallel_loop3A_602 = arith.cmpf oge, %parallel_loop3A_583, %parallel_loop3A_593 : vector<16xf32>
      %parallel_loop3A_603 = arith.maximumf %parallel_loop3A_583, %parallel_loop3A_593 : vector<16xf32>
      %parallel_loop3A_604 = arith.minimumf %parallel_loop3A_583, %parallel_loop3A_593 : vector<16xf32>
      %parallel_loop3A_605 = arith.select %parallel_loop3A_602, %parallel_loop3A_585, %parallel_loop3A_595 : vector<16xi1>, vector<16xi32>
      %parallel_loop3A_606 = arith.select %parallel_loop3A_602, %parallel_loop3A_595, %parallel_loop3A_585 : vector<16xi1>, vector<16xi32>
      %parallel_loop3A_607 = arith.cmpf oge, %parallel_loop3A_579, %parallel_loop3A_589 : vector<16xf32>
      %parallel_loop3A_608 = arith.maximumf %parallel_loop3A_579, %parallel_loop3A_589 : vector<16xf32>
      %parallel_loop3A_609 = arith.minimumf %parallel_loop3A_579, %parallel_loop3A_589 : vector<16xf32>
      %parallel_loop3A_610 = arith.select %parallel_loop3A_607, %parallel_loop3A_581, %parallel_loop3A_591 : vector<16xi1>, vector<16xi32>
      %parallel_loop3A_611 = arith.select %parallel_loop3A_607, %parallel_loop3A_591, %parallel_loop3A_581 : vector<16xi1>, vector<16xi32>
      %parallel_loop3A_612 = arith.cmpf oge, %parallel_loop3A_584, %parallel_loop3A_594 : vector<16xf32>
      %parallel_loop3A_613 = arith.maximumf %parallel_loop3A_584, %parallel_loop3A_594 : vector<16xf32>
      %parallel_loop3A_614 = arith.minimumf %parallel_loop3A_584, %parallel_loop3A_594 : vector<16xf32>
      %parallel_loop3A_615 = arith.select %parallel_loop3A_612, %parallel_loop3A_586, %parallel_loop3A_596 : vector<16xi1>, vector<16xi32>
      %parallel_loop3A_616 = arith.select %parallel_loop3A_612, %parallel_loop3A_596, %parallel_loop3A_586 : vector<16xi1>, vector<16xi32>
      %parallel_loop3A_617 = arith.cmpf oge, %parallel_loop3A_598, %parallel_loop3A_603 : vector<16xf32>
      %parallel_loop3A_618 = arith.maximumf %parallel_loop3A_598, %parallel_loop3A_603 : vector<16xf32>
      %parallel_loop3A_619 = arith.minimumf %parallel_loop3A_598, %parallel_loop3A_603 : vector<16xf32>
      %parallel_loop3A_620 = arith.select %parallel_loop3A_617, %parallel_loop3A_600, %parallel_loop3A_605 : vector<16xi1>, vector<16xi32>
      %parallel_loop3A_621 = arith.select %parallel_loop3A_617, %parallel_loop3A_605, %parallel_loop3A_600 : vector<16xi1>, vector<16xi32>
      %parallel_loop3A_622 = arith.cmpf oge, %parallel_loop3A_599, %parallel_loop3A_604 : vector<16xf32>
      %parallel_loop3A_623 = arith.maximumf %parallel_loop3A_599, %parallel_loop3A_604 : vector<16xf32>
      %parallel_loop3A_624 = arith.minimumf %parallel_loop3A_599, %parallel_loop3A_604 : vector<16xf32>
      %parallel_loop3A_625 = arith.select %parallel_loop3A_622, %parallel_loop3A_601, %parallel_loop3A_606 : vector<16xi1>, vector<16xi32>
      %parallel_loop3A_626 = arith.select %parallel_loop3A_622, %parallel_loop3A_606, %parallel_loop3A_601 : vector<16xi1>, vector<16xi32>
      %parallel_loop3A_627 = arith.cmpf oge, %parallel_loop3A_608, %parallel_loop3A_613 : vector<16xf32>
      %parallel_loop3A_628 = arith.maximumf %parallel_loop3A_608, %parallel_loop3A_613 : vector<16xf32>
      %parallel_loop3A_629 = arith.minimumf %parallel_loop3A_608, %parallel_loop3A_613 : vector<16xf32>
      %parallel_loop3A_630 = arith.select %parallel_loop3A_627, %parallel_loop3A_610, %parallel_loop3A_615 : vector<16xi1>, vector<16xi32>
      %parallel_loop3A_631 = arith.select %parallel_loop3A_627, %parallel_loop3A_615, %parallel_loop3A_610 : vector<16xi1>, vector<16xi32>
      %parallel_loop3A_632 = arith.cmpf oge, %parallel_loop3A_609, %parallel_loop3A_614 : vector<16xf32>
      %parallel_loop3A_633 = arith.maximumf %parallel_loop3A_609, %parallel_loop3A_614 : vector<16xf32>
      %parallel_loop3A_634 = arith.minimumf %parallel_loop3A_609, %parallel_loop3A_614 : vector<16xf32>
      %parallel_loop3A_635 = arith.select %parallel_loop3A_632, %parallel_loop3A_611, %parallel_loop3A_616 : vector<16xi1>, vector<16xi32>
      %parallel_loop3A_636 = arith.select %parallel_loop3A_632, %parallel_loop3A_616, %parallel_loop3A_611 : vector<16xi1>, vector<16xi32>
      %parallel_loop3A_637 = arith.constant dense<true> : vector<16xi1>
      %parallel_loop3A_638, %parallel_loop3A_639, %parallel_loop3A_640 = tpu.sort %parallel_loop3A_618, %parallel_loop3A_620 masked %parallel_loop3A_637 {descending = true} : (vector<16xf32>, vector<16xi32>, vector<16xi1>) -> (vector<16xi1>, vector<16xf32>, vector<16xi32>)
      %parallel_loop3A_641 = arith.constant dense<true> : vector<16xi1>
      %parallel_loop3A_642, %parallel_loop3A_643, %parallel_loop3A_644 = tpu.sort %parallel_loop3A_619, %parallel_loop3A_621 masked %parallel_loop3A_641 {descending = true} : (vector<16xf32>, vector<16xi32>, vector<16xi1>) -> (vector<16xi1>, vector<16xf32>, vector<16xi32>)
      %parallel_loop3A_645 = arith.constant dense<true> : vector<16xi1>
      %parallel_loop3A_646, %parallel_loop3A_647, %parallel_loop3A_648 = tpu.sort %parallel_loop3A_623, %parallel_loop3A_625 masked %parallel_loop3A_645 {descending = true} : (vector<16xf32>, vector<16xi32>, vector<16xi1>) -> (vector<16xi1>, vector<16xf32>, vector<16xi32>)
      %parallel_loop3A_649 = arith.constant dense<true> : vector<16xi1>
      %parallel_loop3A_650, %parallel_loop3A_651, %parallel_loop3A_652 = tpu.sort %parallel_loop3A_624, %parallel_loop3A_626 masked %parallel_loop3A_649 {descending = true} : (vector<16xf32>, vector<16xi32>, vector<16xi1>) -> (vector<16xi1>, vector<16xf32>, vector<16xi32>)
      %parallel_loop3A_653 = arith.constant dense<true> : vector<16xi1>
      %parallel_loop3A_654, %parallel_loop3A_655, %parallel_loop3A_656 = tpu.sort %parallel_loop3A_628, %parallel_loop3A_630 masked %parallel_loop3A_653 {descending = true} : (vector<16xf32>, vector<16xi32>, vector<16xi1>) -> (vector<16xi1>, vector<16xf32>, vector<16xi32>)
      %parallel_loop3A_657 = arith.constant dense<true> : vector<16xi1>
      %parallel_loop3A_658, %parallel_loop3A_659, %parallel_loop3A_660 = tpu.sort %parallel_loop3A_629, %parallel_loop3A_631 masked %parallel_loop3A_657 {descending = true} : (vector<16xf32>, vector<16xi32>, vector<16xi1>) -> (vector<16xi1>, vector<16xf32>, vector<16xi32>)
      %parallel_loop3A_661 = arith.constant dense<true> : vector<16xi1>
      %parallel_loop3A_662, %parallel_loop3A_663, %parallel_loop3A_664 = tpu.sort %parallel_loop3A_633, %parallel_loop3A_635 masked %parallel_loop3A_661 {descending = true} : (vector<16xf32>, vector<16xi32>, vector<16xi1>) -> (vector<16xi1>, vector<16xf32>, vector<16xi32>)
      %parallel_loop3A_665 = arith.constant dense<true> : vector<16xi1>
      %parallel_loop3A_666, %parallel_loop3A_667, %parallel_loop3A_668 = tpu.sort %parallel_loop3A_634, %parallel_loop3A_636 masked %parallel_loop3A_665 {descending = true} : (vector<16xf32>, vector<16xi32>, vector<16xi1>) -> (vector<16xi1>, vector<16xf32>, vector<16xi32>)
      %parallel_loop3A_669 = arith.cmpf ole, %parallel_loop3A_527, %parallel_loop3A_563 : vector<16xf32>
      %parallel_loop3A_670 = arith.minimumf %parallel_loop3A_527, %parallel_loop3A_563 : vector<16xf32>
      %parallel_loop3A_671 = arith.maximumf %parallel_loop3A_527, %parallel_loop3A_563 : vector<16xf32>
      %parallel_loop3A_672 = arith.select %parallel_loop3A_669, %parallel_loop3A_528, %parallel_loop3A_564 : vector<16xi1>, vector<16xi32>
      %parallel_loop3A_673 = arith.select %parallel_loop3A_669, %parallel_loop3A_564, %parallel_loop3A_528 : vector<16xi1>, vector<16xi32>
      %parallel_loop3A_674 = arith.cmpf ole, %parallel_loop3A_531, %parallel_loop3A_567 : vector<16xf32>
      %parallel_loop3A_675 = arith.minimumf %parallel_loop3A_531, %parallel_loop3A_567 : vector<16xf32>
      %parallel_loop3A_676 = arith.maximumf %parallel_loop3A_531, %parallel_loop3A_567 : vector<16xf32>
      %parallel_loop3A_677 = arith.select %parallel_loop3A_674, %parallel_loop3A_532, %parallel_loop3A_568 : vector<16xi1>, vector<16xi32>
      %parallel_loop3A_678 = arith.select %parallel_loop3A_674, %parallel_loop3A_568, %parallel_loop3A_532 : vector<16xi1>, vector<16xi32>
      %parallel_loop3A_679 = arith.cmpf ole, %parallel_loop3A_535, %parallel_loop3A_571 : vector<16xf32>
      %parallel_loop3A_680 = arith.minimumf %parallel_loop3A_535, %parallel_loop3A_571 : vector<16xf32>
      %parallel_loop3A_681 = arith.maximumf %parallel_loop3A_535, %parallel_loop3A_571 : vector<16xf32>
      %parallel_loop3A_682 = arith.select %parallel_loop3A_679, %parallel_loop3A_536, %parallel_loop3A_572 : vector<16xi1>, vector<16xi32>
      %parallel_loop3A_683 = arith.select %parallel_loop3A_679, %parallel_loop3A_572, %parallel_loop3A_536 : vector<16xi1>, vector<16xi32>
      %parallel_loop3A_684 = arith.cmpf ole, %parallel_loop3A_539, %parallel_loop3A_575 : vector<16xf32>
      %parallel_loop3A_685 = arith.minimumf %parallel_loop3A_539, %parallel_loop3A_575 : vector<16xf32>
      %parallel_loop3A_686 = arith.maximumf %parallel_loop3A_539, %parallel_loop3A_575 : vector<16xf32>
      %parallel_loop3A_687 = arith.select %parallel_loop3A_684, %parallel_loop3A_540, %parallel_loop3A_576 : vector<16xi1>, vector<16xi32>
      %parallel_loop3A_688 = arith.select %parallel_loop3A_684, %parallel_loop3A_576, %parallel_loop3A_540 : vector<16xi1>, vector<16xi32>
      %parallel_loop3A_689 = arith.cmpf ole, %parallel_loop3A_670, %parallel_loop3A_680 : vector<16xf32>
      %parallel_loop3A_690 = arith.minimumf %parallel_loop3A_670, %parallel_loop3A_680 : vector<16xf32>
      %parallel_loop3A_691 = arith.maximumf %parallel_loop3A_670, %parallel_loop3A_680 : vector<16xf32>
      %parallel_loop3A_692 = arith.select %parallel_loop3A_689, %parallel_loop3A_672, %parallel_loop3A_682 : vector<16xi1>, vector<16xi32>
      %parallel_loop3A_693 = arith.select %parallel_loop3A_689, %parallel_loop3A_682, %parallel_loop3A_672 : vector<16xi1>, vector<16xi32>
      %parallel_loop3A_694 = arith.cmpf ole, %parallel_loop3A_675, %parallel_loop3A_685 : vector<16xf32>
      %parallel_loop3A_695 = arith.minimumf %parallel_loop3A_675, %parallel_loop3A_685 : vector<16xf32>
      %parallel_loop3A_696 = arith.maximumf %parallel_loop3A_675, %parallel_loop3A_685 : vector<16xf32>
      %parallel_loop3A_697 = arith.select %parallel_loop3A_694, %parallel_loop3A_677, %parallel_loop3A_687 : vector<16xi1>, vector<16xi32>
      %parallel_loop3A_698 = arith.select %parallel_loop3A_694, %parallel_loop3A_687, %parallel_loop3A_677 : vector<16xi1>, vector<16xi32>
      %parallel_loop3A_699 = arith.cmpf ole, %parallel_loop3A_671, %parallel_loop3A_681 : vector<16xf32>
      %parallel_loop3A_700 = arith.minimumf %parallel_loop3A_671, %parallel_loop3A_681 : vector<16xf32>
      %parallel_loop3A_701 = arith.maximumf %parallel_loop3A_671, %parallel_loop3A_681 : vector<16xf32>
      %parallel_loop3A_702 = arith.select %parallel_loop3A_699, %parallel_loop3A_673, %parallel_loop3A_683 : vector<16xi1>, vector<16xi32>
      %parallel_loop3A_703 = arith.select %parallel_loop3A_699, %parallel_loop3A_683, %parallel_loop3A_673 : vector<16xi1>, vector<16xi32>
      %parallel_loop3A_704 = arith.cmpf ole, %parallel_loop3A_676, %parallel_loop3A_686 : vector<16xf32>
      %parallel_loop3A_705 = arith.minimumf %parallel_loop3A_676, %parallel_loop3A_686 : vector<16xf32>
      %parallel_loop3A_706 = arith.maximumf %parallel_loop3A_676, %parallel_loop3A_686 : vector<16xf32>
      %parallel_loop3A_707 = arith.select %parallel_loop3A_704, %parallel_loop3A_678, %parallel_loop3A_688 : vector<16xi1>, vector<16xi32>
      %parallel_loop3A_708 = arith.select %parallel_loop3A_704, %parallel_loop3A_688, %parallel_loop3A_678 : vector<16xi1>, vector<16xi32>
      %parallel_loop3A_709 = arith.cmpf ole, %parallel_loop3A_690, %parallel_loop3A_695 : vector<16xf32>
      %parallel_loop3A_710 = arith.minimumf %parallel_loop3A_690, %parallel_loop3A_695 : vector<16xf32>
      %parallel_loop3A_711 = arith.maximumf %parallel_loop3A_690, %parallel_loop3A_695 : vector<16xf32>
      %parallel_loop3A_712 = arith.select %parallel_loop3A_709, %parallel_loop3A_692, %parallel_loop3A_697 : vector<16xi1>, vector<16xi32>
      %parallel_loop3A_713 = arith.select %parallel_loop3A_709, %parallel_loop3A_697, %parallel_loop3A_692 : vector<16xi1>, vector<16xi32>
      %parallel_loop3A_714 = arith.cmpf ole, %parallel_loop3A_691, %parallel_loop3A_696 : vector<16xf32>
      %parallel_loop3A_715 = arith.minimumf %parallel_loop3A_691, %parallel_loop3A_696 : vector<16xf32>
      %parallel_loop3A_716 = arith.maximumf %parallel_loop3A_691, %parallel_loop3A_696 : vector<16xf32>
      %parallel_loop3A_717 = arith.select %parallel_loop3A_714, %parallel_loop3A_693, %parallel_loop3A_698 : vector<16xi1>, vector<16xi32>
      %parallel_loop3A_718 = arith.select %parallel_loop3A_714, %parallel_loop3A_698, %parallel_loop3A_693 : vector<16xi1>, vector<16xi32>
      %parallel_loop3A_719 = arith.cmpf ole, %parallel_loop3A_700, %parallel_loop3A_705 : vector<16xf32>
      %parallel_loop3A_720 = arith.minimumf %parallel_loop3A_700, %parallel_loop3A_705 : vector<16xf32>
      %parallel_loop3A_721 = arith.maximumf %parallel_loop3A_700, %parallel_loop3A_705 : vector<16xf32>
      %parallel_loop3A_722 = arith.select %parallel_loop3A_719, %parallel_loop3A_702, %parallel_loop3A_707 : vector<16xi1>, vector<16xi32>
      %parallel_loop3A_723 = arith.select %parallel_loop3A_719, %parallel_loop3A_707, %parallel_loop3A_702 : vector<16xi1>, vector<16xi32>
      %parallel_loop3A_724 = arith.cmpf ole, %parallel_loop3A_701, %parallel_loop3A_706 : vector<16xf32>
      %parallel_loop3A_725 = arith.minimumf %parallel_loop3A_701, %parallel_loop3A_706 : vector<16xf32>
      %parallel_loop3A_726 = arith.maximumf %parallel_loop3A_701, %parallel_loop3A_706 : vector<16xf32>
      %parallel_loop3A_727 = arith.select %parallel_loop3A_724, %parallel_loop3A_703, %parallel_loop3A_708 : vector<16xi1>, vector<16xi32>
      %parallel_loop3A_728 = arith.select %parallel_loop3A_724, %parallel_loop3A_708, %parallel_loop3A_703 : vector<16xi1>, vector<16xi32>
      %parallel_loop3A_729 = arith.constant dense<true> : vector<16xi1>
      %parallel_loop3A_730, %parallel_loop3A_731, %parallel_loop3A_732 = tpu.sort %parallel_loop3A_710, %parallel_loop3A_712 masked %parallel_loop3A_729 : (vector<16xf32>, vector<16xi32>, vector<16xi1>) -> (vector<16xi1>, vector<16xf32>, vector<16xi32>)
      %parallel_loop3A_733 = arith.constant dense<true> : vector<16xi1>
      %parallel_loop3A_734, %parallel_loop3A_735, %parallel_loop3A_736 = tpu.sort %parallel_loop3A_711, %parallel_loop3A_713 masked %parallel_loop3A_733 : (vector<16xf32>, vector<16xi32>, vector<16xi1>) -> (vector<16xi1>, vector<16xf32>, vector<16xi32>)
      %parallel_loop3A_737 = arith.constant dense<true> : vector<16xi1>
      %parallel_loop3A_738, %parallel_loop3A_739, %parallel_loop3A_740 = tpu.sort %parallel_loop3A_715, %parallel_loop3A_717 masked %parallel_loop3A_737 : (vector<16xf32>, vector<16xi32>, vector<16xi1>) -> (vector<16xi1>, vector<16xf32>, vector<16xi32>)
      %parallel_loop3A_741 = arith.constant dense<true> : vector<16xi1>
      %parallel_loop3A_742, %parallel_loop3A_743, %parallel_loop3A_744 = tpu.sort %parallel_loop3A_716, %parallel_loop3A_718 masked %parallel_loop3A_741 : (vector<16xf32>, vector<16xi32>, vector<16xi1>) -> (vector<16xi1>, vector<16xf32>, vector<16xi32>)
      %parallel_loop3A_745 = arith.constant dense<true> : vector<16xi1>
      %parallel_loop3A_746, %parallel_loop3A_747, %parallel_loop3A_748 = tpu.sort %parallel_loop3A_720, %parallel_loop3A_722 masked %parallel_loop3A_745 : (vector<16xf32>, vector<16xi32>, vector<16xi1>) -> (vector<16xi1>, vector<16xf32>, vector<16xi32>)
      %parallel_loop3A_749 = arith.constant dense<true> : vector<16xi1>
      %parallel_loop3A_750, %parallel_loop3A_751, %parallel_loop3A_752 = tpu.sort %parallel_loop3A_721, %parallel_loop3A_723 masked %parallel_loop3A_749 : (vector<16xf32>, vector<16xi32>, vector<16xi1>) -> (vector<16xi1>, vector<16xf32>, vector<16xi32>)
      %parallel_loop3A_753 = arith.constant dense<true> : vector<16xi1>
      %parallel_loop3A_754, %parallel_loop3A_755, %parallel_loop3A_756 = tpu.sort %parallel_loop3A_725, %parallel_loop3A_727 masked %parallel_loop3A_753 : (vector<16xf32>, vector<16xi32>, vector<16xi1>) -> (vector<16xi1>, vector<16xf32>, vector<16xi32>)
      %parallel_loop3A_757 = arith.constant dense<true> : vector<16xi1>
      %parallel_loop3A_758, %parallel_loop3A_759, %parallel_loop3A_760 = tpu.sort %parallel_loop3A_726, %parallel_loop3A_728 masked %parallel_loop3A_757 : (vector<16xf32>, vector<16xi32>, vector<16xi1>) -> (vector<16xi1>, vector<16xf32>, vector<16xi32>)
      %parallel_loop3A_761 = arith.cmpf oge, %parallel_loop3A_639, %parallel_loop3A_731 : vector<16xf32>
      %parallel_loop3A_762 = arith.maximumf %parallel_loop3A_639, %parallel_loop3A_731 : vector<16xf32>
      %parallel_loop3A_763 = arith.minimumf %parallel_loop3A_639, %parallel_loop3A_731 : vector<16xf32>
      %parallel_loop3A_764 = arith.select %parallel_loop3A_761, %parallel_loop3A_640, %parallel_loop3A_732 : vector<16xi1>, vector<16xi32>
      %parallel_loop3A_765 = arith.select %parallel_loop3A_761, %parallel_loop3A_732, %parallel_loop3A_640 : vector<16xi1>, vector<16xi32>
      %parallel_loop3A_766 = arith.cmpf oge, %parallel_loop3A_643, %parallel_loop3A_735 : vector<16xf32>
      %parallel_loop3A_767 = arith.maximumf %parallel_loop3A_643, %parallel_loop3A_735 : vector<16xf32>
      %parallel_loop3A_768 = arith.minimumf %parallel_loop3A_643, %parallel_loop3A_735 : vector<16xf32>
      %parallel_loop3A_769 = arith.select %parallel_loop3A_766, %parallel_loop3A_644, %parallel_loop3A_736 : vector<16xi1>, vector<16xi32>
      %parallel_loop3A_770 = arith.select %parallel_loop3A_766, %parallel_loop3A_736, %parallel_loop3A_644 : vector<16xi1>, vector<16xi32>
      %parallel_loop3A_771 = arith.cmpf oge, %parallel_loop3A_647, %parallel_loop3A_739 : vector<16xf32>
      %parallel_loop3A_772 = arith.maximumf %parallel_loop3A_647, %parallel_loop3A_739 : vector<16xf32>
      %parallel_loop3A_773 = arith.minimumf %parallel_loop3A_647, %parallel_loop3A_739 : vector<16xf32>
      %parallel_loop3A_774 = arith.select %parallel_loop3A_771, %parallel_loop3A_648, %parallel_loop3A_740 : vector<16xi1>, vector<16xi32>
      %parallel_loop3A_775 = arith.select %parallel_loop3A_771, %parallel_loop3A_740, %parallel_loop3A_648 : vector<16xi1>, vector<16xi32>
      %parallel_loop3A_776 = arith.cmpf oge, %parallel_loop3A_651, %parallel_loop3A_743 : vector<16xf32>
      %parallel_loop3A_777 = arith.maximumf %parallel_loop3A_651, %parallel_loop3A_743 : vector<16xf32>
      %parallel_loop3A_778 = arith.minimumf %parallel_loop3A_651, %parallel_loop3A_743 : vector<16xf32>
      %parallel_loop3A_779 = arith.select %parallel_loop3A_776, %parallel_loop3A_652, %parallel_loop3A_744 : vector<16xi1>, vector<16xi32>
      %parallel_loop3A_780 = arith.select %parallel_loop3A_776, %parallel_loop3A_744, %parallel_loop3A_652 : vector<16xi1>, vector<16xi32>
      %parallel_loop3A_781 = arith.cmpf oge, %parallel_loop3A_655, %parallel_loop3A_747 : vector<16xf32>
      %parallel_loop3A_782 = arith.maximumf %parallel_loop3A_655, %parallel_loop3A_747 : vector<16xf32>
      %parallel_loop3A_783 = arith.minimumf %parallel_loop3A_655, %parallel_loop3A_747 : vector<16xf32>
      %parallel_loop3A_784 = arith.select %parallel_loop3A_781, %parallel_loop3A_656, %parallel_loop3A_748 : vector<16xi1>, vector<16xi32>
      %parallel_loop3A_785 = arith.select %parallel_loop3A_781, %parallel_loop3A_748, %parallel_loop3A_656 : vector<16xi1>, vector<16xi32>
      %parallel_loop3A_786 = arith.cmpf oge, %parallel_loop3A_659, %parallel_loop3A_751 : vector<16xf32>
      %parallel_loop3A_787 = arith.maximumf %parallel_loop3A_659, %parallel_loop3A_751 : vector<16xf32>
      %parallel_loop3A_788 = arith.minimumf %parallel_loop3A_659, %parallel_loop3A_751 : vector<16xf32>
      %parallel_loop3A_789 = arith.select %parallel_loop3A_786, %parallel_loop3A_660, %parallel_loop3A_752 : vector<16xi1>, vector<16xi32>
      %parallel_loop3A_790 = arith.select %parallel_loop3A_786, %parallel_loop3A_752, %parallel_loop3A_660 : vector<16xi1>, vector<16xi32>
      %parallel_loop3A_791 = arith.cmpf oge, %parallel_loop3A_663, %parallel_loop3A_755 : vector<16xf32>
      %parallel_loop3A_792 = arith.maximumf %parallel_loop3A_663, %parallel_loop3A_755 : vector<16xf32>
      %parallel_loop3A_793 = arith.minimumf %parallel_loop3A_663, %parallel_loop3A_755 : vector<16xf32>
      %parallel_loop3A_794 = arith.select %parallel_loop3A_791, %parallel_loop3A_664, %parallel_loop3A_756 : vector<16xi1>, vector<16xi32>
      %parallel_loop3A_795 = arith.select %parallel_loop3A_791, %parallel_loop3A_756, %parallel_loop3A_664 : vector<16xi1>, vector<16xi32>
      %parallel_loop3A_796 = arith.cmpf oge, %parallel_loop3A_667, %parallel_loop3A_759 : vector<16xf32>
      %parallel_loop3A_797 = arith.maximumf %parallel_loop3A_667, %parallel_loop3A_759 : vector<16xf32>
      %parallel_loop3A_798 = arith.minimumf %parallel_loop3A_667, %parallel_loop3A_759 : vector<16xf32>
      %parallel_loop3A_799 = arith.select %parallel_loop3A_796, %parallel_loop3A_668, %parallel_loop3A_760 : vector<16xi1>, vector<16xi32>
      %parallel_loop3A_800 = arith.select %parallel_loop3A_796, %parallel_loop3A_760, %parallel_loop3A_668 : vector<16xi1>, vector<16xi32>
      %parallel_loop3A_801 = arith.cmpf oge, %parallel_loop3A_762, %parallel_loop3A_782 : vector<16xf32>
      %parallel_loop3A_802 = arith.maximumf %parallel_loop3A_762, %parallel_loop3A_782 : vector<16xf32>
      %parallel_loop3A_803 = arith.minimumf %parallel_loop3A_762, %parallel_loop3A_782 : vector<16xf32>
      %parallel_loop3A_804 = arith.select %parallel_loop3A_801, %parallel_loop3A_764, %parallel_loop3A_784 : vector<16xi1>, vector<16xi32>
      %parallel_loop3A_805 = arith.select %parallel_loop3A_801, %parallel_loop3A_784, %parallel_loop3A_764 : vector<16xi1>, vector<16xi32>
      %parallel_loop3A_806 = arith.cmpf oge, %parallel_loop3A_767, %parallel_loop3A_787 : vector<16xf32>
      %parallel_loop3A_807 = arith.maximumf %parallel_loop3A_767, %parallel_loop3A_787 : vector<16xf32>
      %parallel_loop3A_808 = arith.minimumf %parallel_loop3A_767, %parallel_loop3A_787 : vector<16xf32>
      %parallel_loop3A_809 = arith.select %parallel_loop3A_806, %parallel_loop3A_769, %parallel_loop3A_789 : vector<16xi1>, vector<16xi32>
      %parallel_loop3A_810 = arith.select %parallel_loop3A_806, %parallel_loop3A_789, %parallel_loop3A_769 : vector<16xi1>, vector<16xi32>
      %parallel_loop3A_811 = arith.cmpf oge, %parallel_loop3A_772, %parallel_loop3A_792 : vector<16xf32>
      %parallel_loop3A_812 = arith.maximumf %parallel_loop3A_772, %parallel_loop3A_792 : vector<16xf32>
      %parallel_loop3A_813 = arith.minimumf %parallel_loop3A_772, %parallel_loop3A_792 : vector<16xf32>
      %parallel_loop3A_814 = arith.select %parallel_loop3A_811, %parallel_loop3A_774, %parallel_loop3A_794 : vector<16xi1>, vector<16xi32>
      %parallel_loop3A_815 = arith.select %parallel_loop3A_811, %parallel_loop3A_794, %parallel_loop3A_774 : vector<16xi1>, vector<16xi32>
      %parallel_loop3A_816 = arith.cmpf oge, %parallel_loop3A_777, %parallel_loop3A_797 : vector<16xf32>
      %parallel_loop3A_817 = arith.maximumf %parallel_loop3A_777, %parallel_loop3A_797 : vector<16xf32>
      %parallel_loop3A_818 = arith.minimumf %parallel_loop3A_777, %parallel_loop3A_797 : vector<16xf32>
      %parallel_loop3A_819 = arith.select %parallel_loop3A_816, %parallel_loop3A_779, %parallel_loop3A_799 : vector<16xi1>, vector<16xi32>
      %parallel_loop3A_820 = arith.select %parallel_loop3A_816, %parallel_loop3A_799, %parallel_loop3A_779 : vector<16xi1>, vector<16xi32>
      %parallel_loop3A_821 = arith.cmpf oge, %parallel_loop3A_763, %parallel_loop3A_783 : vector<16xf32>
      %parallel_loop3A_822 = arith.maximumf %parallel_loop3A_763, %parallel_loop3A_783 : vector<16xf32>
      %parallel_loop3A_823 = arith.minimumf %parallel_loop3A_763, %parallel_loop3A_783 : vector<16xf32>
      %parallel_loop3A_824 = arith.select %parallel_loop3A_821, %parallel_loop3A_765, %parallel_loop3A_785 : vector<16xi1>, vector<16xi32>
      %parallel_loop3A_825 = arith.select %parallel_loop3A_821, %parallel_loop3A_785, %parallel_loop3A_765 : vector<16xi1>, vector<16xi32>
      %parallel_loop3A_826 = arith.cmpf oge, %parallel_loop3A_768, %parallel_loop3A_788 : vector<16xf32>
      %parallel_loop3A_827 = arith.maximumf %parallel_loop3A_768, %parallel_loop3A_788 : vector<16xf32>
      %parallel_loop3A_828 = arith.minimumf %parallel_loop3A_768, %parallel_loop3A_788 : vector<16xf32>
      %parallel_loop3A_829 = arith.select %parallel_loop3A_826, %parallel_loop3A_770, %parallel_loop3A_790 : vector<16xi1>, vector<16xi32>
      %parallel_loop3A_830 = arith.select %parallel_loop3A_826, %parallel_loop3A_790, %parallel_loop3A_770 : vector<16xi1>, vector<16xi32>
      %parallel_loop3A_831 = arith.cmpf oge, %parallel_loop3A_773, %parallel_loop3A_793 : vector<16xf32>
      %parallel_loop3A_832 = arith.maximumf %parallel_loop3A_773, %parallel_loop3A_793 : vector<16xf32>
      %parallel_loop3A_833 = arith.minimumf %parallel_loop3A_773, %parallel_loop3A_793 : vector<16xf32>
      %parallel_loop3A_834 = arith.select %parallel_loop3A_831, %parallel_loop3A_775, %parallel_loop3A_795 : vector<16xi1>, vector<16xi32>
      %parallel_loop3A_835 = arith.select %parallel_loop3A_831, %parallel_loop3A_795, %parallel_loop3A_775 : vector<16xi1>, vector<16xi32>
      %parallel_loop3A_836 = arith.cmpf oge, %parallel_loop3A_778, %parallel_loop3A_798 : vector<16xf32>
      %parallel_loop3A_837 = arith.maximumf %parallel_loop3A_778, %parallel_loop3A_798 : vector<16xf32>
      %parallel_loop3A_838 = arith.minimumf %parallel_loop3A_778, %parallel_loop3A_798 : vector<16xf32>
      %parallel_loop3A_839 = arith.select %parallel_loop3A_836, %parallel_loop3A_780, %parallel_loop3A_800 : vector<16xi1>, vector<16xi32>
      %parallel_loop3A_840 = arith.select %parallel_loop3A_836, %parallel_loop3A_800, %parallel_loop3A_780 : vector<16xi1>, vector<16xi32>
      %parallel_loop3A_841 = arith.cmpf oge, %parallel_loop3A_802, %parallel_loop3A_812 : vector<16xf32>
      %parallel_loop3A_842 = arith.maximumf %parallel_loop3A_802, %parallel_loop3A_812 : vector<16xf32>
      %parallel_loop3A_843 = arith.minimumf %parallel_loop3A_802, %parallel_loop3A_812 : vector<16xf32>
      %parallel_loop3A_844 = arith.select %parallel_loop3A_841, %parallel_loop3A_804, %parallel_loop3A_814 : vector<16xi1>, vector<16xi32>
      %parallel_loop3A_845 = arith.select %parallel_loop3A_841, %parallel_loop3A_814, %parallel_loop3A_804 : vector<16xi1>, vector<16xi32>
      %parallel_loop3A_846 = arith.cmpf oge, %parallel_loop3A_807, %parallel_loop3A_817 : vector<16xf32>
      %parallel_loop3A_847 = arith.maximumf %parallel_loop3A_807, %parallel_loop3A_817 : vector<16xf32>
      %parallel_loop3A_848 = arith.minimumf %parallel_loop3A_807, %parallel_loop3A_817 : vector<16xf32>
      %parallel_loop3A_849 = arith.select %parallel_loop3A_846, %parallel_loop3A_809, %parallel_loop3A_819 : vector<16xi1>, vector<16xi32>
      %parallel_loop3A_850 = arith.select %parallel_loop3A_846, %parallel_loop3A_819, %parallel_loop3A_809 : vector<16xi1>, vector<16xi32>
      %parallel_loop3A_851 = arith.cmpf oge, %parallel_loop3A_803, %parallel_loop3A_813 : vector<16xf32>
      %parallel_loop3A_852 = arith.maximumf %parallel_loop3A_803, %parallel_loop3A_813 : vector<16xf32>
      %parallel_loop3A_853 = arith.minimumf %parallel_loop3A_803, %parallel_loop3A_813 : vector<16xf32>
      %parallel_loop3A_854 = arith.select %parallel_loop3A_851, %parallel_loop3A_805, %parallel_loop3A_815 : vector<16xi1>, vector<16xi32>
      %parallel_loop3A_855 = arith.select %parallel_loop3A_851, %parallel_loop3A_815, %parallel_loop3A_805 : vector<16xi1>, vector<16xi32>
      %parallel_loop3A_856 = arith.cmpf oge, %parallel_loop3A_808, %parallel_loop3A_818 : vector<16xf32>
      %parallel_loop3A_857 = arith.maximumf %parallel_loop3A_808, %parallel_loop3A_818 : vector<16xf32>
      %parallel_loop3A_858 = arith.minimumf %parallel_loop3A_808, %parallel_loop3A_818 : vector<16xf32>
      %parallel_loop3A_859 = arith.select %parallel_loop3A_856, %parallel_loop3A_810, %parallel_loop3A_820 : vector<16xi1>, vector<16xi32>
      %parallel_loop3A_860 = arith.select %parallel_loop3A_856, %parallel_loop3A_820, %parallel_loop3A_810 : vector<16xi1>, vector<16xi32>
      %parallel_loop3A_861 = arith.cmpf oge, %parallel_loop3A_822, %parallel_loop3A_832 : vector<16xf32>
      %parallel_loop3A_862 = arith.maximumf %parallel_loop3A_822, %parallel_loop3A_832 : vector<16xf32>
      %parallel_loop3A_863 = arith.minimumf %parallel_loop3A_822, %parallel_loop3A_832 : vector<16xf32>
      %parallel_loop3A_864 = arith.select %parallel_loop3A_861, %parallel_loop3A_824, %parallel_loop3A_834 : vector<16xi1>, vector<16xi32>
      %parallel_loop3A_865 = arith.select %parallel_loop3A_861, %parallel_loop3A_834, %parallel_loop3A_824 : vector<16xi1>, vector<16xi32>
      %parallel_loop3A_866 = arith.cmpf oge, %parallel_loop3A_827, %parallel_loop3A_837 : vector<16xf32>
      %parallel_loop3A_867 = arith.maximumf %parallel_loop3A_827, %parallel_loop3A_837 : vector<16xf32>
      %parallel_loop3A_868 = arith.minimumf %parallel_loop3A_827, %parallel_loop3A_837 : vector<16xf32>
      %parallel_loop3A_869 = arith.select %parallel_loop3A_866, %parallel_loop3A_829, %parallel_loop3A_839 : vector<16xi1>, vector<16xi32>
      %parallel_loop3A_870 = arith.select %parallel_loop3A_866, %parallel_loop3A_839, %parallel_loop3A_829 : vector<16xi1>, vector<16xi32>
      %parallel_loop3A_871 = arith.cmpf oge, %parallel_loop3A_823, %parallel_loop3A_833 : vector<16xf32>
      %parallel_loop3A_872 = arith.maximumf %parallel_loop3A_823, %parallel_loop3A_833 : vector<16xf32>
      %parallel_loop3A_873 = arith.minimumf %parallel_loop3A_823, %parallel_loop3A_833 : vector<16xf32>
      %parallel_loop3A_874 = arith.select %parallel_loop3A_871, %parallel_loop3A_825, %parallel_loop3A_835 : vector<16xi1>, vector<16xi32>
      %parallel_loop3A_875 = arith.select %parallel_loop3A_871, %parallel_loop3A_835, %parallel_loop3A_825 : vector<16xi1>, vector<16xi32>
      %parallel_loop3A_876 = arith.cmpf oge, %parallel_loop3A_828, %parallel_loop3A_838 : vector<16xf32>
      %parallel_loop3A_877 = arith.maximumf %parallel_loop3A_828, %parallel_loop3A_838 : vector<16xf32>
      %parallel_loop3A_878 = arith.minimumf %parallel_loop3A_828, %parallel_loop3A_838 : vector<16xf32>
      %parallel_loop3A_879 = arith.select %parallel_loop3A_876, %parallel_loop3A_830, %parallel_loop3A_840 : vector<16xi1>, vector<16xi32>
      %parallel_loop3A_880 = arith.select %parallel_loop3A_876, %parallel_loop3A_840, %parallel_loop3A_830 : vector<16xi1>, vector<16xi32>
      %parallel_loop3A_881 = arith.cmpf oge, %parallel_loop3A_842, %parallel_loop3A_847 : vector<16xf32>
      %parallel_loop3A_882 = arith.maximumf %parallel_loop3A_842, %parallel_loop3A_847 : vector<16xf32>
      %parallel_loop3A_883 = arith.minimumf %parallel_loop3A_842, %parallel_loop3A_847 : vector<16xf32>
      %parallel_loop3A_884 = arith.select %parallel_loop3A_881, %parallel_loop3A_844, %parallel_loop3A_849 : vector<16xi1>, vector<16xi32>
      %parallel_loop3A_885 = arith.select %parallel_loop3A_881, %parallel_loop3A_849, %parallel_loop3A_844 : vector<16xi1>, vector<16xi32>
      %parallel_loop3A_886 = arith.cmpf oge, %parallel_loop3A_843, %parallel_loop3A_848 : vector<16xf32>
      %parallel_loop3A_887 = arith.maximumf %parallel_loop3A_843, %parallel_loop3A_848 : vector<16xf32>
      %parallel_loop3A_888 = arith.minimumf %parallel_loop3A_843, %parallel_loop3A_848 : vector<16xf32>
      %parallel_loop3A_889 = arith.select %parallel_loop3A_886, %parallel_loop3A_845, %parallel_loop3A_850 : vector<16xi1>, vector<16xi32>
      %parallel_loop3A_890 = arith.select %parallel_loop3A_886, %parallel_loop3A_850, %parallel_loop3A_845 : vector<16xi1>, vector<16xi32>
      %parallel_loop3A_891 = arith.cmpf oge, %parallel_loop3A_852, %parallel_loop3A_857 : vector<16xf32>
      %parallel_loop3A_892 = arith.maximumf %parallel_loop3A_852, %parallel_loop3A_857 : vector<16xf32>
      %parallel_loop3A_893 = arith.minimumf %parallel_loop3A_852, %parallel_loop3A_857 : vector<16xf32>
      %parallel_loop3A_894 = arith.select %parallel_loop3A_891, %parallel_loop3A_854, %parallel_loop3A_859 : vector<16xi1>, vector<16xi32>
      %parallel_loop3A_895 = arith.select %parallel_loop3A_891, %parallel_loop3A_859, %parallel_loop3A_854 : vector<16xi1>, vector<16xi32>
      %parallel_loop3A_896 = arith.cmpf oge, %parallel_loop3A_853, %parallel_loop3A_858 : vector<16xf32>
      %parallel_loop3A_897 = arith.maximumf %parallel_loop3A_853, %parallel_loop3A_858 : vector<16xf32>
      %parallel_loop3A_898 = arith.minimumf %parallel_loop3A_853, %parallel_loop3A_858 : vector<16xf32>
      %parallel_loop3A_899 = arith.select %parallel_loop3A_896, %parallel_loop3A_855, %parallel_loop3A_860 : vector<16xi1>, vector<16xi32>
      %parallel_loop3A_900 = arith.select %parallel_loop3A_896, %parallel_loop3A_860, %parallel_loop3A_855 : vector<16xi1>, vector<16xi32>
      %parallel_loop3A_901 = arith.cmpf oge, %parallel_loop3A_862, %parallel_loop3A_867 : vector<16xf32>
      %parallel_loop3A_902 = arith.maximumf %parallel_loop3A_862, %parallel_loop3A_867 : vector<16xf32>
      %parallel_loop3A_903 = arith.minimumf %parallel_loop3A_862, %parallel_loop3A_867 : vector<16xf32>
      %parallel_loop3A_904 = arith.select %parallel_loop3A_901, %parallel_loop3A_864, %parallel_loop3A_869 : vector<16xi1>, vector<16xi32>
      %parallel_loop3A_905 = arith.select %parallel_loop3A_901, %parallel_loop3A_869, %parallel_loop3A_864 : vector<16xi1>, vector<16xi32>
      %parallel_loop3A_906 = arith.cmpf oge, %parallel_loop3A_863, %parallel_loop3A_868 : vector<16xf32>
      %parallel_loop3A_907 = arith.maximumf %parallel_loop3A_863, %parallel_loop3A_868 : vector<16xf32>
      %parallel_loop3A_908 = arith.minimumf %parallel_loop3A_863, %parallel_loop3A_868 : vector<16xf32>
      %parallel_loop3A_909 = arith.select %parallel_loop3A_906, %parallel_loop3A_865, %parallel_loop3A_870 : vector<16xi1>, vector<16xi32>
      %parallel_loop3A_910 = arith.select %parallel_loop3A_906, %parallel_loop3A_870, %parallel_loop3A_865 : vector<16xi1>, vector<16xi32>
      %parallel_loop3A_911 = arith.cmpf oge, %parallel_loop3A_872, %parallel_loop3A_877 : vector<16xf32>
      %parallel_loop3A_912 = arith.maximumf %parallel_loop3A_872, %parallel_loop3A_877 : vector<16xf32>
      %parallel_loop3A_913 = arith.minimumf %parallel_loop3A_872, %parallel_loop3A_877 : vector<16xf32>
      %parallel_loop3A_914 = arith.select %parallel_loop3A_911, %parallel_loop3A_874, %parallel_loop3A_879 : vector<16xi1>, vector<16xi32>
      %parallel_loop3A_915 = arith.select %parallel_loop3A_911, %parallel_loop3A_879, %parallel_loop3A_874 : vector<16xi1>, vector<16xi32>
      %parallel_loop3A_916 = arith.cmpf oge, %parallel_loop3A_873, %parallel_loop3A_878 : vector<16xf32>
      %parallel_loop3A_917 = arith.maximumf %parallel_loop3A_873, %parallel_loop3A_878 : vector<16xf32>
      %parallel_loop3A_918 = arith.minimumf %parallel_loop3A_873, %parallel_loop3A_878 : vector<16xf32>
      %parallel_loop3A_919 = arith.select %parallel_loop3A_916, %parallel_loop3A_875, %parallel_loop3A_880 : vector<16xi1>, vector<16xi32>
      %parallel_loop3A_920 = arith.select %parallel_loop3A_916, %parallel_loop3A_880, %parallel_loop3A_875 : vector<16xi1>, vector<16xi32>
      %parallel_loop3A_921 = arith.constant dense<true> : vector<16xi1>
      %parallel_loop3A_922, %parallel_loop3A_923, %parallel_loop3A_924 = tpu.sort %parallel_loop3A_882, %parallel_loop3A_884 masked %parallel_loop3A_921 {descending = true} : (vector<16xf32>, vector<16xi32>, vector<16xi1>) -> (vector<16xi1>, vector<16xf32>, vector<16xi32>)
      %parallel_loop3A_925 = arith.constant dense<true> : vector<16xi1>
      %parallel_loop3A_926, %parallel_loop3A_927, %parallel_loop3A_928 = tpu.sort %parallel_loop3A_883, %parallel_loop3A_885 masked %parallel_loop3A_925 {descending = true} : (vector<16xf32>, vector<16xi32>, vector<16xi1>) -> (vector<16xi1>, vector<16xf32>, vector<16xi32>)
      %parallel_loop3A_929 = arith.constant dense<true> : vector<16xi1>
      %parallel_loop3A_930, %parallel_loop3A_931, %parallel_loop3A_932 = tpu.sort %parallel_loop3A_887, %parallel_loop3A_889 masked %parallel_loop3A_929 {descending = true} : (vector<16xf32>, vector<16xi32>, vector<16xi1>) -> (vector<16xi1>, vector<16xf32>, vector<16xi32>)
      %parallel_loop3A_933 = arith.constant dense<true> : vector<16xi1>
      %parallel_loop3A_934, %parallel_loop3A_935, %parallel_loop3A_936 = tpu.sort %parallel_loop3A_888, %parallel_loop3A_890 masked %parallel_loop3A_933 {descending = true} : (vector<16xf32>, vector<16xi32>, vector<16xi1>) -> (vector<16xi1>, vector<16xf32>, vector<16xi32>)
      %parallel_loop3A_937 = arith.constant dense<true> : vector<16xi1>
      %parallel_loop3A_938, %parallel_loop3A_939, %parallel_loop3A_940 = tpu.sort %parallel_loop3A_892, %parallel_loop3A_894 masked %parallel_loop3A_937 {descending = true} : (vector<16xf32>, vector<16xi32>, vector<16xi1>) -> (vector<16xi1>, vector<16xf32>, vector<16xi32>)
      %parallel_loop3A_941 = arith.constant dense<true> : vector<16xi1>
      %parallel_loop3A_942, %parallel_loop3A_943, %parallel_loop3A_944 = tpu.sort %parallel_loop3A_893, %parallel_loop3A_895 masked %parallel_loop3A_941 {descending = true} : (vector<16xf32>, vector<16xi32>, vector<16xi1>) -> (vector<16xi1>, vector<16xf32>, vector<16xi32>)
      %parallel_loop3A_945 = arith.constant dense<true> : vector<16xi1>
      %parallel_loop3A_946, %parallel_loop3A_947, %parallel_loop3A_948 = tpu.sort %parallel_loop3A_897, %parallel_loop3A_899 masked %parallel_loop3A_945 {descending = true} : (vector<16xf32>, vector<16xi32>, vector<16xi1>) -> (vector<16xi1>, vector<16xf32>, vector<16xi32>)
      %parallel_loop3A_949 = arith.constant dense<true> : vector<16xi1>
      %parallel_loop3A_950, %parallel_loop3A_951, %parallel_loop3A_952 = tpu.sort %parallel_loop3A_898, %parallel_loop3A_900 masked %parallel_loop3A_949 {descending = true} : (vector<16xf32>, vector<16xi32>, vector<16xi1>) -> (vector<16xi1>, vector<16xf32>, vector<16xi32>)
      %parallel_loop3A_953 = arith.constant dense<true> : vector<16xi1>
      %parallel_loop3A_954, %parallel_loop3A_955, %parallel_loop3A_956 = tpu.sort %parallel_loop3A_902, %parallel_loop3A_904 masked %parallel_loop3A_953 {descending = true} : (vector<16xf32>, vector<16xi32>, vector<16xi1>) -> (vector<16xi1>, vector<16xf32>, vector<16xi32>)
      %parallel_loop3A_957 = arith.constant dense<true> : vector<16xi1>
      %parallel_loop3A_958, %parallel_loop3A_959, %parallel_loop3A_960 = tpu.sort %parallel_loop3A_903, %parallel_loop3A_905 masked %parallel_loop3A_957 {descending = true} : (vector<16xf32>, vector<16xi32>, vector<16xi1>) -> (vector<16xi1>, vector<16xf32>, vector<16xi32>)
      %parallel_loop3A_961 = arith.constant dense<true> : vector<16xi1>
      %parallel_loop3A_962, %parallel_loop3A_963, %parallel_loop3A_964 = tpu.sort %parallel_loop3A_907, %parallel_loop3A_909 masked %parallel_loop3A_961 {descending = true} : (vector<16xf32>, vector<16xi32>, vector<16xi1>) -> (vector<16xi1>, vector<16xf32>, vector<16xi32>)
      %parallel_loop3A_965 = arith.constant dense<true> : vector<16xi1>
      %parallel_loop3A_966, %parallel_loop3A_967, %parallel_loop3A_968 = tpu.sort %parallel_loop3A_908, %parallel_loop3A_910 masked %parallel_loop3A_965 {descending = true} : (vector<16xf32>, vector<16xi32>, vector<16xi1>) -> (vector<16xi1>, vector<16xf32>, vector<16xi32>)
      %parallel_loop3A_969 = arith.constant dense<true> : vector<16xi1>
      %parallel_loop3A_970, %parallel_loop3A_971, %parallel_loop3A_972 = tpu.sort %parallel_loop3A_912, %parallel_loop3A_914 masked %parallel_loop3A_969 {descending = true} : (vector<16xf32>, vector<16xi32>, vector<16xi1>) -> (vector<16xi1>, vector<16xf32>, vector<16xi32>)
      %parallel_loop3A_973 = arith.constant dense<true> : vector<16xi1>
      %parallel_loop3A_974, %parallel_loop3A_975, %parallel_loop3A_976 = tpu.sort %parallel_loop3A_913, %parallel_loop3A_915 masked %parallel_loop3A_973 {descending = true} : (vector<16xf32>, vector<16xi32>, vector<16xi1>) -> (vector<16xi1>, vector<16xf32>, vector<16xi32>)
      %parallel_loop3A_977 = arith.constant dense<true> : vector<16xi1>
      %parallel_loop3A_978, %parallel_loop3A_979, %parallel_loop3A_980 = tpu.sort %parallel_loop3A_917, %parallel_loop3A_919 masked %parallel_loop3A_977 {descending = true} : (vector<16xf32>, vector<16xi32>, vector<16xi1>) -> (vector<16xi1>, vector<16xf32>, vector<16xi32>)
      %parallel_loop3A_981 = arith.constant dense<true> : vector<16xi1>
      %parallel_loop3A_982, %parallel_loop3A_983, %parallel_loop3A_984 = tpu.sort %parallel_loop3A_918, %parallel_loop3A_920 masked %parallel_loop3A_981 {descending = true} : (vector<16xf32>, vector<16xi32>, vector<16xi1>) -> (vector<16xi1>, vector<16xf32>, vector<16xi32>)
      %parallel_loop3A_985 = arith.constant 16 : i32
      %parallel_loop3A_986 = vector.broadcast %parallel_loop3A_985 : i32 to vector<16xi32>
      %parallel_loop3A_987 = arith.muli %iota3A, %parallel_loop3A_986 : vector<16xi32>
      %parallel_loop3A_988 = arith.constant 0 : i32
      %parallel_loop3A_989 = vector.broadcast %parallel_loop3A_988 : i32 to vector<16xi32>
      %parallel_loop3A_990 = arith.addi %parallel_loop3A_989, %parallel_loop3A_987 : vector<16xi32>
      %parallel_loop3A_991 = vector.broadcast %parallel_loop3A_168 : i32 to vector<16xi32>
      %parallel_loop3A_992 = arith.addi %parallel_loop3A_990, %parallel_loop3A_991 : vector<16xi32>
      tpu.vector_store_idx %arg6[%parallel_loop3A_992], %parallel_loop3A_923 : memref<4096xf32, #tpu.memory_space<vmem>>[vector<16xi32>], vector<16xf32>,
      tpu.vector_store_idx %arg7[%parallel_loop3A_992], %parallel_loop3A_924 : memref<4096xi32, #tpu.memory_space<vmem>>[vector<16xi32>], vector<16xi32>,
      %parallel_loop3A_993 = arith.constant 16 : i32
      %parallel_loop3A_994 = vector.broadcast %parallel_loop3A_993 : i32 to vector<16xi32>
      %parallel_loop3A_995 = arith.muli %iota3A, %parallel_loop3A_994 : vector<16xi32>
      %parallel_loop3A_996 = arith.constant 256 : i32
      %parallel_loop3A_997 = vector.broadcast %parallel_loop3A_996 : i32 to vector<16xi32>
      %parallel_loop3A_998 = arith.addi %parallel_loop3A_997, %parallel_loop3A_995 : vector<16xi32>
      %parallel_loop3A_999 = vector.broadcast %parallel_loop3A_168 : i32 to vector<16xi32>
      %parallel_loop3A_1000 = arith.addi %parallel_loop3A_998, %parallel_loop3A_999 : vector<16xi32>
      tpu.vector_store_idx %arg6[%parallel_loop3A_1000], %parallel_loop3A_927 : memref<4096xf32, #tpu.memory_space<vmem>>[vector<16xi32>], vector<16xf32>,
      tpu.vector_store_idx %arg7[%parallel_loop3A_1000], %parallel_loop3A_928 : memref<4096xi32, #tpu.memory_space<vmem>>[vector<16xi32>], vector<16xi32>,
      %parallel_loop3A_1001 = arith.constant 16 : i32
      %parallel_loop3A_1002 = vector.broadcast %parallel_loop3A_1001 : i32 to vector<16xi32>
      %parallel_loop3A_1003 = arith.muli %iota3A, %parallel_loop3A_1002 : vector<16xi32>
      %parallel_loop3A_1004 = arith.constant 512 : i32
      %parallel_loop3A_1005 = vector.broadcast %parallel_loop3A_1004 : i32 to vector<16xi32>
      %parallel_loop3A_1006 = arith.addi %parallel_loop3A_1005, %parallel_loop3A_1003 : vector<16xi32>
      %parallel_loop3A_1007 = vector.broadcast %parallel_loop3A_168 : i32 to vector<16xi32>
      %parallel_loop3A_1008 = arith.addi %parallel_loop3A_1006, %parallel_loop3A_1007 : vector<16xi32>
      tpu.vector_store_idx %arg6[%parallel_loop3A_1008], %parallel_loop3A_931 : memref<4096xf32, #tpu.memory_space<vmem>>[vector<16xi32>], vector<16xf32>,
      tpu.vector_store_idx %arg7[%parallel_loop3A_1008], %parallel_loop3A_932 : memref<4096xi32, #tpu.memory_space<vmem>>[vector<16xi32>], vector<16xi32>,
      %parallel_loop3A_1009 = arith.constant 16 : i32
      %parallel_loop3A_1010 = vector.broadcast %parallel_loop3A_1009 : i32 to vector<16xi32>
      %parallel_loop3A_1011 = arith.muli %iota3A, %parallel_loop3A_1010 : vector<16xi32>
      %parallel_loop3A_1012 = arith.constant 768 : i32
      %parallel_loop3A_1013 = vector.broadcast %parallel_loop3A_1012 : i32 to vector<16xi32>
      %parallel_loop3A_1014 = arith.addi %parallel_loop3A_1013, %parallel_loop3A_1011 : vector<16xi32>
      %parallel_loop3A_1015 = vector.broadcast %parallel_loop3A_168 : i32 to vector<16xi32>
      %parallel_loop3A_1016 = arith.addi %parallel_loop3A_1014, %parallel_loop3A_1015 : vector<16xi32>
      tpu.vector_store_idx %arg6[%parallel_loop3A_1016], %parallel_loop3A_935 : memref<4096xf32, #tpu.memory_space<vmem>>[vector<16xi32>], vector<16xf32>,
      tpu.vector_store_idx %arg7[%parallel_loop3A_1016], %parallel_loop3A_936 : memref<4096xi32, #tpu.memory_space<vmem>>[vector<16xi32>], vector<16xi32>,
      %parallel_loop3A_1017 = arith.constant 16 : i32
      %parallel_loop3A_1018 = vector.broadcast %parallel_loop3A_1017 : i32 to vector<16xi32>
      %parallel_loop3A_1019 = arith.muli %iota3A, %parallel_loop3A_1018 : vector<16xi32>
      %parallel_loop3A_1020 = arith.constant 1024 : i32
      %parallel_loop3A_1021 = vector.broadcast %parallel_loop3A_1020 : i32 to vector<16xi32>
      %parallel_loop3A_1022 = arith.addi %parallel_loop3A_1021, %parallel_loop3A_1019 : vector<16xi32>
      %parallel_loop3A_1023 = vector.broadcast %parallel_loop3A_168 : i32 to vector<16xi32>
      %parallel_loop3A_1024 = arith.addi %parallel_loop3A_1022, %parallel_loop3A_1023 : vector<16xi32>
      tpu.vector_store_idx %arg6[%parallel_loop3A_1024], %parallel_loop3A_939 : memref<4096xf32, #tpu.memory_space<vmem>>[vector<16xi32>], vector<16xf32>,
      tpu.vector_store_idx %arg7[%parallel_loop3A_1024], %parallel_loop3A_940 : memref<4096xi32, #tpu.memory_space<vmem>>[vector<16xi32>], vector<16xi32>,
      %parallel_loop3A_1025 = arith.constant 16 : i32
      %parallel_loop3A_1026 = vector.broadcast %parallel_loop3A_1025 : i32 to vector<16xi32>
      %parallel_loop3A_1027 = arith.muli %iota3A, %parallel_loop3A_1026 : vector<16xi32>
      %parallel_loop3A_1028 = arith.constant 1280 : i32
      %parallel_loop3A_1029 = vector.broadcast %parallel_loop3A_1028 : i32 to vector<16xi32>
      %parallel_loop3A_1030 = arith.addi %parallel_loop3A_1029, %parallel_loop3A_1027 : vector<16xi32>
      %parallel_loop3A_1031 = vector.broadcast %parallel_loop3A_168 : i32 to vector<16xi32>
      %parallel_loop3A_1032 = arith.addi %parallel_loop3A_1030, %parallel_loop3A_1031 : vector<16xi32>
      tpu.vector_store_idx %arg6[%parallel_loop3A_1032], %parallel_loop3A_943 : memref<4096xf32, #tpu.memory_space<vmem>>[vector<16xi32>], vector<16xf32>,
      tpu.vector_store_idx %arg7[%parallel_loop3A_1032], %parallel_loop3A_944 : memref<4096xi32, #tpu.memory_space<vmem>>[vector<16xi32>], vector<16xi32>,
      %parallel_loop3A_1033 = arith.constant 16 : i32
      %parallel_loop3A_1034 = vector.broadcast %parallel_loop3A_1033 : i32 to vector<16xi32>
      %parallel_loop3A_1035 = arith.muli %iota3A, %parallel_loop3A_1034 : vector<16xi32>
      %parallel_loop3A_1036 = arith.constant 1536 : i32
      %parallel_loop3A_1037 = vector.broadcast %parallel_loop3A_1036 : i32 to vector<16xi32>
      %parallel_loop3A_1038 = arith.addi %parallel_loop3A_1037, %parallel_loop3A_1035 : vector<16xi32>
      %parallel_loop3A_1039 = vector.broadcast %parallel_loop3A_168 : i32 to vector<16xi32>
      %parallel_loop3A_1040 = arith.addi %parallel_loop3A_1038, %parallel_loop3A_1039 : vector<16xi32>
      tpu.vector_store_idx %arg6[%parallel_loop3A_1040], %parallel_loop3A_947 : memref<4096xf32, #tpu.memory_space<vmem>>[vector<16xi32>], vector<16xf32>,
      tpu.vector_store_idx %arg7[%parallel_loop3A_1040], %parallel_loop3A_948 : memref<4096xi32, #tpu.memory_space<vmem>>[vector<16xi32>], vector<16xi32>,
      %parallel_loop3A_1041 = arith.constant 16 : i32
      %parallel_loop3A_1042 = vector.broadcast %parallel_loop3A_1041 : i32 to vector<16xi32>
      %parallel_loop3A_1043 = arith.muli %iota3A, %parallel_loop3A_1042 : vector<16xi32>
      %parallel_loop3A_1044 = arith.constant 1792 : i32
      %parallel_loop3A_1045 = vector.broadcast %parallel_loop3A_1044 : i32 to vector<16xi32>
      %parallel_loop3A_1046 = arith.addi %parallel_loop3A_1045, %parallel_loop3A_1043 : vector<16xi32>
      %parallel_loop3A_1047 = vector.broadcast %parallel_loop3A_168 : i32 to vector<16xi32>
      %parallel_loop3A_1048 = arith.addi %parallel_loop3A_1046, %parallel_loop3A_1047 : vector<16xi32>
      tpu.vector_store_idx %arg6[%parallel_loop3A_1048], %parallel_loop3A_951 : memref<4096xf32, #tpu.memory_space<vmem>>[vector<16xi32>], vector<16xf32>,
      tpu.vector_store_idx %arg7[%parallel_loop3A_1048], %parallel_loop3A_952 : memref<4096xi32, #tpu.memory_space<vmem>>[vector<16xi32>], vector<16xi32>,
      %parallel_loop3A_1049 = arith.constant 16 : i32
      %parallel_loop3A_1050 = vector.broadcast %parallel_loop3A_1049 : i32 to vector<16xi32>
      %parallel_loop3A_1051 = arith.muli %iota3A, %parallel_loop3A_1050 : vector<16xi32>
      %parallel_loop3A_1052 = arith.constant 2048 : i32
      %parallel_loop3A_1053 = vector.broadcast %parallel_loop3A_1052 : i32 to vector<16xi32>
      %parallel_loop3A_1054 = arith.addi %parallel_loop3A_1053, %parallel_loop3A_1051 : vector<16xi32>
      %parallel_loop3A_1055 = vector.broadcast %parallel_loop3A_168 : i32 to vector<16xi32>
      %parallel_loop3A_1056 = arith.addi %parallel_loop3A_1054, %parallel_loop3A_1055 : vector<16xi32>
      tpu.vector_store_idx %arg6[%parallel_loop3A_1056], %parallel_loop3A_955 : memref<4096xf32, #tpu.memory_space<vmem>>[vector<16xi32>], vector<16xf32>,
      tpu.vector_store_idx %arg7[%parallel_loop3A_1056], %parallel_loop3A_956 : memref<4096xi32, #tpu.memory_space<vmem>>[vector<16xi32>], vector<16xi32>,
      %parallel_loop3A_1057 = arith.constant 16 : i32
      %parallel_loop3A_1058 = vector.broadcast %parallel_loop3A_1057 : i32 to vector<16xi32>
      %parallel_loop3A_1059 = arith.muli %iota3A, %parallel_loop3A_1058 : vector<16xi32>
      %parallel_loop3A_1060 = arith.constant 2304 : i32
      %parallel_loop3A_1061 = vector.broadcast %parallel_loop3A_1060 : i32 to vector<16xi32>
      %parallel_loop3A_1062 = arith.addi %parallel_loop3A_1061, %parallel_loop3A_1059 : vector<16xi32>
      %parallel_loop3A_1063 = vector.broadcast %parallel_loop3A_168 : i32 to vector<16xi32>
      %parallel_loop3A_1064 = arith.addi %parallel_loop3A_1062, %parallel_loop3A_1063 : vector<16xi32>
      tpu.vector_store_idx %arg6[%parallel_loop3A_1064], %parallel_loop3A_959 : memref<4096xf32, #tpu.memory_space<vmem>>[vector<16xi32>], vector<16xf32>,
      tpu.vector_store_idx %arg7[%parallel_loop3A_1064], %parallel_loop3A_960 : memref<4096xi32, #tpu.memory_space<vmem>>[vector<16xi32>], vector<16xi32>,
      %parallel_loop3A_1065 = arith.constant 16 : i32
      %parallel_loop3A_1066 = vector.broadcast %parallel_loop3A_1065 : i32 to vector<16xi32>
      %parallel_loop3A_1067 = arith.muli %iota3A, %parallel_loop3A_1066 : vector<16xi32>
      %parallel_loop3A_1068 = arith.constant 2560 : i32
      %parallel_loop3A_1069 = vector.broadcast %parallel_loop3A_1068 : i32 to vector<16xi32>
      %parallel_loop3A_1070 = arith.addi %parallel_loop3A_1069, %parallel_loop3A_1067 : vector<16xi32>
      %parallel_loop3A_1071 = vector.broadcast %parallel_loop3A_168 : i32 to vector<16xi32>
      %parallel_loop3A_1072 = arith.addi %parallel_loop3A_1070, %parallel_loop3A_1071 : vector<16xi32>
      tpu.vector_store_idx %arg6[%parallel_loop3A_1072], %parallel_loop3A_963 : memref<4096xf32, #tpu.memory_space<vmem>>[vector<16xi32>], vector<16xf32>,
      tpu.vector_store_idx %arg7[%parallel_loop3A_1072], %parallel_loop3A_964 : memref<4096xi32, #tpu.memory_space<vmem>>[vector<16xi32>], vector<16xi32>,
      %parallel_loop3A_1073 = arith.constant 16 : i32
      %parallel_loop3A_1074 = vector.broadcast %parallel_loop3A_1073 : i32 to vector<16xi32>
      %parallel_loop3A_1075 = arith.muli %iota3A, %parallel_loop3A_1074 : vector<16xi32>
      %parallel_loop3A_1076 = arith.constant 2816 : i32
      %parallel_loop3A_1077 = vector.broadcast %parallel_loop3A_1076 : i32 to vector<16xi32>
      %parallel_loop3A_1078 = arith.addi %parallel_loop3A_1077, %parallel_loop3A_1075 : vector<16xi32>
      %parallel_loop3A_1079 = vector.broadcast %parallel_loop3A_168 : i32 to vector<16xi32>
      %parallel_loop3A_1080 = arith.addi %parallel_loop3A_1078, %parallel_loop3A_1079 : vector<16xi32>
      tpu.vector_store_idx %arg6[%parallel_loop3A_1080], %parallel_loop3A_967 : memref<4096xf32, #tpu.memory_space<vmem>>[vector<16xi32>], vector<16xf32>,
      tpu.vector_store_idx %arg7[%parallel_loop3A_1080], %parallel_loop3A_968 : memref<4096xi32, #tpu.memory_space<vmem>>[vector<16xi32>], vector<16xi32>,
      %parallel_loop3A_1081 = arith.constant 16 : i32
      %parallel_loop3A_1082 = vector.broadcast %parallel_loop3A_1081 : i32 to vector<16xi32>
      %parallel_loop3A_1083 = arith.muli %iota3A, %parallel_loop3A_1082 : vector<16xi32>
      %parallel_loop3A_1084 = arith.constant 3072 : i32
      %parallel_loop3A_1085 = vector.broadcast %parallel_loop3A_1084 : i32 to vector<16xi32>
      %parallel_loop3A_1086 = arith.addi %parallel_loop3A_1085, %parallel_loop3A_1083 : vector<16xi32>
      %parallel_loop3A_1087 = vector.broadcast %parallel_loop3A_168 : i32 to vector<16xi32>
      %parallel_loop3A_1088 = arith.addi %parallel_loop3A_1086, %parallel_loop3A_1087 : vector<16xi32>
      tpu.vector_store_idx %arg6[%parallel_loop3A_1088], %parallel_loop3A_971 : memref<4096xf32, #tpu.memory_space<vmem>>[vector<16xi32>], vector<16xf32>,
      tpu.vector_store_idx %arg7[%parallel_loop3A_1088], %parallel_loop3A_972 : memref<4096xi32, #tpu.memory_space<vmem>>[vector<16xi32>], vector<16xi32>,
      %parallel_loop3A_1089 = arith.constant 16 : i32
      %parallel_loop3A_1090 = vector.broadcast %parallel_loop3A_1089 : i32 to vector<16xi32>
      %parallel_loop3A_1091 = arith.muli %iota3A, %parallel_loop3A_1090 : vector<16xi32>
      %parallel_loop3A_1092 = arith.constant 3328 : i32
      %parallel_loop3A_1093 = vector.broadcast %parallel_loop3A_1092 : i32 to vector<16xi32>
      %parallel_loop3A_1094 = arith.addi %parallel_loop3A_1093, %parallel_loop3A_1091 : vector<16xi32>
      %parallel_loop3A_1095 = vector.broadcast %parallel_loop3A_168 : i32 to vector<16xi32>
      %parallel_loop3A_1096 = arith.addi %parallel_loop3A_1094, %parallel_loop3A_1095 : vector<16xi32>
      tpu.vector_store_idx %arg6[%parallel_loop3A_1096], %parallel_loop3A_975 : memref<4096xf32, #tpu.memory_space<vmem>>[vector<16xi32>], vector<16xf32>,
      tpu.vector_store_idx %arg7[%parallel_loop3A_1096], %parallel_loop3A_976 : memref<4096xi32, #tpu.memory_space<vmem>>[vector<16xi32>], vector<16xi32>,
      %parallel_loop3A_1097 = arith.constant 16 : i32
      %parallel_loop3A_1098 = vector.broadcast %parallel_loop3A_1097 : i32 to vector<16xi32>
      %parallel_loop3A_1099 = arith.muli %iota3A, %parallel_loop3A_1098 : vector<16xi32>
      %parallel_loop3A_1100 = arith.constant 3584 : i32
      %parallel_loop3A_1101 = vector.broadcast %parallel_loop3A_1100 : i32 to vector<16xi32>
      %parallel_loop3A_1102 = arith.addi %parallel_loop3A_1101, %parallel_loop3A_1099 : vector<16xi32>
      %parallel_loop3A_1103 = vector.broadcast %parallel_loop3A_168 : i32 to vector<16xi32>
      %parallel_loop3A_1104 = arith.addi %parallel_loop3A_1102, %parallel_loop3A_1103 : vector<16xi32>
      tpu.vector_store_idx %arg6[%parallel_loop3A_1104], %parallel_loop3A_979 : memref<4096xf32, #tpu.memory_space<vmem>>[vector<16xi32>], vector<16xf32>,
      tpu.vector_store_idx %arg7[%parallel_loop3A_1104], %parallel_loop3A_980 : memref<4096xi32, #tpu.memory_space<vmem>>[vector<16xi32>], vector<16xi32>,
      %parallel_loop3A_1105 = arith.constant 16 : i32
      %parallel_loop3A_1106 = vector.broadcast %parallel_loop3A_1105 : i32 to vector<16xi32>
      %parallel_loop3A_1107 = arith.muli %iota3A, %parallel_loop3A_1106 : vector<16xi32>
      %parallel_loop3A_1108 = arith.constant 3840 : i32
      %parallel_loop3A_1109 = vector.broadcast %parallel_loop3A_1108 : i32 to vector<16xi32>
      %parallel_loop3A_1110 = arith.addi %parallel_loop3A_1109, %parallel_loop3A_1107 : vector<16xi32>
      %parallel_loop3A_1111 = vector.broadcast %parallel_loop3A_168 : i32 to vector<16xi32>
      %parallel_loop3A_1112 = arith.addi %parallel_loop3A_1110, %parallel_loop3A_1111 : vector<16xi32>
      tpu.vector_store_idx %arg6[%parallel_loop3A_1112], %parallel_loop3A_983 : memref<4096xf32, #tpu.memory_space<vmem>>[vector<16xi32>], vector<16xf32>,
      tpu.vector_store_idx %arg7[%parallel_loop3A_1112], %parallel_loop3A_984 : memref<4096xi32, #tpu.memory_space<vmem>>[vector<16xi32>], vector<16xi32>,
    } {sc.loop_unroll_factor = 2 : i64, sc.parallel_access}
    %get3A = arith.constant 0 : index
    %get3A_45 = tpu.vector_load %arg6[%get3A] {strides = array<i32>} : memref<4096xf32, #tpu.memory_space<vmem>>, vector<16xf32>,
    %sub3A = arith.constant 2.560000e+02 : f32
    %sub3A_46 = vector.broadcast %sub3A : f32 to vector<16xf32>
    %sub3A_47 = arith.subf %get3A_45, %sub3A_46 : vector<16xf32>
    %broadcast_in_dim3A = arith.constant 0.000000e+00 : f32
    %broadcast_in_dim3A_48 = vector.broadcast %broadcast_in_dim3A : f32 to vector<16xf32>
    %broadcast_in_dim3A_49 = arith.constant 1.000000e+00 : f32
    %broadcast_in_dim3A_50 = vector.broadcast %broadcast_in_dim3A_49 : f32 to vector<16xf32>
    %broadcast_in_dim3A_51 = arith.constant 0 : i32
    %broadcast_in_dim3A_52 = vector.broadcast %broadcast_in_dim3A_51 : i32 to vector<16xi32>
    %broadcast_in_dim3A_53 = arith.constant 1 : i32
    %broadcast_in_dim3A_54 = vector.broadcast %broadcast_in_dim3A_53 : i32 to vector<16xi32>
    %scan3A = arith.constant 0 : i32
    %scan3A_55 = arith.constant 510 : i32
    %scan3A_56 = arith.addi %scan3A, %scan3A_55 : i32
    %scan3A_57 = arith.constant 1 : i32
    %scan3A_58:8 = scf.for %scan3A_168 = %scan3A to %scan3A_56 step %scan3A_57 iter_args(%scan3A_169 = %sub3A_47, %scan3A_170 = %broadcast_in_dim3A_50, %scan3A_171 = %broadcast_in_dim3A_48, %scan3A_172 = %broadcast_in_dim3A_48, %scan3A_173 = %broadcast_in_dim3A_48, %scan3A_174 = %broadcast_in_dim3A_48, %scan3A_175 = %broadcast_in_dim3A_52, %scan3A_176 = %broadcast_in_dim3A_54) -> (vector<16xf32>, vector<16xf32>, vector<16xf32>, vector<16xf32>, vector<16xf32>, vector<16xf32>, vector<16xi32>, vector<16xi32>)  : i32 {
      %min3A = arith.constant 255 : i32
      %min3A_177 = vector.broadcast %min3A : i32 to vector<16xi32>
      %min3A_178 = arith.minsi %scan3A_176, %min3A_177 : vector<16xi32>
      %mul3A_179 = arith.constant 16 : i32
      %mul3A_180 = vector.broadcast %mul3A_179 : i32 to vector<16xi32>
      %mul3A_181 = arith.muli %min3A_178, %mul3A_180 : vector<16xi32>
      %add3A_182 = arith.addi %mul3A_181, %iota3A : vector<16xi32>
      %gather3A = tpu.vector_load_idx %arg6[%add3A_182] : memref<4096xf32, #tpu.memory_space<vmem>>[vector<16xi32>], vector<16xf32>,
      %convert_element_type3A_183 = arith.sitofp %min3A_178 : vector<16xi32> to vector<16xf32>
      %sub3A_184 = arith.constant 2.560000e+02 : f32
      %sub3A_185 = vector.broadcast %sub3A_184 : f32 to vector<16xf32>
      %sub3A_186 = arith.subf %sub3A_185, %convert_element_type3A_183 : vector<16xf32>
      %sub3A_187 = arith.subf %gather3A, %sub3A_186 : vector<16xf32>
      %gt3A = arith.constant 0 : i32
      %gt3A_188 = vector.broadcast %gt3A : i32 to vector<16xi32>
      %gt3A_189 = arith.cmpi sgt, %scan3A_175, %gt3A_188 : vector<16xi32>
      %mul3A_190 = arith.mulf %scan3A_169, %scan3A_172 : vector<16xf32>
      %mul3A_191 = arith.mulf %scan3A_171, %scan3A_170 : vector<16xf32>
      %ge3A = arith.cmpf oge, %mul3A_190, %mul3A_191 : vector<16xf32>
      %and3A = arith.andi %gt3A_189, %ge3A : vector<16xi1>
      %jit3A = arith.constant 0.000000e+00 : f32
      %broadcast_in_dim3A_192 = vector.broadcast %jit3A : f32 to vector<16xf32>
      %select_n3A_193 = arith.select %and3A, %scan3A_171, %broadcast_in_dim3A_192 : vector<16xi1>, vector<16xf32>
      %add3A_194 = arith.addf %scan3A_169, %select_n3A_193 : vector<16xf32>
      %jit3A_195 = arith.constant 0.000000e+00 : f32
      %broadcast_in_dim3A_196 = vector.broadcast %jit3A_195 : f32 to vector<16xf32>
      %select_n3A_197 = arith.select %and3A, %scan3A_172, %broadcast_in_dim3A_196 : vector<16xi1>, vector<16xf32>
      %add3A_198 = arith.addf %scan3A_170, %select_n3A_197 : vector<16xf32>
      %ge3A_199 = arith.constant 3 : i32
      %ge3A_200 = vector.broadcast %ge3A_199 : i32 to vector<16xi32>
      %ge3A_201 = arith.cmpi sge, %scan3A_175, %ge3A_200 : vector<16xi32>
      %and3A_202 = arith.andi %and3A, %ge3A_201 : vector<16xi1>
      %sub3A_203 = arith.constant 3 : i32
      %sub3A_204 = vector.broadcast %sub3A_203 : i32 to vector<16xi32>
      %sub3A_205 = arith.subi %scan3A_175, %sub3A_204 : vector<16xi32>
      %mul3A_206 = arith.constant 16 : i32
      %mul3A_207 = vector.broadcast %mul3A_206 : i32 to vector<16xi32>
      %mul3A_208 = arith.muli %sub3A_205, %mul3A_207 : vector<16xi32>
      %add3A_209 = arith.addi %mul3A_208, %iota3A : vector<16xi32>
      %select_n3A_210 = arith.select %and3A_202, %add3A_209, %iota3A : vector<16xi1>, vector<16xi32>
      %gather3A_211 = tpu.vector_load_idx %arg8[%select_n3A_210] masked %and3A_202 : memref<4096xf32, #tpu.memory_space<vmem>>[vector<16xi32>], vector<16xf32>, vector<16xi1>
      %gather3A_212 = tpu.vector_load_idx %arg9[%select_n3A_210] masked %and3A_202 : memref<4096xf32, #tpu.memory_space<vmem>>[vector<16xi32>], vector<16xf32>, vector<16xi1>
      %convert_element_type3A_213 = arith.extui %and3A : vector<16xi1> to vector<16xi32>
      %sub3A_214 = arith.subi %scan3A_175, %convert_element_type3A_213 : vector<16xi32>
      %not3A = arith.constant dense<true> : vector<16xi1>
      %not3A_215 = arith.xori %and3A, %not3A : vector<16xi1>
      %lt3A_216 = arith.constant 256 : i32
      %lt3A_217 = vector.broadcast %lt3A_216 : i32 to vector<16xi32>
      %lt3A_218 = arith.cmpi slt, %scan3A_176, %lt3A_217 : vector<16xi32>
      %and3A_219 = arith.andi %not3A_215, %lt3A_218 : vector<16xi1>
      %mul3A_220 = arith.constant 16 : i32
      %mul3A_221 = vector.broadcast %mul3A_220 : i32 to vector<16xi32>
      %mul3A_222 = arith.muli %sub3A_214, %mul3A_221 : vector<16xi32>
      %add3A_223 = arith.addi %mul3A_222, %iota3A : vector<16xi32>
      tpu.vector_store_idx %arg8[%add3A_223], %add3A_194 masked %and3A_219 : memref<4096xf32, #tpu.memory_space<vmem>>[vector<16xi32>], vector<16xf32>, vector<16xi1>
      tpu.vector_store_idx %arg9[%add3A_223], %add3A_198 masked %and3A_219 : memref<4096xf32, #tpu.memory_space<vmem>>[vector<16xi32>], vector<16xf32>, vector<16xi1>
      %select_n3A_224 = arith.select %and3A, %gather3A_211, %scan3A_173 : vector<16xi1>, vector<16xf32>
      %select_n3A_225 = arith.select %and3A_219, %scan3A_171, %select_n3A_224 : vector<16xi1>, vector<16xf32>
      %select_n3A_226 = arith.select %and3A, %gather3A_212, %scan3A_174 : vector<16xi1>, vector<16xf32>
      %select_n3A_227 = arith.select %and3A_219, %scan3A_172, %select_n3A_226 : vector<16xi1>, vector<16xf32>
      %select_n3A_228 = arith.select %and3A, %scan3A_173, %scan3A_171 : vector<16xi1>, vector<16xf32>
      %select_n3A_229 = arith.select %and3A_219, %add3A_194, %select_n3A_228 : vector<16xi1>, vector<16xf32>
      %select_n3A_230 = arith.select %and3A, %scan3A_174, %scan3A_172 : vector<16xi1>, vector<16xf32>
      %select_n3A_231 = arith.select %and3A_219, %add3A_198, %select_n3A_230 : vector<16xi1>, vector<16xf32>
      %convert_element_type3A_232 = arith.extui %and3A_219 : vector<16xi1> to vector<16xi32>
      %add3A_233 = arith.addi %sub3A_214, %convert_element_type3A_232 : vector<16xi32>
      %select_n3A_234 = arith.select %and3A_219, %sub3A_187, %add3A_194 : vector<16xi1>, vector<16xf32>
      %jit3A_235 = arith.constant 1.000000e+00 : f32
      %broadcast_in_dim3A_236 = vector.broadcast %jit3A_235 : f32 to vector<16xf32>
      %select_n3A_237 = arith.select %and3A_219, %broadcast_in_dim3A_236, %add3A_198 : vector<16xi1>, vector<16xf32>
      %convert_element_type3A_238 = arith.extui %and3A_219 : vector<16xi1> to vector<16xi32>
      %add3A_239 = arith.addi %scan3A_176, %convert_element_type3A_238 : vector<16xi32>
      scf.yield %select_n3A_234, %select_n3A_237, %select_n3A_229, %select_n3A_231, %select_n3A_225, %select_n3A_227, %add3A_233, %add3A_239 : vector<16xf32>, vector<16xf32>, vector<16xf32>, vector<16xf32>, vector<16xf32>, vector<16xf32>, vector<16xi32>, vector<16xi32>
    }
    %scan3A_59 = arith.constant 510 : i32
    %mul3A_60 = arith.constant 16 : i32
    %mul3A_61 = vector.broadcast %mul3A_60 : i32 to vector<16xi32>
    %mul3A_62 = arith.muli %scan3A_58#6, %mul3A_61 : vector<16xi32>
    %add3A_63 = arith.addi %mul3A_62, %iota3A : vector<16xi32>
    tpu.vector_store_idx %arg8[%add3A_63], %scan3A_58#0 : memref<4096xf32, #tpu.memory_space<vmem>>[vector<16xi32>], vector<16xf32>,
    tpu.vector_store_idx %arg9[%add3A_63], %scan3A_58#1 : memref<4096xf32, #tpu.memory_space<vmem>>[vector<16xi32>], vector<16xf32>,
    %lt3A = arith.constant 8 : i32
    %lt3A_64 = vector.broadcast %lt3A : i32 to vector<16xi32>
    %lt3A_65 = arith.cmpi slt, %iota3A, %lt3A_64 : vector<16xi32>
    %add3A_66 = arith.constant 2048 : i32
    %add3A_67 = vector.broadcast %add3A_66 : i32 to vector<16xi32>
    %add3A_68 = arith.addi %add3A_67, %iota3A : vector<16xi32>
    %sub3A_69 = arith.constant 8 : i32
    %sub3A_70 = vector.broadcast %sub3A_69 : i32 to vector<16xi32>
    %sub3A_71 = arith.subi %add3A_68, %sub3A_70 : vector<16xi32>
    %select_n3A = arith.select %lt3A_65, %iota3A, %sub3A_71 : vector<16xi1>, vector<16xi32>
    %get3A_72 = arith.constant 0 : index
    %get3A_73 = tpu.vector_load %arg8[%get3A_72] {strides = array<i32>} : memref<4096xf32, #tpu.memory_space<vmem>>, vector<16xf32>,
    %get3A_74 = arith.constant 0 : index
    %get3A_75 = tpu.vector_load %arg9[%get3A_74] {strides = array<i32>} : memref<4096xf32, #tpu.memory_space<vmem>>, vector<16xf32>,
    %get3A_76 = arith.constant 16 : index
    %get3A_77 = tpu.vector_load %arg8[%get3A_76] {strides = array<i32>} : memref<4096xf32, #tpu.memory_space<vmem>>, vector<16xf32>,
    %get3A_78 = arith.constant 16 : index
    %get3A_79 = tpu.vector_load %arg9[%get3A_78] {strides = array<i32>} : memref<4096xf32, #tpu.memory_space<vmem>>, vector<16xf32>,
    %broadcast_in_dim3A_80 = arith.constant 0.000000e+00 : f32
    %broadcast_in_dim3A_81 = vector.broadcast %broadcast_in_dim3A_80 : f32 to vector<16xf32>
    %broadcast_in_dim3A_82 = arith.constant 0 : i32
    %broadcast_in_dim3A_83 = vector.broadcast %broadcast_in_dim3A_82 : i32 to vector<16xi32>
    %div3A = arith.divf %get3A_73, %get3A_75 : vector<16xf32>
    %add3A_84 = arith.constant 1.285000e+02 : f32
    %add3A_85 = vector.broadcast %add3A_84 : f32 to vector<16xf32>
    %add3A_86 = arith.addf %div3A, %add3A_85 : vector<16xf32>
    %div3A_87 = arith.divf %get3A_77, %get3A_79 : vector<16xf32>
    %add3A_88 = arith.constant 1.285000e+02 : f32
    %add3A_89 = vector.broadcast %add3A_88 : f32 to vector<16xf32>
    %add3A_90 = arith.addf %div3A_87, %add3A_89 : vector<16xf32>
    %parallel_loop3A_91 = arith.constant 0 : i32
    %parallel_loop3A_92 = arith.constant 256 : i32
    %parallel_loop3A_93 = arith.constant 1 : i32
    %parallel_loop3A_94:7 = scf.for %parallel_loop3A_168 = %parallel_loop3A_91 to %parallel_loop3A_92 step %parallel_loop3A_93 iter_args(%parallel_loop3A_169 = %broadcast_in_dim3A_83, %parallel_loop3A_170 = %get3A_75, %parallel_loop3A_171 = %add3A_86, %parallel_loop3A_172 = %add3A_90, %parallel_loop3A_173 = %get3A_79, %parallel_loop3A_174 = %broadcast_in_dim3A_81, %parallel_loop3A_175 = %broadcast_in_dim3A_81) -> (vector<16xi32>, vector<16xf32>, vector<16xf32>, vector<16xf32>, vector<16xf32>, vector<16xf32>, vector<16xf32>)  : i32 {
      %parallel_loop3A_176 = arith.constant 16 : i32
      %parallel_loop3A_177 = arith.muli %parallel_loop3A_168, %parallel_loop3A_176 : i32
      %parallel_loop3A_178 = arith.index_cast %parallel_loop3A_177 : i32 to index
      %parallel_loop3A_179 = tpu.vector_load %arg6[%parallel_loop3A_178] {strides = array<i32>} : memref<4096xf32, #tpu.memory_space<vmem>>, vector<16xf32>,
      %parallel_loop3A_180 = arith.constant 16 : i32
      %parallel_loop3A_181 = arith.muli %parallel_loop3A_168, %parallel_loop3A_180 : i32
      %parallel_loop3A_182 = arith.index_cast %parallel_loop3A_181 : i32 to index
      %parallel_loop3A_183 = tpu.vector_load %arg7[%parallel_loop3A_182] {strides = array<i32>} : memref<4096xi32, #tpu.memory_space<vmem>>, vector<16xi32>,
      %parallel_loop3A_184 = arith.constant 0.000000e+00 : f32
      %parallel_loop3A_185 = vector.broadcast %parallel_loop3A_184 : f32 to vector<16xf32>
      %parallel_loop3A_186 = arith.cmpf ole, %parallel_loop3A_170, %parallel_loop3A_185 : vector<16xf32>
      %parallel_loop3A_187 = arith.select %parallel_loop3A_186, %parallel_loop3A_172, %parallel_loop3A_171 : vector<16xi1>, vector<16xf32>
      %parallel_loop3A_188 = arith.select %parallel_loop3A_186, %parallel_loop3A_173, %parallel_loop3A_170 : vector<16xi1>, vector<16xf32>
      %parallel_loop3A_189 = arith.extui %parallel_loop3A_186 : vector<16xi1> to vector<16xi32>
      %parallel_loop3A_190 = arith.addi %parallel_loop3A_169, %parallel_loop3A_189 : vector<16xi32>
      %parallel_loop3A_191 = arith.constant 1 : i32
      %parallel_loop3A_192 = vector.broadcast %parallel_loop3A_191 : i32 to vector<16xi32>
      %parallel_loop3A_193 = arith.addi %parallel_loop3A_190, %parallel_loop3A_192 : vector<16xi32>
      %parallel_loop3A_194 = arith.constant 255 : i32
      %parallel_loop3A_195 = vector.broadcast %parallel_loop3A_194 : i32 to vector<16xi32>
      %parallel_loop3A_196 = arith.minsi %parallel_loop3A_193, %parallel_loop3A_195 : vector<16xi32>
      %parallel_loop3A_197 = arith.constant 16 : i32
      %parallel_loop3A_198 = vector.broadcast %parallel_loop3A_197 : i32 to vector<16xi32>
      %parallel_loop3A_199 = arith.muli %parallel_loop3A_196, %parallel_loop3A_198 : vector<16xi32>
      %parallel_loop3A_200 = arith.addi %parallel_loop3A_199, %iota3A : vector<16xi32>
      %parallel_loop3A_201 = tpu.vector_load_idx %arg8[%parallel_loop3A_200] masked %parallel_loop3A_186 : memref<4096xf32, #tpu.memory_space<vmem>>[vector<16xi32>], vector<16xf32>, vector<16xi1>
      %parallel_loop3A_202 = tpu.vector_load_idx %arg9[%parallel_loop3A_200] masked %parallel_loop3A_186 : memref<4096xf32, #tpu.memory_space<vmem>>[vector<16xi32>], vector<16xf32>, vector<16xi1>
      %parallel_loop3A_203 = arith.divf %parallel_loop3A_201, %parallel_loop3A_202 : vector<16xf32>
      %parallel_loop3A_204 = arith.constant 1.285000e+02 : f32
      %parallel_loop3A_205 = vector.broadcast %parallel_loop3A_204 : f32 to vector<16xf32>
      %parallel_loop3A_206 = arith.addf %parallel_loop3A_203, %parallel_loop3A_205 : vector<16xf32>
      %parallel_loop3A_207 = arith.select %parallel_loop3A_186, %parallel_loop3A_206, %parallel_loop3A_172 : vector<16xi1>, vector<16xf32>
      %parallel_loop3A_208 = arith.select %parallel_loop3A_186, %parallel_loop3A_202, %parallel_loop3A_173 : vector<16xi1>, vector<16xf32>
      %parallel_loop3A_209 = arith.subf %parallel_loop3A_179, %parallel_loop3A_187 : vector<16xf32>
      %parallel_loop3A_210 = arith.constant 1.000000e+00 : f32
      %parallel_loop3A_211 = vector.broadcast %parallel_loop3A_210 : f32 to vector<16xf32>
      %parallel_loop3A_212 = arith.subf %parallel_loop3A_188, %parallel_loop3A_211 : vector<16xf32>
      %parallel_loop3A_213 = arith.constant 8 : i32
      %parallel_loop3A_214 = vector.broadcast %parallel_loop3A_213 : i32 to vector<16xi32>
      %parallel_loop3A_215 = arith.muli %parallel_loop3A_183, %parallel_loop3A_214 : vector<16xi32>
      %parallel_loop3A_216 = arith.addi %parallel_loop3A_215, %select_n3A : vector<16xi32>
      tpu.vector_store_idx %arg10[%parallel_loop3A_216], %parallel_loop3A_209 : memref<4096xf32, #tpu.memory_space<vmem>>[vector<16xi32>], vector<16xf32>,
      %parallel_loop3A_217 = arith.addf %parallel_loop3A_174, %parallel_loop3A_209 : vector<16xf32>
      %parallel_loop3A_218 = arith.mulf %parallel_loop3A_209, %parallel_loop3A_209 : vector<16xf32>
      %parallel_loop3A_219 = arith.addf %parallel_loop3A_175, %parallel_loop3A_218 : vector<16xf32>
      scf.yield %parallel_loop3A_190, %parallel_loop3A_212, %parallel_loop3A_187, %parallel_loop3A_207, %parallel_loop3A_208, %parallel_loop3A_217, %parallel_loop3A_219 : vector<16xi32>, vector<16xf32>, vector<16xf32>, vector<16xf32>, vector<16xf32>, vector<16xf32>, vector<16xf32>
    } {sc.loop_unroll_factor = 2 : i64, sc.parallel_access}
    %broadcast_in_dim3A_95 = arith.constant 0.000000e+00 : f32
    %broadcast_in_dim3A_96 = vector.broadcast %broadcast_in_dim3A_95 : f32 to vector<16xf32>
    %parallel_loop3A_97 = arith.constant 0 : i32
    %parallel_loop3A_98 = arith.constant 128 : i32
    %parallel_loop3A_99 = arith.constant 1 : i32
    %parallel_loop3A_100 = scf.for %parallel_loop3A_168 = %parallel_loop3A_97 to %parallel_loop3A_98 step %parallel_loop3A_99 iter_args(%parallel_loop3A_169 = %broadcast_in_dim3A_96) -> (vector<16xf32>)  : i32 {
      %parallel_loop3A_170 = arith.constant 16 : i32
      %parallel_loop3A_171 = arith.muli %parallel_loop3A_168, %parallel_loop3A_170 : i32
      %parallel_loop3A_172 = arith.index_cast %parallel_loop3A_171 : i32 to index
      %parallel_loop3A_173 = tpu.vector_load %arg10[%parallel_loop3A_172] {strides = array<i32>} : memref<4096xf32, #tpu.memory_space<vmem>>, vector<16xf32>,
      %parallel_loop3A_174 = arith.constant 16 : i32
      %parallel_loop3A_175 = arith.muli %parallel_loop3A_168, %parallel_loop3A_174 : i32
      %parallel_loop3A_176 = arith.constant 2048 : i32
      %parallel_loop3A_177 = arith.addi %parallel_loop3A_176, %parallel_loop3A_175 : i32
      %parallel_loop3A_178 = arith.index_cast %parallel_loop3A_177 : i32 to index
      %parallel_loop3A_179 = tpu.vector_load %arg10[%parallel_loop3A_178] {strides = array<i32>} : memref<4096xf32, #tpu.memory_space<vmem>>, vector<16xf32>,
      %parallel_loop3A_180 = arith.mulf %parallel_loop3A_173, %parallel_loop3A_179 : vector<16xf32>
      %parallel_loop3A_181 = arith.addf %parallel_loop3A_169, %parallel_loop3A_180 : vector<16xf32>
      scf.yield %parallel_loop3A_181 : vector<16xf32>
    } {sc.loop_unroll_factor = 4 : i64, sc.parallel_access}
    %lt3A_101 = arith.constant 8 : i32
    %lt3A_102 = vector.broadcast %lt3A_101 : i32 to vector<16xi32>
    %lt3A_103 = arith.cmpi slt, %iota3A, %lt3A_102 : vector<16xi32>
    %broadcast_in_dim3A_104 = arith.constant 0.000000e+00 : f32
    %broadcast_in_dim3A_105 = vector.broadcast %broadcast_in_dim3A_104 : f32 to vector<16xf32>
    %select_n3A_106 = arith.select %lt3A_103, %parallel_loop3A_94#5, %broadcast_in_dim3A_105 : vector<16xi1>, vector<16xf32>
    %reduce_sum3A = arith.constant true
    %reduce_sum3A_107 = vector.broadcast %reduce_sum3A : i1 to vector<16xi1>
    %reduce_sum3A_108 = tpu.scan <sum>, %select_n3A_106 masked %reduce_sum3A_107 : vector<16xf32>, vector<16xi1> -> vector<16xf32>
    %reduce_sum3A_109 = vector.extract %reduce_sum3A_108[15] : f32 from vector<16xf32>
    %select_n3A_110 = arith.select %lt3A_103, %broadcast_in_dim3A_105, %parallel_loop3A_94#5 : vector<16xi1>, vector<16xf32>
    %reduce_sum3A_111 = arith.constant true
    %reduce_sum3A_112 = vector.broadcast %reduce_sum3A_111 : i1 to vector<16xi1>
    %reduce_sum3A_113 = tpu.scan <sum>, %select_n3A_110 masked %reduce_sum3A_112 : vector<16xf32>, vector<16xi1> -> vector<16xf32>
    %reduce_sum3A_114 = vector.extract %reduce_sum3A_113[15] : f32 from vector<16xf32>
    %select_n3A_115 = arith.select %lt3A_103, %parallel_loop3A_94#6, %broadcast_in_dim3A_105 : vector<16xi1>, vector<16xf32>
    %reduce_sum3A_116 = arith.constant true
    %reduce_sum3A_117 = vector.broadcast %reduce_sum3A_116 : i1 to vector<16xi1>
    %reduce_sum3A_118 = tpu.scan <sum>, %select_n3A_115 masked %reduce_sum3A_117 : vector<16xf32>, vector<16xi1> -> vector<16xf32>
    %reduce_sum3A_119 = vector.extract %reduce_sum3A_118[15] : f32 from vector<16xf32>
    %select_n3A_120 = arith.select %lt3A_103, %broadcast_in_dim3A_105, %parallel_loop3A_94#6 : vector<16xi1>, vector<16xf32>
    %reduce_sum3A_121 = arith.constant true
    %reduce_sum3A_122 = vector.broadcast %reduce_sum3A_121 : i1 to vector<16xi1>
    %reduce_sum3A_123 = tpu.scan <sum>, %select_n3A_120 masked %reduce_sum3A_122 : vector<16xf32>, vector<16xi1> -> vector<16xf32>
    %reduce_sum3A_124 = vector.extract %reduce_sum3A_123[15] : f32 from vector<16xf32>
    %reduce_sum3A_125 = arith.constant true
    %reduce_sum3A_126 = vector.broadcast %reduce_sum3A_125 : i1 to vector<16xi1>
    %reduce_sum3A_127 = tpu.scan <sum>, %parallel_loop3A_100 masked %reduce_sum3A_126 : vector<16xf32>, vector<16xi1> -> vector<16xf32>
    %reduce_sum3A_128 = vector.extract %reduce_sum3A_127[15] : f32 from vector<16xf32>
    %eq3A = arith.constant 0.000000e+00 : f32
    %eq3A_129 = vector.broadcast %eq3A : f32 to vector<16xf32>
    %eq3A_130 = arith.cmpf oeq, %convert_element_type3A, %eq3A_129 : vector<16xf32>
    %convert_element_type3A_131 = arith.extui %eq3A_130 : vector<16xi1> to vector<16xi32>
    %convert_element_type3A_132 = arith.sitofp %convert_element_type3A_131 : vector<16xi32> to vector<16xf32>
    %mul3A_133 = vector.broadcast %reduce_sum3A_109 : f32 to vector<16xf32>
    %mul3A_134 = arith.mulf %mul3A_133, %convert_element_type3A_132 : vector<16xf32>
    %eq3A_135 = arith.constant 1.000000e+00 : f32
    %eq3A_136 = vector.broadcast %eq3A_135 : f32 to vector<16xf32>
    %eq3A_137 = arith.cmpf oeq, %convert_element_type3A, %eq3A_136 : vector<16xf32>
    %convert_element_type3A_138 = arith.extui %eq3A_137 : vector<16xi1> to vector<16xi32>
    %convert_element_type3A_139 = arith.sitofp %convert_element_type3A_138 : vector<16xi32> to vector<16xf32>
    %mul3A_140 = vector.broadcast %reduce_sum3A_119 : f32 to vector<16xf32>
    %mul3A_141 = arith.mulf %mul3A_140, %convert_element_type3A_139 : vector<16xf32>
    %add3A_142 = arith.addf %mul3A_134, %mul3A_141 : vector<16xf32>
    %eq3A_143 = arith.constant 2.000000e+00 : f32
    %eq3A_144 = vector.broadcast %eq3A_143 : f32 to vector<16xf32>
    %eq3A_145 = arith.cmpf oeq, %convert_element_type3A, %eq3A_144 : vector<16xf32>
    %convert_element_type3A_146 = arith.extui %eq3A_145 : vector<16xi1> to vector<16xi32>
    %convert_element_type3A_147 = arith.sitofp %convert_element_type3A_146 : vector<16xi32> to vector<16xf32>
    %mul3A_148 = vector.broadcast %reduce_sum3A_114 : f32 to vector<16xf32>
    %mul3A_149 = arith.mulf %mul3A_148, %convert_element_type3A_147 : vector<16xf32>
    %add3A_150 = arith.addf %add3A_142, %mul3A_149 : vector<16xf32>
    %eq3A_151 = arith.constant 3.000000e+00 : f32
    %eq3A_152 = vector.broadcast %eq3A_151 : f32 to vector<16xf32>
    %eq3A_153 = arith.cmpf oeq, %convert_element_type3A, %eq3A_152 : vector<16xf32>
    %convert_element_type3A_154 = arith.extui %eq3A_153 : vector<16xi1> to vector<16xi32>
    %convert_element_type3A_155 = arith.sitofp %convert_element_type3A_154 : vector<16xi32> to vector<16xf32>
    %mul3A_156 = vector.broadcast %reduce_sum3A_124 : f32 to vector<16xf32>
    %mul3A_157 = arith.mulf %mul3A_156, %convert_element_type3A_155 : vector<16xf32>
    %add3A_158 = arith.addf %add3A_150, %mul3A_157 : vector<16xf32>
    %eq3A_159 = arith.constant 4.000000e+00 : f32
    %eq3A_160 = vector.broadcast %eq3A_159 : f32 to vector<16xf32>
    %eq3A_161 = arith.cmpf oeq, %convert_element_type3A, %eq3A_160 : vector<16xf32>
    %convert_element_type3A_162 = arith.extui %eq3A_161 : vector<16xi1> to vector<16xi32>
    %convert_element_type3A_163 = arith.sitofp %convert_element_type3A_162 : vector<16xi32> to vector<16xf32>
    %mul3A_164 = vector.broadcast %reduce_sum3A_128 : f32 to vector<16xf32>
    %mul3A_165 = arith.mulf %mul3A_164, %convert_element_type3A_163 : vector<16xf32>
    %add3A_166 = arith.addf %add3A_158, %mul3A_165 : vector<16xf32>
    %swap3A = arith.constant 0 : index
    %swap3A_167 = tpu.vector_load %arg11[%swap3A] {strides = array<i32>} : memref<16xf32, #tpu.memory_space<vmem>>, vector<16xf32>,
    tpu.vector_store %arg11[%swap3A], %add3A_166 {strides = array<i32>} : memref<16xf32, #tpu.memory_space<vmem>>, vector<16xf32>,
    "tpu.region"() ({
      %run_scoped3A = tpu.sem_alloc : memref<!tpu.dma_semaphore, #tpu.memory_space<semaphore_mem>>
      %dma_start3A_168 = arith.constant 0 : i32
      %dma_start3A_169 = tpu.memref_slice %arg4[%add3A, %dma_start3A_168] : memref<32x16xf32, #tpu.memory_space<hbm>> -> memref<1x16xf32, #tpu.memory_space<hbm>>
      %dma_start3A_170 = tpu.memref_squeeze %dma_start3A_169 : memref<1x16xf32, #tpu.memory_space<hbm>> -> memref<16xf32, #tpu.memory_space<hbm>>
      %dma_start3A_171 = arith.constant 0 : i32
      %dma_start3A_172 = tpu.memref_slice %arg4[%add3A, %dma_start3A_171] : memref<32x16xf32, #tpu.memory_space<hbm>> -> memref<1x16xf32, #tpu.memory_space<hbm>>
      %dma_start3A_173 = tpu.memref_squeeze %dma_start3A_172 : memref<1x16xf32, #tpu.memory_space<hbm>> -> memref<16xf32, #tpu.memory_space<hbm>>
      tpu.enqueue_dma source(%arg11 : memref<16xf32, #tpu.memory_space<vmem>>) target(%dma_start3A_173 : memref<16xf32, #tpu.memory_space<hbm>>) target_semaphore(%run_scoped3A : memref<!tpu.dma_semaphore, #tpu.memory_space<semaphore_mem>>)
      %dma_wait3A_174 = arith.constant 0 : i32
      %dma_wait3A_175 = tpu.memref_slice %arg4[%add3A, %dma_wait3A_174] : memref<32x16xf32, #tpu.memory_space<hbm>> -> memref<1x16xf32, #tpu.memory_space<hbm>>
      %dma_wait3A_176 = tpu.memref_squeeze %dma_wait3A_175 : memref<1x16xf32, #tpu.memory_space<hbm>> -> memref<16xf32, #tpu.memory_space<hbm>>
      %dma_wait3A_177 = arith.constant 0 : i32
      %dma_wait3A_178 = tpu.memref_slice %arg4[%add3A, %dma_wait3A_177] : memref<32x16xf32, #tpu.memory_space<hbm>> -> memref<1x16xf32, #tpu.memory_space<hbm>>
      %dma_wait3A_179 = tpu.memref_squeeze %dma_wait3A_178 : memref<1x16xf32, #tpu.memory_space<hbm>> -> memref<16xf32, #tpu.memory_space<hbm>>
      tpu.wait_dma2 semaphore(%run_scoped3A : memref<!tpu.dma_semaphore, #tpu.memory_space<semaphore_mem>>) src(%arg11 : memref<16xf32, #tpu.memory_space<vmem>>) dst(%dma_wait3A_179 : memref<16xf32, #tpu.memory_space<hbm>>)
      tpu.yield
    }) : () -> ()
    return
  }
}

module attributes {stable_mosaic.version = 14 : i64} {
  func.func @_combine_body(%arg0: memref<32x16xf32, #tpu.memory_space<vmem>>, %arg1: memref<1x1xf32, #tpu.memory_space<smem>>) attributes {dimension_semantics = [], scalar_prefetch = 0 : i64, scratch_operands = 0 : i64, tpu.core_type = #tpu.core_type<tc>} {
    %get3A = arith.constant 0 : index
    %get3A_0 = arith.constant 0 : index
    %get3A_1 = vector.load %arg0[%get3A, %get3A_0] : memref<32x16xf32, #tpu.memory_space<vmem>>, vector<32x16xf32>
    %slice3A = vector.extract_strided_slice %get3A_1 {offsets = [0, 0], sizes = [32, 1], strides = [1, 1]} : vector<32x16xf32> to vector<32x1xf32>
    %squeeze3A = vector.shape_cast %slice3A : vector<32x1xf32> to vector<32xf32>
    %reduce_sum3A = vector.shape_cast %squeeze3A : vector<32xf32> to vector<1x32xf32>
    %reduce_sum3A_2 = arith.constant dense<0.000000e+00> : vector<1xf32>
    %reduce_sum3A_3 = vector.multi_reduction <add>, %reduce_sum3A, %reduce_sum3A_2 [1] : vector<1x32xf32> to vector<1xf32>
    %reduce_sum3A_4 = vector.shape_cast %reduce_sum3A_3 : vector<1xf32> to vector<1x1xf32>
    %reduce_sum3A_5 = vector.extract %reduce_sum3A_4[0, 0] : f32 from vector<1x1xf32>
    %slice3A_6 = vector.extract_strided_slice %get3A_1 {offsets = [0, 1], sizes = [32, 1], strides = [1, 1]} : vector<32x16xf32> to vector<32x1xf32>
    %squeeze3A_7 = vector.shape_cast %slice3A_6 : vector<32x1xf32> to vector<32xf32>
    %reduce_sum3A_8 = vector.shape_cast %squeeze3A_7 : vector<32xf32> to vector<1x32xf32>
    %reduce_sum3A_9 = arith.constant dense<0.000000e+00> : vector<1xf32>
    %reduce_sum3A_10 = vector.multi_reduction <add>, %reduce_sum3A_8, %reduce_sum3A_9 [1] : vector<1x32xf32> to vector<1xf32>
    %reduce_sum3A_11 = vector.shape_cast %reduce_sum3A_10 : vector<1xf32> to vector<1x1xf32>
    %reduce_sum3A_12 = vector.extract %reduce_sum3A_11[0, 0] : f32 from vector<1x1xf32>
    %slice3A_13 = vector.extract_strided_slice %get3A_1 {offsets = [0, 2], sizes = [32, 1], strides = [1, 1]} : vector<32x16xf32> to vector<32x1xf32>
    %squeeze3A_14 = vector.shape_cast %slice3A_13 : vector<32x1xf32> to vector<32xf32>
    %reduce_sum3A_15 = vector.shape_cast %squeeze3A_14 : vector<32xf32> to vector<1x32xf32>
    %reduce_sum3A_16 = arith.constant dense<0.000000e+00> : vector<1xf32>
    %reduce_sum3A_17 = vector.multi_reduction <add>, %reduce_sum3A_15, %reduce_sum3A_16 [1] : vector<1x32xf32> to vector<1xf32>
    %reduce_sum3A_18 = vector.shape_cast %reduce_sum3A_17 : vector<1xf32> to vector<1x1xf32>
    %reduce_sum3A_19 = vector.extract %reduce_sum3A_18[0, 0] : f32 from vector<1x1xf32>
    %slice3A_20 = vector.extract_strided_slice %get3A_1 {offsets = [0, 3], sizes = [32, 1], strides = [1, 1]} : vector<32x16xf32> to vector<32x1xf32>
    %squeeze3A_21 = vector.shape_cast %slice3A_20 : vector<32x1xf32> to vector<32xf32>
    %reduce_sum3A_22 = vector.shape_cast %squeeze3A_21 : vector<32xf32> to vector<1x32xf32>
    %reduce_sum3A_23 = arith.constant dense<0.000000e+00> : vector<1xf32>
    %reduce_sum3A_24 = vector.multi_reduction <add>, %reduce_sum3A_22, %reduce_sum3A_23 [1] : vector<1x32xf32> to vector<1xf32>
    %reduce_sum3A_25 = vector.shape_cast %reduce_sum3A_24 : vector<1xf32> to vector<1x1xf32>
    %reduce_sum3A_26 = vector.extract %reduce_sum3A_25[0, 0] : f32 from vector<1x1xf32>
    %slice3A_27 = vector.extract_strided_slice %get3A_1 {offsets = [0, 4], sizes = [32, 1], strides = [1, 1]} : vector<32x16xf32> to vector<32x1xf32>
    %squeeze3A_28 = vector.shape_cast %slice3A_27 : vector<32x1xf32> to vector<32xf32>
    %reduce_sum3A_29 = vector.shape_cast %squeeze3A_28 : vector<32xf32> to vector<1x32xf32>
    %reduce_sum3A_30 = arith.constant dense<0.000000e+00> : vector<1xf32>
    %reduce_sum3A_31 = vector.multi_reduction <add>, %reduce_sum3A_29, %reduce_sum3A_30 [1] : vector<1x32xf32> to vector<1xf32>
    %reduce_sum3A_32 = vector.shape_cast %reduce_sum3A_31 : vector<1xf32> to vector<1x1xf32>
    %reduce_sum3A_33 = vector.extract %reduce_sum3A_32[0, 0] : f32 from vector<1x1xf32>
    %mul3A = arith.mulf %reduce_sum3A_5, %reduce_sum3A_5 : f32
    %div3A = arith.constant 6.553600e+04 : f32
    %div3A_34 = arith.divf %mul3A, %div3A : f32
    %sub3A = arith.subf %reduce_sum3A_12, %div3A_34 : f32
    %mul3A_35 = arith.mulf %reduce_sum3A_19, %reduce_sum3A_19 : f32
    %div3A_36 = arith.constant 6.553600e+04 : f32
    %div3A_37 = arith.divf %mul3A_35, %div3A_36 : f32
    %sub3A_38 = arith.subf %reduce_sum3A_26, %div3A_37 : f32
    %mul3A_39 = arith.mulf %reduce_sum3A_5, %reduce_sum3A_19 : f32
    %div3A_40 = arith.constant 6.553600e+04 : f32
    %div3A_41 = arith.divf %mul3A_39, %div3A_40 : f32
    %sub3A_42 = arith.subf %reduce_sum3A_33, %div3A_41 : f32
    %sqrt3A = math.sqrt %sub3A : f32
    %add3A = arith.constant 9.99999993E-9 : f32
    %add3A_43 = arith.addf %sqrt3A, %add3A : f32
    %sqrt3A_44 = math.sqrt %sub3A_38 : f32
    %add3A_45 = arith.constant 9.99999993E-9 : f32
    %add3A_46 = arith.addf %sqrt3A_44, %add3A_45 : f32
    %mul3A_47 = arith.mulf %add3A_43, %add3A_46 : f32
    %div3A_48 = arith.divf %sub3A_42, %mul3A_47 : f32
    %sub3A_49 = arith.constant 1.000000e+00 : f32
    %sub3A_50 = arith.subf %sub3A_49, %div3A_48 : f32
    %swap3A = arith.constant 0 : index
    %swap3A_51 = arith.constant 0 : index
    %swap3A_52 = memref.load %arg1[%swap3A, %swap3A_51] : memref<1x1xf32, #tpu.memory_space<smem>>
    memref.store %sub3A_50, %arg1[%swap3A, %swap3A_51] : memref<1x1xf32, #tpu.memory_space<smem>>
    return
  }
}

</mosaic_0001>

<sc_bundles>
// kernel: kernel.4.cloned.1.call-start
scs
__scs_entry_jumppad:
0x0: {  	(pc) =	sbr.rel $0x88, $3  }
0x1: {  	(tag) =	ssettag $0x0;
	lr =	simm.s32 $0x1  }
0x2: {  	[smem:$0x3F9F] =	sst lr;
	_ =	strace $0xD0000000  }
0x3: {  	_ = 	snop  }
0x4: {  	_ = 	snop  }
0x5: {  	_ = 	snop  }
0x6: {  	_ = 	snop  }
0x7: {  	_ = 	snop  }
__scs_overlays_trampoline_lowered:
0x8: {  	[smem:$0x3FAE] =	sst s0  }
0x9: {  	[smem:$0x3FAF] =	sst s1  }
0xa: {  	[smem:$0x3FB0] =	sst s2  }
0xb: {  	[smem:$0x3FB1] =	sst s3  }
0xc: {  	[smem:$0x3FB2] =	sst s4  }
0xd: {  	[smem:$0x3FB3] =	sst s5  }
0xe: {  	[smem:$0x3FB4] =	sst s6  }
0xf: {  	[smem:$0x3FB5] =	sst s7  }
0x10: {  	[smem:$0x3FB6] =	sst s8  }
0x11: {  	[smem:$0x3FB7] =	sst s9;
	s0 =	simm.s32 @!p0 $0x0  }
0x12: {  	s1 =	sld [smem:$0x3F9D];
	s0 =	simm.s32 @p0 $0x1  }
0x13: {  	[smem:$0x3FB8] =	sst s0;
	s0 =	simm.s32 @!p1 $0x0  }
0x14: {  	s2 =	sld [smem:$0x3F9C];
	s0 =	simm.s32 @p1 $0x1  }
0x15: {  	[smem:$0x3FB9] =	sst s0;
	s0 =	simm.s32 @!p2 $0x0  }
0x16: {  	s3 =	sld [smem:$0x3FDB];
	s0 =	simm.s32 @p2 $0x1  }
0x17: {  	s4 =	simm.s32 $0x1BF5;
	[smem:$0x3FBB] =	sst s0  }
0x18: {  	s0 =	sld [smem:$0x3F9E];
	_ =	swait.ge [sflag:s4], $0x0  }
0x19: {  	s7 =	sld [smem:$0x3F9F]  }
0x1a: {  	s8 =	sadd.s32 $0xFFFFE003, lr  }
0x1b: {  	s9 =	sadd.s32 $0xFFFFFEF7, lr;
	s5 =	simm.s32 $0xFFFFFFFF;
	p2 =	slt.u32 s8, $0xFFFFF086  }
0x1c: {  	p1 =	slt.u32 s9, $0xF7A;
	s5 =	simm.s32 @!p2 $0x0  }
0x1d: {  	s5 =	simm.s32 @p1 $0x1;
	p0 =	seq.s32 s7, s2  }
0x1e: {  	s7 =	smul.u32 @!p0 $0xF7A, s2;
	p2 =	seq.s32 @!p0 s5, $0x0  }
0x1f: {  	s9 =	smul.u32 $0xF7A, s1;
	s8 =	simm.s32 @!p0 $0x1BF5;
	p2 =	por !p2, p0  }
0x20: {  	[sflag:s8] =	ssyncset.s32 @!p0 $0xFFFFF086;
	s6 =	sadd.s32 @!p0 s3, s7;
	s7 =	simm.s32 @!p0 $0x108  }
0x21: {  	s3 =	sadd.s32 s3, s9;
	s6 =	sadd.s32 @!p0 $0x88, s6;
	s7 =	simm.s32 @p2 $0x1082  }
0x22: {  	[simem:s7], [sflag:s8] =	dma.local @!p0 [hbm:s6], $0xF7A  }
0x23: {  	s9 =	sor.u32 $0xD0000000, s2;
	s6 =	simm.s32 $0x108;
	_ =	swait.ge @!p0 [sflag:s8], $0x0  }
0x24: {  	s3 =	sadd.s32 $0x88, s3;
	s6 =	simm.s32 @!p1 $0x1082;
	[sflag:s4] =	ssyncset.s32 $0xFFFFF086  }
0x25: {  	[simem:s6], [sflag:s4] =	dma.local [hbm:s3], $0xF7A  }
0x26: {  	[smem:$0x3F9F] =	sst s1;
	(tag) =	ssettag s2;
	_ =	strace s9  }
0x27: {  	s1 =	sld [smem:$0x3FAF]  }
0x28: {  	s2 =	sld [smem:$0x3FB0]  }
0x29: {  	s4 =	sld [smem:$0x3FB2]  }
0x2a: {  	p0 =	seq.s32 s5, $0x0;
	s5 =	sld [smem:$0x3FB3]  }
0x2b: {  	s6 =	sld [smem:$0x3FB4]  }
0x2c: {  	s7 =	sld [smem:$0x3FB5]  }
0x2d: {  	s3 =	simm.s32 $0x108;
	s8 =	sld [smem:$0x3FB6]  }
0x2e: {  	s3 =	simm.s32 @!p0 $0x1082;
	s9 =	sld [smem:$0x3FB7]  }
0x2f: {  	lr =	sadd.s32 s0, s3;
	s0 =	sld [smem:$0x3FAE]  }
0x30: {  	s3 =	sld [smem:$0x3FB1]  }
0x31: {  	[smem:$0x3FBA] =	sst s10  }
0x32: {  	s10 =	sld [smem:$0x3FB8];
	_ =	sdelay $0x3  }
0x33: {  	p0 =	seq.s32 s10, $0x1;
	s10 =	sld [smem:$0x3FBA];
	_ =	sdelay $0x3  }
0x34: {  	[smem:$0x3FBA] =	sst s10  }
0x35: {  	s10 =	sld [smem:$0x3FB9];
	_ =	sdelay $0x3  }
0x36: {  	p1 =	seq.s32 s10, $0x1;
	s10 =	sld [smem:$0x3FBA];
	_ =	sdelay $0x3  }
0x37: {  	[smem:$0x3FBA] =	sst s10  }
0x38: {  	s10 =	sld [smem:$0x3FBB]  }
0x39: {  	_ = 	snop;
	(pc) =	sbr.ind lr, $3  }
0x3a: {  	_ = 	snop  }
0x3b: {  	_ = 	snop  }
0x3c: {  	p2 =	seq.s32 s10, $0x1;
	s10 =	sld [smem:$0x3FBA]  }
0x3d: {  	_ =	shalt  }
0x3e: {  	_ =	shalt  }
0x3f: {  	_ =	shalt  }
0x40: {  	_ =	shalt  }
0x41: {  	_ =	shalt  }
0x42: {  	_ =	shalt  }
0x43: {  	_ =	shalt  }
0x44: {  	_ =	shalt  }
0x45: {  	_ =	shalt  }
0x46: {  	_ =	shalt  }
0x47: {  	_ =	shalt  }
0x48: {  	_ =	shalt  }
0x49: {  	_ =	shalt  }
0x4a: {  	_ =	shalt  }
0x4b: {  	_ =	shalt  }
0x4c: {  	_ =	shalt  }
0x4d: {  	_ =	shalt  }
0x4e: {  	_ =	shalt  }
0x4f: {  	_ =	shalt  }
0x50: {  	_ =	shalt  }
0x51: {  	_ =	shalt  }
0x52: {  	_ =	shalt  }
0x53: {  	_ =	shalt  }
0x54: {  	_ =	shalt  }
0x55: {  	_ =	shalt  }
0x56: {  	_ =	shalt  }
0x57: {  	_ =	shalt  }
0x58: {  	_ =	shalt  }
0x59: {  	_ =	shalt  }
0x5a: {  	_ =	shalt  }
0x5b: {  	_ =	shalt  }
0x5c: {  	_ =	shalt  }
0x5d: {  	_ =	shalt  }
0x5e: {  	_ =	shalt  }
0x5f: {  	_ =	shalt  }
0x60: {  	_ =	shalt  }
0x61: {  	_ =	shalt  }
0x62: {  	_ =	shalt  }
0x63: {  	_ =	shalt  }
0x64: {  	_ =	shalt  }
0x65: {  	_ =	shalt  }
0x66: {  	_ =	shalt  }
0x67: {  	_ =	shalt  }
0x68: {  	_ =	shalt  }
0x69: {  	_ =	shalt  }
0x6a: {  	_ =	shalt  }
0x6b: {  	_ =	shalt  }
0x6c: {  	_ =	shalt  }
0x6d: {  	_ =	shalt  }
0x6e: {  	_ =	shalt  }
0x6f: {  	_ =	shalt  }
0x70: {  	_ =	shalt  }
0x71: {  	_ =	shalt  }
0x72: {  	_ =	shalt  }
0x73: {  	_ =	shalt  }
0x74: {  	_ =	shalt  }
0x75: {  	_ =	shalt  }
0x76: {  	_ =	shalt  }
0x77: {  	_ =	shalt  }
0x78: {  	_ =	shalt  }
0x79: {  	_ =	shalt  }
0x7a: {  	_ =	shalt  }
0x7b: {  	_ =	shalt  }
0x7c: {  	_ =	shalt  }
0x7d: {  	_ =	shalt  }
0x7e: {  	_ =	shalt  }
0x7f: {  	_ =	shalt  }
0x80: {  	_ =	shalt  }
0x81: {  	_ =	shalt  }
0x82: {  	_ =	shalt  }
0x83: {  	_ =	shalt  }
0x84: {  	_ =	shalt  }
0x85: {  	_ =	shalt  }
0x86: {  	_ =	shalt  }
0x87: {  	_ =	shalt  }
.Lfunc_end0:
.L_simem_size_0:
called_computation_lowered:
.L_overlay_start_0:
0x88: {  	s2 =	sld [smem:$0x3FD9]  }
0x89: {  	s3 =	sld [smem:$0x3FFE];
	_ =	sdelay $0x1  }
0x8a: {  	s1 =	srdreg.scid  }
0x8b: {  	s0 =	sand.u32 $0x1, s1  }
0x8c: {  	s17 =	sshll.u32 s0, $0xA;
	s2 =	sadd.s32 s3, s2  }
0x8d: {  	s2 =	sadd.s32 s2, s17  }
0x8e: {  	[smem:$0x3FC6] =	sst s2  }
0x8f: {  	_ = 	snop  }
0x90: {  	s2 =	sld [smem:$0x3FC9]  }
0x91: {  	s18 =	sld [smem:$0x3FC8];
	(tm) =	ssettm $0x1  }
0x92: {  	s4 =	sld [smem:$0x3FFB];
	_ =	sdelay $0x3  }
0x93: {  	_ =	strace s4  }
0x94: {  	s4 =	sld [smem:$0x3FFC];
	_ =	sdelay $0x3  }
0x95: {  	_ =	strace s4  }
0x96: {  	s4 =	sld [smem:$0x3FFD];
	_ =	sdelay $0x3  }
0x97: {  	_ =	strace s4  }
0x98: {  	_ =	strace $0x8FFFFFFF  }
0x99: {  	s19 =	sld [smem:$0x3FDB];
	_ =	sdelay $0x1  }
0x9a: {  	s5 =	simm.s32 $_scs_section_size  }
0x9b: {  	s6 =	simm.s32 $_size__tile_overlayer_lowered;
	s7 =	simm.s32 $_tile_overlayer_lowered  }
0x9c: {  	s22 =	simm.s32 $0x1BFF;
	s21 =	sshll.u32 s7, $0x1;
	s4 =	sadd.s32 s5, s19  }
0x9d: {  	s8 =	simm.s32 $0x0;
	s20 =	sshll.u32 s6, $0x1;
	s6 =	sadd.s32 s21, s4  }
0x9e: {  	[timem:s8], [sflag:s22] =	dma.local [hbm:s6], s20  }
0x9f: {  	_ =	swait.ge [sflag:s22], s20  }
0xa0: {  	s5 =	ssub.s32 $0x0, s20;
	[sflag:s22] =	ssyncset.done $0x0  }
0xa1: {  	[sflag:s22] =	ssyncadd.s32 s5;
	_ =	sdelay $0x1  }
0xa2: {  	s23 =	simm.s32 $0x1B8B  }
0xa3: {  	_ =	swait.ge [sflag:s23], $0x1  }
0xa4: {  	[sflag:s23] =	ssyncset.done $0x0  }
0xa5: {  	s25 =	simm.s32 $0x1B8E;
	s24 =	sld [smem:$0x3FFE];
	[sflag:s23] =	ssyncadd.s32 $0xFFFFFFFF  }
0xa6: {  	s26 =	simm.s32 $execute0_lowered;
	[smem:$0x3FD2] =	sst s25  }
0xa7: {  	s6 =	sshll.u32 s26, $0x1;
	_ =	strace $0x80000046;
	[dreg:$0x1] =	wrdreg $0xFFFFFFFF  }
0xa8: {  	s28 =	simm.s32 $_size_execute0_lowered;
	s4 =	sadd.s32 s4, s6;
	[dreg:$0x0] =	wrdreg $0x0  }
0xa9: {  	s6 =	sshll.u32 s28, $0x1;
	[dreg:$0x2] =	wrdreg s4  }
0xaa: {  	[dreg:$0x3] =	wrdreg s6  }
0xab: {  	[dreg:$0x4] =	wrdreg $0xC0  }
0xac: {  	_ =	task [dreg:s8], $0x5FFFF  }
0xad: {  	[dreg:$0x1] =	wrdreg $0xFFFFFFFF  }
0xae: {  	[dreg:$0x0] =	wrdreg $0x60  }
0xaf: {  	[dreg:$0x2] =	wrdreg s2  }
0xb0: {  	[dreg:$0x3] =	wrdreg s18  }
0xb1: {  	[dreg:$0x4] =	wrdreg s24  }
0xb2: {  	[dreg:$0x5] =	wrdreg $0x9  }
0xb3: {  	_ =	task.clear_ibuf [dreg:s8], $0x6FFFF;
	_ =	strace $0x90000046  }
0xb4: {  	s29 =	simm.s32 $0x9;
	_ =	strace $0x80000048  }
0xb5: {  	_ =	swait.ge [sflag:s29], $0x1  }
0xb6: {  	[sflag:s29] =	ssyncadd.s32 $0xFFFFFFFF  }
0xb7: {  	_ =	strace $0x90000048  }
0xb8: {  	_ =	sfence  }
0xb9: {  	s30 =	sld [smem:$0x0];
	_ =	sdelay $0x2  }
0xba: {  	s31 =	sshll.u32 s1, $0xD;
	s1 =	sshrl.u32 s1, $0x2  }
0xbb: {  	s3 =	sand.u32 $0x4000, s31;
	s1 =	sadd.s32 s1, s30  }
0xbc: {  	s0 =	sor.u32 s3, s0;
	s1 =	sshll.u32 s1, $0x11  }
0xbd: {  	s0 =	sor.u32 s1, s0  }
0xbe: {  	s0 =	sadd.s32 $0x8F2B, s0  }
0xbf: {  	[sflag:s0] =	ssyncadd.remote.s32 $0x1  }
0xc0: {  	_ =	sfence.sel $0xFFFF  }
0xc1: {  	[dreg:$0x0] =	wrdreg $0xFFFFFFFF;
	(pc) =	sbr.abs _section_cstart, $3  }
0xc2: {  	[dreg:$0x1] =	wrdreg $0xFFFFFFFF  }
0xc3: {  	_ =	task.clear_ibuf [dreg:s8], $0x2FFFF;
	_ =	strace $0x9FFFFFFF  }
0xc4: {  	(tm) =	ssettm $0x7FFFFFFF  }
0xc5: {  	_ =	shalt  }
tec
execute0_lowered:
.L_overlay_start_1:
0x0: {  	(tag) =	ssettag $0x1  }
0x1: {  	v0 =	vlaneseq.u32  }
0x2: {  	v3 =	vmul.u32 $0x10, v0;
	_ =	sdelay $0x1  }
0x3: {  	s3 =	rddreg [dreg:$0x0];
	v9 =	vor.u32 $0x400, v3  }
0x4: {  	s4 =	rddreg [dreg:$0x1];
	v10 =	vor.u32 $0x500, v3;
	[tilespmem:$0x1FE10] =	vst v9  }
0x5: {  	s5 =	rddreg [dreg:$0x2];
	s2 =	simm.s32 $0x0;
	[tilespmem:$0x1FE20] =	vst v10;
	v10 =	vor.u32 $0x600, v3  }
0x6: {  	v13 =	vor.u32 $0x10, v0;
	[smem:$0x7FF] =	sst s2;
	[tilespmem:$0x1FE30] =	vst v10  }
0x7: {  	s0 =	rddreg [dreg:$0x3];
	v14 =	vor.u32 $0x20, v0;
	_ =	strace $0x80000047;
	[tilespmem:$0x1FE40] =	vst v13  }
0x8: {  	v15 =	vor.u32 $0x30, v0;
	[tilespmem:$0x1FE50] =	vst v14  }
0x9: {  	v16 =	vor.u32 $0x40, v0;
	[tilespmem:$0x1FE60] =	vst v15  }
0xa: {  	v18 =	vor.u32 $0x50, v0;
	[tilespmem:$0x1FE70] =	vst v16  }
0xb: {  	v19 =	vor.u32 $0x60, v0;
	[tilespmem:$0x1FE80] =	vst v18  }
0xc: {  	v20 =	vor.u32 $0x70, v0;
	[tilespmem:$0x1FE90] =	vst v19  }
0xd: {  	v21 =	vor.u32 $0x80, v0;
	[tilespmem:$0x1FEA0] =	vst v20  }
0xe: {  	v23 =	vor.u32 $0x90, v0;
	[tilespmem:$0x1FEB0] =	vst v21  }
0xf: {  	v17 =	vimm.s32 $0x76543210;
	v24 =	vor.u32 $0xA0, v0;
	[tilespmem:$0x1FEC0] =	vst v23  }
0x10: {  	v22 =	vunpack.c.l.s4.s8 v17;
	v17 =	vor.u32 $0x700, v3;
	[tilespmem:$0x1FED0] =	vst v24  }
0x11: {  	v11 =	vor.u32 $0x800, v3;
	[tilespmem:$0x1FF20] =	vst v17  }
0x12: {  	v10 =	vor.u32 $0x900, v3;
	[tilespmem:$0x1FF30] =	vst v11  }
0x13: {  	v12 =	vor.u32 $0xA00, v3;
	[tilespmem:$0x1FF40] =	vst v10  }
0x14: {  	v25 =	vunpack.c.0.s8.s32 v22;
	v22 =	vor.u32 $0xB00, v3;
	[tilespmem:$0x1FF50] =	vst v12  }
0x15: {  	v1 =	vor.u32 $0xC0, v0;
	[tilespmem:$0x1FF60] =	vst v22  }
0x16: {  	vm0 =	vcmask $0x1F00;
	v2 =	vor.u32 $0xD0, v0;
	[tilespmem:$0x1FFB0] =	vst v1  }
0x17: {  	vm9 =	vcmask $0x2320;
	v4 =	vor.u32 $0xE0, v0;
	v26 =	vnsel vm0, $0x807, v25;
	[tilespmem:$0x1FFC0] =	vst v2  }
0x18: {  	vm10 =	vcmask $0x2724;
	v5 =	vor.u32 $0xF0, v0;
	v27 =	vsel vm9, $0x800, v26;
	[tilespmem:$0x1FFD0] =	vst v4  }
0x19: {  	v32 =	vor.u32 $0xB0, v0;
	v9 =	vmov v3;
	[tilespmem:$0x1FFE0] =	vst v5;
	v28 =	vsel vm10, $0x801, v27  }
0x1a: {  	s6 =	srdreg.scid;
	vm11 =	vcmask $0x2B28;
	[tilespmem:$0x1FFF0] =	vst v32;
	v34 =	vor.u32 $0xF00, v9  }
0x1b: {  	s1 =	stileid.u32;
	s9 =	simm.s32 $0x2;
	s10 =	simm.s32 $0x1000;
	v6 =	vor.u32 $0x100, v3;
	v29 =	vsel vm11, $0x802, v28;
	v26 =	vmov v9;
	[tilespmem:$0x1FFA0] =	vst v34  }
0x1c: {  	vm12 =	vcmask $0x2F2C;
	s11 =	simm.s32 $0x2000;
	s12 =	simm.s32 $0x3000;
	s13 =	simm.s32 $0x4000;
	[tilespmem:$0x1FEE0] =	vst v26;
	v28 =	vmov v6  }
0x1d: {  	s14 =	simm.s32 $0x6000;
	s6 =	sand.u32 $0x1, s6;
	s7 =	sshll.u32 s1, $0x1;
	v7 =	vor.u32 $0x200, v3;
	v30 =	vsel vm12, $0x803, v29;
	v6 =	vor.u32 $0xC00, v3;
	[tilespmem:$0x1FEF0] =	vst v28  }
0x1e: {  	s15 =	simm.s32 $0x3;
	s7 =	sor.u32 s6, s7;
	s6 =	ssub.s32 $0x2, s6;
	v29 =	vmov v7;
	[tilespmem:$0x1FF70] =	vst v6  }
0x1f: {  	vm13 =	vcmask $0x3330;
	s16 =	simm.s32 $0x0;
	v8 =	vor.u32 $0x300, v3;
	s8 =	sshll.u32 s7, $0x4;
	s31 =	sshrl.u32 s6, $0x1;
	v7 =	vor.u32 $0xD00, v3;
	[tilespmem:$0x1FF00] =	vst v29  }
0x20: {  	vm14 =	vcmask $0x3734;
	s7 =	sshll.u32 s7, $0x8;
	s5 =	sadd.s32 s8, s5;
	s6 =	ssub.s32 s6, s31;
	v3 =	vsel vm13, $0x804, v30;
	v30 =	vmov v8;
	[tilespmem:$0x1FF80] =	vst v7  }
0x21: {  	vm15 =	vcmask $0x3B38;
	s3 =	sadd.s32 s3, s7;
	s4 =	sadd.s32 s4, s7;
	s7 =	simm.s32 $0x800;
	v8 =	vor.u32 $0xE00, v9;
	v33 =	vsel vm14, $0x805, v3;
	[tilespmem:$0x1FF10] =	vst v30  }
0x22: {  	vm4 =	vcmask $0x1310;
	s8 =	simm.s32 $0x1;
	s5 =	sadd.s32 $0x600, s5;
	s6 =	smax.u32 s6, $0x1;
	v9 =	vimm.s32 $0x0;
	v33 =	vsel vm15, $0x806, v33;
	[tilespmem:$0x1FF90] =	vst v8  }
.LBB2_1:
0x23: {  	[tilespmem:s2], [sflag:$0x1] =	stream.linear.gather [hbm4b:s3+s2], $0x800, $0x38;
	[tilespmem:$0x6080] =	vst v63  }
0x24: {  	_ = 	snop  }
0x25: {  	[tilespmem:s7], [sflag:$0x2] =	stream.linear.gather [hbm4b:s4+s2], $0x800, $0x38;
	[tilespmem:$0x6080] =	vst v63  }
0x26: {  	_ =	swait.ge [sflag:s8], $0x800  }
0x27: {  	[sflag:s8] =	ssyncset.done $0x0  }
0x28: {  	[sflag:s8] =	ssyncadd.s32 $0xFFFFF800  }
0x29: {  	_ =	swait.ge [sflag:s9], $0x800  }
0x2a: {  	s17 =	simm.s32 $0x80;
	[sflag:s9] =	ssyncset.done $0x0;
	v25 =	vld [tilespmem:$0x1FE20]  }
0x2b: {  	s18 =	simm.s32 $0x0;
	s19 =	simm.s32 $0x0;
	v27 =	vld [tilespmem:$0x1FE30];
	[sflag:s9] =	ssyncadd.s32 $0xFFFFF800  }
.LBB2_2:
0x2c: {  	s21 =	sadd.s32 $0xFFFFFF80, s17  }
0x2d: {  	s20 =	sand.u32 $0x800, s18;
	s21 =	sand.u32 $0x300, s21  }
0x2e: {  	v4 =	vld [tilespmem:$0x1FFB0];
	s21 =	sor.u32 s21, s20  }
0x2f: {  	v35 =	vld [tilespmem:s21+$0x0]  }
0x30: {  	v36 =	vld [tilespmem:s21+$0x10]  }
0x31: {  	v5 =	vld [tilespmem:$0x1FFC0]  }
0x32: {  	v37 =	vld [tilespmem:s21+$0x20]  }
0x33: {  	v38 =	vld [tilespmem:s21+$0x30]  }
0x34: {  	v39 =	vld [tilespmem:s21+$0x40];
	(xrf1) =	vsort.dscd.msk.f32 $0xffff, v35, v0  }
0x35: {  	v62 =	vld [tilespmem:s21+$0x50];
	(xrf1) =	vsort.ascd.msk.f32 $0xffff, v36, v13  }
0x36: {  	v63 =	vld [tilespmem:s21+$0x60]  }
0x37: {  	v44 =	vld [tilespmem:s21+$0x70];
	(xrf1) =	vsort.dscd.msk.f32 $0xffff, v37, v14  }
0x38: {  	v45 =	vld [tilespmem:s21+$0x400];
	(xrf1) =	vsort.ascd.msk.f32 $0xffff, v38, v15  }
0x39: {  	v40 =	vld [tilespmem:s21+$0x410];
	(xrf1) =	vsort.dscd.msk.f32 $0xffff, v39, v16  }
0x3a: {  	v46 =	vld [tilespmem:s21+$0x420];
	(xrf1) =	vsort.ascd.msk.f32 $0xffff, v62, v18  }
0x3b: {  	v47 =	vld [tilespmem:s21+$0x430];
	(xrf1) =	vsort.dscd.msk.f32 $0xffff, v63, v19  }
0x3c: {  	v31 =	vld [tilespmem:$0x1FFE0];
	(xrf1) =	vsort.ascd.msk.f32 $0xffff, v44, v20  }
0x3d: {  	v48 =	vld [tilespmem:s21+$0x440];
	(xrf1) =	vsort.dscd.msk.f32 $0xffff, v45, v21  }
0x3e: {  	v49 =	vld [tilespmem:s21+$0x450];
	(xrf1) =	vsort.ascd.msk.f32 $0xffff, v40, v23  }
0x3f: {  	v50 =	vld [tilespmem:s21+$0x460];
	(xrf1) =	vsort.dscd.msk.f32 $0xffff, v46, v24  }
0x40: {  	(xrf1) =	vsort.ascd.msk.f32 $0xffff, v47, v32;
	v32 =	vld [tilespmem:$0x1FFD0]  }
0x41: {  	v51 =	vld [tilespmem:s21+$0x470]  }
0x42: {  	v52, v53, _ =	vpop (xrf1)  }
0x43: {  	(xrf1) =	vsort.dscd.msk.f32 $0xffff, v48, v4;
	v55, v54, _ =	vpop (xrf1)  }
0x44: {  	(xrf1) =	vsort.ascd.msk.f32 $0xffff, v49, v5;
	vm5 =	vge.f32 v52, v55  }
0x45: {  	(xrf1) =	vsort.dscd.msk.f32 $0xffff, v50, v32;
	v56, v41, _ =	vpop (xrf1);
	v43 =	vmax.f32 v52, v55;
	v36 =	vsel vm5, v54, v53  }
0x46: {  	v35 =	vmin.f32 v52, v55;
	(xrf1) =	vsort.ascd.msk.f32 $0xffff, v51, v31;
	v57, v42, _ =	vpop (xrf1);
	v58 =	vsel vm5, v53, v54  }
0x47: {  	(xrf1) =	vsort.dscd.msk.f32 $0xffff, v43, v58;
	vm5 =	vle.f32 v56, v57;
	v60, v59, _ =	vpop (xrf1);
	v38 =	vmax.f32 v56, v57  }
0x48: {  	v61 =	vmin.f32 v56, v57;
	(xrf1) =	vsort.dscd.msk.f32 $0xffff, v35, v36;
	v62 =	vsel vm5, v41, v42;
	v63, v44, _ =	vpop (xrf1)  }
0x49: {  	v47 =	vsel vm5, v42, v41;
	(xrf1) =	vsort.ascd.msk.f32 $0xffff, v61, v62;
	v35, v36, _ =	vpop (xrf1)  }
0x4a: {  	vm5 =	vge.f32 v60, v63;
	v48 =	vmax.f32 v60, v63;
	(xrf1) =	vsort.ascd.msk.f32 $0xffff, v38, v47;
	v38, v40, _ =	vpop (xrf1)  }
0x4b: {  	v49 =	vsel vm5, v59, v44;
	v39 =	vsel vm5, v44, v59;
	vm5 =	vle.f32 v35, v38  }
0x4c: {  	v37 =	vmin.f32 v60, v63;
	v51 =	vsel vm5, v36, v40;
	v36 =	vsel vm5, v40, v36  }
0x4d: {  	(xrf1) =	vsort.dscd.msk.f32 $0xffff, v48, v49;
	v41, v42, _ =	vpop (xrf1);
	v50 =	vmin.f32 v35, v38;
	v35 =	vmax.f32 v35, v38  }
0x4e: {  	(xrf1) =	vsort.dscd.msk.f32 $0xffff, v37, v39;
	v52, v53, _ =	vpop (xrf1)  }
0x4f: {  	(xrf1) =	vsort.ascd.msk.f32 $0xffff, v50, v51;
	v55, v54, _ =	vpop (xrf1)  }
0x50: {  	vm5 =	vge.f32 v41, v52;
	v56 =	vmax.f32 v41, v52;
	(xrf1) =	vsort.ascd.msk.f32 $0xffff, v35, v36;
	v35, v36, _ =	vpop (xrf1)  }
0x51: {  	v58 =	vsel vm5, v42, v53;
	v42 =	vsel vm5, v53, v42;
	vm5 =	vle.f32 v55, v35  }
0x52: {  	v57 =	vmin.f32 v41, v52;
	v60 =	vsel vm5, v54, v36;
	v36 =	vsel vm5, v36, v54  }
0x53: {  	(xrf1) =	vsort.dscd.msk.f32 $0xffff, v56, v58;
	v39, v41, _ =	vpop (xrf1);
	v59 =	vmin.f32 v55, v35;
	v35 =	vmax.f32 v55, v35  }
0x54: {  	(xrf1) =	vsort.dscd.msk.f32 $0xffff, v57, v42;
	v61, v62, _ =	vpop (xrf1)  }
0x55: {  	(xrf1) =	vsort.ascd.msk.f32 $0xffff, v59, v60;
	v63, v48, _ =	vpop (xrf1)  }
0x56: {  	vm5 =	vge.f32 v39, v61;
	(xrf1) =	vsort.ascd.msk.f32 $0xffff, v35, v36;
	v35, v36, _ =	vpop (xrf1)  }
0x57: {  	v49 =	vmax.f32 v39, v61;
	v50 =	vsel vm5, v41, v62;
	v51, v45, _ =	vpop (xrf1)  }
0x58: {  	v39 =	vmin.f32 v39, v61;
	v41 =	vsel vm5, v62, v41;
	(xrf1) =	vsort.dscd.msk.f32 $0xffff, v49, v50;
	v40, v42, _ =	vpop (xrf1)  }
0x59: {  	vm5 =	vle.f32 v63, v35;
	(xrf1) =	vsort.dscd.msk.f32 $0xffff, v39, v41;
	v54, v46, _ =	vpop (xrf1)  }
0x5a: {  	v53 =	vsel vm5, v48, v36;
	v36 =	vsel vm5, v36, v48;
	vm5 =	vge.f32 v51, v54  }
0x5b: {  	v52 =	vmin.f32 v63, v35;
	v55 =	vmax.f32 v51, v54;
	v57, v56, _ =	vpop (xrf1);
	v59 =	vsel vm5, v45, v46  }
0x5c: {  	v60 =	vsel vm5, v46, v45;
	vm5 =	vge.f32 v40, v57;
	v61 =	vmax.f32 v40, v57  }
0x5d: {  	v62 =	vsel vm5, v42, v56;
	v37 =	vsel vm5, v56, v42;
	vm5 =	vge.f32 v55, v61  }
0x5e: {  	v35 =	vmax.f32 v63, v35;
	(xrf1) =	vsort.ascd.msk.f32 $0xffff, v52, v53;
	v39 =	vsel vm5, v62, v59  }
0x5f: {  	(xrf1) =	vsort.ascd.msk.f32 $0xffff, v35, v36;
	v35 =	vmin.f32 v55, v61  }
0x60: {  	v49, v50, _ =	vpop (xrf1);
	v63 =	vmax.f32 v55, v61;
	v48 =	vsel vm5, v59, v62  }
0x61: {  	v58 =	vmin.f32 v51, v54;
	v36 =	vmin.f32 v40, v57;
	v51, v52, _ =	vpop (xrf1);
	(xrf1) =	vsort.dscd.msk.f32 $0xffff, v63, v48  }
0x62: {  	v53 =	vmax.f32 v58, v36;
	vm5 =	vge.f32 v58, v36;
	(xrf1) =	vsort.dscd.msk.f32 $0xffff, v35, v39;
	v35, v39, _ =	vpop (xrf1)  }
0x63: {  	v46 =	vsel vm5, v60, v37;
	v37 =	vsel vm5, v37, v60;
	vm5 =	vle.f32 v49, v35  }
0x64: {  	v36 =	vmin.f32 v58, v36;
	v54 =	vmin.f32 v49, v35;
	v56, v55, _ =	vpop (xrf1);
	v57 =	vsel vm5, v50, v39  }
0x65: {  	v39 =	vsel vm5, v39, v50;
	vm5 =	vle.f32 v51, v56;
	v58 =	vmin.f32 v51, v56  }
0x66: {  	v59 =	vsel vm5, v52, v55;
	v38 =	vsel vm5, v55, v52;
	vm5 =	vle.f32 v54, v58  }
0x67: {  	(xrf1) =	vsort.dscd.msk.f32 $0xffff, v53, v46;
	v40 =	vsel vm5, v59, v57  }
0x68: {  	(xrf1) =	vsort.dscd.msk.f32 $0xffff, v36, v37;
	v36 =	vmax.f32 v54, v58  }
0x69: {  	v62, v63, _ =	vpop (xrf1);
	v60 =	vmin.f32 v54, v58;
	v61 =	vsel vm5, v57, v59  }
0x6a: {  	v35 =	vmax.f32 v49, v35;
	v37 =	vmax.f32 v51, v56;
	v48, v49, _ =	vpop (xrf1);
	(xrf1) =	vsort.ascd.msk.f32 $0xffff, v60, v61  }
0x6b: {  	vm5 =	vle.f32 v35, v37;
	(xrf1) =	vsort.ascd.msk.f32 $0xffff, v36, v40;
	v36, v40, _ =	vpop (xrf1)  }
0x6c: {  	v51 =	vsel vm5, v39, v38;
	v52 =	vsel vm5, v38, v39;
	vm5 =	vge.f32 v62, v36  }
0x6d: {  	v50 =	vmin.f32 v35, v37;
	v53 =	vmax.f32 v62, v36;
	v54, v38, _ =	vpop (xrf1);
	v55 =	vsel vm5, v63, v40  }
0x6e: {  	v40 =	vsel vm5, v40, v63;
	vm5 =	vge.f32 v48, v54;
	v56 =	vmax.f32 v48, v54  }
0x6f: {  	v57 =	vsel vm5, v49, v38;
	v38 =	vsel vm5, v38, v49;
	vm5 =	vge.f32 v53, v56  }
0x70: {  	v35 =	vmax.f32 v35, v37;
	(xrf1) =	vsort.ascd.msk.f32 $0xffff, v50, v51;
	v39 =	vsel vm5, v57, v55  }
0x71: {  	(xrf1) =	vsort.ascd.msk.f32 $0xffff, v35, v52;
	v36 =	vmin.f32 v62, v36;
	v35 =	vmin.f32 v53, v56  }
0x72: {  	v37 =	vmin.f32 v48, v54;
	v60, v61, _ =	vpop (xrf1);
	v58 =	vmax.f32 v53, v56;
	v59 =	vsel vm5, v55, v57  }
0x73: {  	v62, v63, _ =	vpop (xrf1);
	v48 =	vmax.f32 v36, v37;
	vm5 =	vge.f32 v36, v37;
	(xrf1) =	vsort.dscd.msk.f32 $0xffff, v58, v59  }
0x74: {  	v36 =	vmin.f32 v36, v37;
	v49 =	vsel vm5, v40, v38;
	(xrf1) =	vsort.dscd.msk.f32 $0xffff, v35, v39;
	v35, v39, _ =	vpop (xrf1)  }
0x75: {  	v50 =	vsel vm5, v38, v40;
	(xrf1) =	vsort.dscd.msk.f32 $0xffff, v48, v49;
	vm5 =	vle.f32 v60, v35  }
0x76: {  	(xrf1) =	vsort.dscd.msk.f32 $0xffff, v36, v50;
	v51 =	vmin.f32 v60, v35;
	v52, v38, _ =	vpop (xrf1);
	v53 =	vsel vm5, v61, v39  }
0x77: {  	v39 =	vsel vm5, v39, v61;
	vm5 =	vle.f32 v62, v52;
	v54 =	vmin.f32 v62, v52  }
0x78: {  	v57 =	vsel vm5, v63, v38;
	v38 =	vsel vm5, v38, v63;
	vm5 =	vle.f32 v51, v54  }
0x79: {  	v35 =	vmax.f32 v60, v35;
	v37 =	vmax.f32 v62, v52;
	v56, v55, _ =	vpop (xrf1);
	v40 =	vsel vm5, v57, v53  }
0x7a: {  	v59, v58, _ =	vpop (xrf1);
	v47 =	vmin.f32 v51, v54;
	v36 =	vmax.f32 v51, v54;
	v60 =	vsel vm5, v53, v57  }
0x7b: {  	v61 =	vmin.f32 v35, v37;
	v48, v49, _ =	vpop (xrf1);
	vm5 =	vle.f32 v35, v37;
	(xrf1) =	vsort.ascd.msk.f32 $0xffff, v47, v60  }
0x7c: {  	v35 =	vmax.f32 v35, v37;
	v43, v45, _ =	vpop (xrf1);
	v50 =	vsel vm5, v39, v38;
	(xrf1) =	vsort.ascd.msk.f32 $0xffff, v36, v40  }
0x7d: {  	v62 =	vsel vm5, v38, v39;
	(xrf1) =	vsort.ascd.msk.f32 $0xffff, v61, v50;
	v36, v40, _ =	vpop (xrf1)  }
0x7e: {  	(xrf1) =	vsort.ascd.msk.f32 $0xffff, v35, v62;
	vm5 =	vge.f32 v56, v36;
	v63 =	vmax.f32 v56, v36  }
0x7f: {  	v35, v37, _ =	vpop (xrf1);
	v36 =	vmin.f32 v56, v36;
	v39 =	vsel vm5, v55, v40;
	v40 =	vsel vm5, v40, v55  }
0x80: {  	vm5 =	vge.f32 v59, v35;
	v41 =	vmax.f32 v59, v35;
	v55, v54, _ =	vpop (xrf1);
	v35 =	vmin.f32 v59, v35  }
0x81: {  	v56 =	vsel vm5, v58, v37;
	v37 =	vsel vm5, v37, v58;
	vm5 =	vge.f32 v48, v55  }
0x82: {  	v58, v57, _ =	vpop (xrf1);
	v51 =	vmax.f32 v48, v55;
	v44 =	vmin.f32 v48, v55;
	v59 =	vsel vm5, v49, v54  }
0x83: {  	v47 =	vsel vm5, v54, v49;
	vm5 =	vge.f32 v43, v58;
	v60 =	vmax.f32 v43, v58  }
0x84: {  	v43 =	vmin.f32 v43, v58;
	v62 =	vmax.f32 v63, v51;
	v38 =	vmin.f32 v63, v51  }
0x85: {  	v61 =	vsel vm5, v45, v57;
	v45 =	vsel vm5, v57, v45;
	vm5 =	vge.f32 v63, v51  }
0x86: {  	v55 =	vmax.f32 v36, v44;
	v53 =	vmax.f32 v41, v60;
	v63 =	vsel vm5, v39, v59  }
0x87: {  	v39 =	vsel vm5, v59, v39;
	vm5 =	vge.f32 v41, v60;
	v41 =	vmin.f32 v41, v60  }
0x88: {  	v58 =	vmax.f32 v62, v53;
	v48 =	vmin.f32 v62, v53;
	v54 =	vsel vm5, v56, v61  }
0x89: {  	v42 =	vsel vm5, v61, v56;
	vm5 =	vge.f32 v36, v44;
	v36 =	vmin.f32 v36, v44  }
0x8a: {  	v56 =	vmax.f32 v35, v43;
	v60 =	vmax.f32 v38, v41;
	v44 =	vsel vm5, v40, v47  }
0x8b: {  	v40 =	vsel vm5, v47, v40;
	vm5 =	vge.f32 v35, v43;
	v35 =	vmin.f32 v35, v43  }
0x8c: {  	v57 =	vsel vm5, v37, v45;
	v37 =	vsel vm5, v45, v37;
	vm5 =	vge.f32 v62, v53  }
0x8d: {  	v59 =	vsel vm5, v63, v54;
	v49 =	vsel vm5, v54, v63;
	vm5 =	vge.f32 v38, v41  }
0x8e: {  	(xrf1) =	vsort.dscd.msk.f32 $0xffff, v58, v59;
	v61 =	vsel vm5, v39, v42;
	v39 =	vsel vm5, v42, v39  }
0x8f: {  	v52 =	vmax.f32 v55, v56;
	v38 =	vmin.f32 v38, v41;
	(xrf1) =	vsort.dscd.msk.f32 $0xffff, v48, v49  }
0x90: {  	v46 =	vmin.f32 v55, v56;
	v63, v62, _ =	vpop (xrf1);
	vm5 =	vge.f32 v55, v56;
	(xrf1) =	vsort.dscd.msk.f32 $0xffff, v60, v61  }
0x91: {  	v54, v53, _ =	vpop (xrf1);
	v55 =	vsel vm5, v44, v57;
	v43 =	vsel vm5, v57, v44;
	(xrf1) =	vsort.dscd.msk.f32 $0xffff, v38, v39  }
0x92: {  	v56 =	vmax.f32 v36, v35;
	vm5 =	vge.f32 v36, v35;
	v38, v39, _ =	vpop (xrf1);
	(xrf1) =	vsort.dscd.msk.f32 $0xffff, v52, v55  }
0x93: {  	v35 =	vmin.f32 v36, v35;
	v57 =	vsel vm5, v40, v37;
	v44, v47, _ =	vpop (xrf1);
	(xrf1) =	vsort.dscd.msk.f32 $0xffff, v46, v43  }
0x94: {  	v58 =	vsel vm5, v37, v40;
	v43, v46, _ =	vpop (xrf1);
	(xrf1) =	vsort.dscd.msk.f32 $0xffff, v56, v57  }
0x95: {  	(xrf1) =	vsort.dscd.msk.f32 $0xffff, v35, v58;
	vm5 =	vle.f32 v63, v43;
	v59 =	vmin.f32 v63, v43  }
0x96: {  	v35, v36, _ =	vpop (xrf1);
	v40 =	vmax.f32 v63, v43;
	v42 =	vsel vm5, v62, v46;
	v43 =	vsel vm5, v46, v62  }
0x97: {  	vm5 =	vle.f32 v54, v35;
	v45 =	vmin.f32 v54, v35;
	v61, v60, _ =	vpop (xrf1);
	v35 =	vmax.f32 v54, v35  }
0x98: {  	v62 =	vsel vm5, v53, v36;
	v36 =	vsel vm5, v36, v53;
	vm5 =	vle.f32 v38, v61  }
0x99: {  	v34, v63, _ =	vpop (xrf1);
	v54 =	vmin.f32 v38, v61;
	v38 =	vmax.f32 v38, v61;
	v55 =	vsel vm5, v39, v60  }
0x9a: {  	v39 =	vsel vm5, v60, v39;
	vm5 =	vle.f32 v44, v34;
	v56 =	vmin.f32 v44, v34  }
0x9b: {  	v44 =	vmax.f32 v44, v34;
	v58 =	vmin.f32 v59, v54;
	v37 =	vmax.f32 v59, v54  }
0x9c: {  	vm6 =	vle.f32 v40, v38;
	v53 =	vmin.f32 v40, v38;
	v57 =	vsel vm5, v47, v63  }
0x9d: {  	v47 =	vsel vm5, v63, v47;
	vm5 =	vle.f32 v59, v54;
	v60 =	vmin.f32 v45, v56  }
0x9e: {  	v59 =	vsel vm5, v42, v55;
	v42 =	vsel vm5, v55, v42;
	vm5 =	vle.f32 v45, v56  }
0x9f: {  	v61 =	vsel vm5, v62, v57;
	v41 =	vsel vm5, v57, v62;
	vm5 =	vle.f32 v58, v60  }
0xa0: {  	v45 =	vmax.f32 v45, v56;
	v62 =	vmin.f32 v58, v60;
	v52 =	vsel vm5, v59, v61  }
0xa1: {  	v46 =	vmax.f32 v58, v60;
	vm7 =	vle.f32 v37, v45;
	(xrf1) =	vsort.ascd.msk.f32 $0xffff, v62, v52  }
0xa2: {  	v48 =	vsel vm5, v61, v59;
	v55 =	vsel vm7, v42, v41;
	v41 =	vsel vm7, v41, v42  }
0xa3: {  	v54 =	vmin.f32 v37, v45;
	v37 =	vmax.f32 v37, v45;
	(xrf1) =	vsort.ascd.msk.f32 $0xffff, v46, v48  }
0xa4: {  	v38 =	vmax.f32 v40, v38;
	v63 =	vsel vm6, v43, v39;
	(xrf1) =	vsort.ascd.msk.f32 $0xffff, v54, v55  }
0xa5: {  	v39 =	vsel vm6, v39, v43;
	vm5 =	vle.f32 v35, v44;
	v52 =	vmin.f32 v35, v44  }
0xa6: {  	v56 =	vsel vm5, v36, v47;
	vm7 =	vle.f32 v53, v52;
	(xrf1) =	vsort.ascd.msk.f32 $0xffff, v37, v41;
	v37, v41, _ =	vpop (xrf1)  }
0xa7: {  	v35 =	vmax.f32 v35, v44;
	v57 =	vmin.f32 v53, v52;
	v58 =	vsel vm7, v63, v56;
	v48, v49, _ =	vpop (xrf1)  }
0xa8: {  	v59 =	vmax.f32 v53, v52;
	v40 =	vsel vm7, v56, v63;
	(xrf1) =	vsort.ascd.msk.f32 $0xffff, v57, v58;
	v43, v44, _ =	vpop (xrf1)  }
0xa9: {  	v36 =	vsel vm5, v47, v36;
	vm5 =	vle.f32 v38, v35;
	v42, v46, _ =	vpop (xrf1);
	(xrf1) =	vsort.ascd.msk.f32 $0xffff, v59, v40  }
0xaa: {  	v60 =	vmin.f32 v38, v35;
	v61 =	vsel vm5, v39, v36;
	v36 =	vsel vm5, v36, v39  }
0xab: {  	v35 =	vmax.f32 v38, v35;
	v40, v45, _ =	vpop (xrf1);
	(xrf1) =	vsort.ascd.msk.f32 $0xffff, v60, v61  }
0xac: {  	v47, v50, _ =	vpop (xrf1)  }
0xad: {  	v38, v39, _ =	vpop (xrf1);
	(xrf1) =	vsort.ascd.msk.f32 $0xffff, v35, v36  }
0xae: {  	v35, v36, _ =	vpop (xrf1)  }
0xaf: {  	v62, v52, _ =	vpop (xrf1)  }
0xb0: {  	vm5 =	vge.f32 v37, v62;
	v55 =	vmax.f32 v37, v62  }
0xb1: {  	v63, v54, _ =	vpop (xrf1);
	v37 =	vmin.f32 v37, v62;
	v51 =	vsel vm5, v41, v52;
	v41 =	vsel vm5, v52, v41  }
0xb2: {  	vm5 =	vge.f32 v48, v63;
	v52 =	vmax.f32 v48, v63;
	v56, v57, _ =	vpop (xrf1);
	v48 =	vmin.f32 v48, v63  }
0xb3: {  	v53 =	vsel vm5, v49, v54;
	v49 =	vsel vm5, v54, v49;
	vm5 =	vge.f32 v43, v56  }
0xb4: {  	v54, v58, _ =	vpop (xrf1);
	v59 =	vmax.f32 v43, v56;
	v43 =	vmin.f32 v43, v56;
	v56 =	vsel vm5, v44, v57  }
0xb5: {  	v44 =	vsel vm5, v57, v44;
	vm5 =	vge.f32 v42, v54;
	v61 =	vmax.f32 v42, v54  }
0xb6: {  	v34, v60, _ =	vpop (xrf1);
	v42 =	vmin.f32 v42, v54;
	v54 =	vsel vm5, v46, v58;
	v46 =	vsel vm5, v58, v46  }
0xb7: {  	vm5 =	vge.f32 v40, v34;
	v58 =	vmax.f32 v40, v34;
	v40 =	vmin.f32 v40, v34;
	v62, v63, _ =	vpop (xrf1)  }
0xb8: {  	v57 =	vsel vm5, v45, v60;
	v45 =	vsel vm5, v60, v45;
	vm5 =	vge.f32 v47, v62  }
0xb9: {  	v60, v34, _ =	vpop (xrf1);
	v1 =	vmax.f32 v47, v62;
	v47 =	vmin.f32 v47, v62;
	v62 =	vsel vm5, v50, v63  }
0xba: {  	v50 =	vsel vm5, v63, v50;
	vm5 =	vge.f32 v38, v60;
	v3 =	vmax.f32 v38, v60  }
0xbb: {  	v38 =	vmin.f32 v38, v60;
	v63, v2, _ =	vpop (xrf1);
	v60 =	vsel vm5, v39, v34;
	v34 =	vsel vm5, v34, v39  }
0xbc: {  	vm5 =	vge.f32 v35, v63;
	v39 =	vmax.f32 v35, v63;
	v35 =	vmin.f32 v35, v63  }
0xbd: {  	v63 =	vsel vm5, v36, v2;
	v2 =	vsel vm5, v2, v36;
	vm5 =	vge.f32 v55, v58  }
0xbe: {  	v36 =	vmax.f32 v55, v58;
	v55 =	vmin.f32 v55, v58;
	v58 =	vsel vm5, v51, v57  }
0xbf: {  	v51 =	vsel vm5, v57, v51;
	vm5 =	vge.f32 v52, v1;
	v57 =	vmax.f32 v52, v1  }
0xc0: {  	v1 =	vmin.f32 v52, v1;
	v52 =	vsel vm5, v53, v62;
	v53 =	vsel vm5, v62, v53  }
0xc1: {  	vm5 =	vge.f32 v59, v3;
	v62 =	vmax.f32 v59, v3;
	v3 =	vmin.f32 v59, v3  }
0xc2: {  	v59 =	vsel vm5, v56, v60;
	v56 =	vsel vm5, v60, v56;
	vm5 =	vge.f32 v61, v39  }
0xc3: {  	v60 =	vmax.f32 v61, v39;
	v39 =	vmin.f32 v61, v39;
	v61 =	vsel vm5, v54, v63  }
0xc4: {  	v54 =	vsel vm5, v63, v54;
	vm5 =	vge.f32 v37, v40;
	v63 =	vmax.f32 v37, v40  }
0xc5: {  	v37 =	vmin.f32 v37, v40;
	v40 =	vsel vm5, v41, v45;
	v41 =	vsel vm5, v45, v41  }
0xc6: {  	vm5 =	vge.f32 v48, v47;
	v45 =	vmax.f32 v48, v47;
	v47 =	vmin.f32 v48, v47  }
0xc7: {  	v48 =	vsel vm5, v49, v50;
	v49 =	vsel vm5, v50, v49;
	vm5 =	vge.f32 v43, v38  }
0xc8: {  	v50 =	vmax.f32 v43, v38;
	v38 =	vmin.f32 v43, v38;
	v43 =	vsel vm5, v44, v34  }
0xc9: {  	v34 =	vsel vm5, v34, v44;
	vm5 =	vge.f32 v42, v35;
	v44 =	vmax.f32 v42, v35  }
0xca: {  	v35 =	vmin.f32 v42, v35;
	v42 =	vsel vm5, v46, v2;
	v2 =	vsel vm5, v2, v46  }
0xcb: {  	vm5 =	vge.f32 v36, v62;
	v46 =	vmax.f32 v36, v62;
	v36 =	vmin.f32 v36, v62  }
0xcc: {  	v62 =	vsel vm5, v58, v59;
	v58 =	vsel vm5, v59, v58;
	vm5 =	vge.f32 v57, v60  }
0xcd: {  	v59 =	vmax.f32 v57, v60;
	v57 =	vmin.f32 v57, v60;
	v60 =	vsel vm5, v52, v61  }
0xce: {  	v52 =	vsel vm5, v61, v52;
	vm5 =	vge.f32 v55, v3;
	v61 =	vmax.f32 v55, v3  }
0xcf: {  	v3 =	vmin.f32 v55, v3;
	v55 =	vsel vm5, v51, v56;
	v51 =	vsel vm5, v56, v51  }
0xd0: {  	vm5 =	vge.f32 v1, v39;
	v56 =	vmax.f32 v1, v39;
	v1 =	vmin.f32 v1, v39  }
0xd1: {  	v39 =	vsel vm5, v53, v54;
	v53 =	vsel vm5, v54, v53;
	vm5 =	vge.f32 v63, v50  }
0xd2: {  	v54 =	vmax.f32 v63, v50;
	v50 =	vmin.f32 v63, v50;
	v63 =	vsel vm5, v40, v43  }
0xd3: {  	v40 =	vsel vm5, v43, v40;
	vm5 =	vge.f32 v45, v44;
	v43 =	vmax.f32 v45, v44  }
0xd4: {  	v44 =	vmin.f32 v45, v44;
	v45 =	vsel vm5, v48, v42;
	v42 =	vsel vm5, v42, v48  }
0xd5: {  	vm5 =	vge.f32 v37, v38;
	v48 =	vmax.f32 v37, v38;
	v37 =	vmin.f32 v37, v38  }
0xd6: {  	v38 =	vsel vm5, v41, v34;
	v34 =	vsel vm5, v34, v41;
	vm5 =	vge.f32 v47, v35  }
0xd7: {  	v41 =	vmax.f32 v47, v35;
	v35 =	vmin.f32 v47, v35;
	v47 =	vsel vm5, v49, v2  }
0xd8: {  	v2 =	vsel vm5, v2, v49;
	vm5 =	vge.f32 v46, v59;
	v49 =	vmax.f32 v46, v59  }
0xd9: {  	v46 =	vmin.f32 v46, v59;
	v59 =	vsel vm5, v62, v60;
	v60 =	vsel vm5, v60, v62  }
0xda: {  	vm5 =	vge.f32 v36, v57;
	v62 =	vmax.f32 v36, v57;
	v36 =	vmin.f32 v36, v57  }
0xdb: {  	v57 =	vsel vm5, v58, v52;
	v52 =	vsel vm5, v52, v58;
	vm5 =	vge.f32 v61, v56  }
0xdc: {  	v58 =	vmax.f32 v61, v56;
	(xrf1) =	vsort.dscd.msk.f32 $0xffff, v49, v59;
	v49 =	vmin.f32 v61, v56  }
0xdd: {  	v61 =	vsel vm5, v55, v39;
	(xrf1) =	vsort.dscd.msk.f32 $0xffff, v46, v60;
	v39 =	vsel vm5, v39, v55  }
0xde: {  	vm5 =	vge.f32 v3, v1;
	v60 =	vmax.f32 v54, v43;
	(xrf1) =	vsort.dscd.msk.f32 $0xffff, v62, v57  }
0xdf: {  	v57 =	vmax.f32 v3, v1;
	v1 =	vmin.f32 v3, v1;
	(xrf1) =	vsort.dscd.msk.f32 $0xffff, v36, v52  }
0xe0: {  	v3 =	vsel vm5, v51, v53;
	v59 =	vsel vm5, v53, v51;
	(xrf1) =	vsort.dscd.msk.f32 $0xffff, v58, v61  }
0xe1: {  	vm5 =	vge.f32 v54, v43;
	v51 =	vmax.f32 v37, v35;
	(xrf1) =	vsort.dscd.msk.f32 $0xffff, v49, v39  }
0xe2: {  	v62 =	vsel vm5, v63, v45;
	v61 =	vmin.f32 v54, v43;
	(xrf1) =	vsort.dscd.msk.f32 $0xffff, v57, v3  }
0xe3: {  	v3 =	vsel vm5, v45, v63;
	vm5 =	vge.f32 v50, v44;
	(xrf1) =	vsort.dscd.msk.f32 $0xffff, v1, v59  }
0xe4: {  	v1 =	vmax.f32 v50, v44;
	v46 =	vsel vm5, v40, v42;
	(xrf1) =	vsort.dscd.msk.f32 $0xffff, v60, v62  }
0xe5: {  	s30 =	sand.u32 $0x380, s17;
	v40 =	vsel vm5, v42, v40;
	vm5 =	vge.f32 v48, v41;
	(xrf1) =	vsort.dscd.msk.f32 $0xffff, v61, v3  }
0xe6: {  	s20 =	sor.u32 s30, s20;
	v45 =	vmin.f32 v50, v44;
	v49 =	vsel vm5, v38, v47;
	(xrf1) =	vsort.dscd.msk.f32 $0xffff, v1, v46  }
0xe7: {  	v50 =	vld [tilespmem:s20+$0x0];
	v38 =	vsel vm5, v47, v38;
	v3 =	vmax.f32 v48, v41;
	(xrf1) =	vsort.dscd.msk.f32 $0xffff, v45, v40  }
0xe8: {  	vm5 =	vge.f32 v37, v35;
	v1 =	vmin.f32 v48, v41;
	(xrf1) =	vsort.dscd.msk.f32 $0xffff, v3, v49;
	v3 =	vld [tilespmem:s20+$0x10]  }
0xe9: {  	v35 =	vmin.f32 v37, v35;
	v52 =	vsel vm5, v34, v2;
	(xrf1) =	vsort.dscd.msk.f32 $0xffff, v1, v38  }
0xea: {  	v56 =	vld [tilespmem:s20+$0x30];
	v2 =	vsel vm5, v2, v34;
	v1 =	vor.u32 s19, v26;
	v55, v54, _ =	vpop (xrf1);
	(xrf1) =	vsort.dscd.msk.f32 $0xffff, v51, v52  }
0xeb: {  	v53 =	vld [tilespmem:s20+$0x20];
	v58, v57, _ =	vpop (xrf1);
	(xrf1) =	vsort.dscd.msk.f32 $0xffff, v35, v2  }
0xec: {  	v59 =	vld [tilespmem:s20+$0x40];
	v2 =	vor.u32 s19, v28;
	v35, v42, _ =	vpop (xrf1);
	(xrf1) =	vsort.dscd.msk.f32 $0xffff, v50, v0  }
0xed: {  	v36, v44, _ =	vpop (xrf1);
	(xrf1) =	vsort.ascd.msk.f32 $0xffff, v3, v13;
	v13 =	vld [tilespmem:$0x1FE10]  }
0xee: {  	v60 =	vor.u32 s19, v29;
	v61 =	vld [tilespmem:s20+$0x50];
	v3, v49, _ =	vpop (xrf1)  }
0xef: {  	v62 =	vld [tilespmem:s20+$0x60];
	[tilespmem:v1+s10+$0x0] =	vst.idx.msk $0xffff, v55;
	v50, v51, _ =	vpop (xrf1)  }
0xf0: {  	v63 =	vld [tilespmem:s20+$0x70];
	(xrf1) =	vsort.dscd.msk.f32 $0xffff, v53, v14;
	[tilespmem:v1+s11+$0x0] =	vst.idx.msk $0xffff, v54;
	v1 =	vor.u32 s19, v30;
	v52, v53, _ =	vpop (xrf1)  }
0xf1: {  	v39 =	vld [tilespmem:s20+$0x400];
	(xrf1) =	vsort.ascd.msk.f32 $0xffff, v56, v15;
	[tilespmem:v2+s10+$0x0] =	vst.idx.msk $0xffff, v58;
	v54, v55, _ =	vpop (xrf1)  }
0xf2: {  	v41 =	vld [tilespmem:s20+$0x410];
	(xrf1) =	vsort.dscd.msk.f32 $0xffff, v59, v16;
	[tilespmem:v2+s11+$0x0] =	vst.idx.msk $0xffff, v57;
	v2 =	vor.u32 s19, v13;
	v56, v57, _ =	vpop (xrf1)  }
0xf3: {  	v59 =	vld [tilespmem:s20+$0x430];
	(xrf1) =	vsort.ascd.msk.f32 $0xffff, v61, v18;
	[tilespmem:v60+s10+$0x0] =	vst.idx.msk $0xffff, v35;
	v48, v47, _ =	vpop (xrf1)  }
0xf4: {  	v35 =	vld [tilespmem:s20+$0x420];
	(xrf1) =	vsort.dscd.msk.f32 $0xffff, v62, v19;
	[tilespmem:v60+s11+$0x0] =	vst.idx.msk $0xffff, v42;
	v46, v40, _ =	vpop (xrf1)  }
0xf5: {  	v58 =	vor.u32 s19, v25;
	v18 =	vld [tilespmem:$0x1FFF0];
	(xrf1) =	vsort.ascd.msk.f32 $0xffff, v63, v20;
	[tilespmem:v1+s10+$0x0] =	vst.idx.msk $0xffff, v36;
	v42, v38, _ =	vpop (xrf1)  }
0xf6: {  	v34 =	vld [tilespmem:s20+$0x440];
	[tilespmem:v1+s11+$0x0] =	vst.idx.msk $0xffff, v44;
	(xrf1) =	vsort.dscd.msk.f32 $0xffff, v39, v21;
	v43, v39, _ =	vpop (xrf1)  }
0xf7: {  	v60 =	vld [tilespmem:s20+$0x450];
	v1 =	vor.u32 s19, v27;
	(xrf1) =	vsort.ascd.msk.f32 $0xffff, v41, v23;
	[tilespmem:v2+s10+$0x0] =	vst.idx.msk $0xffff, v3;
	v44, v41, _ =	vpop (xrf1)  }
0xf8: {  	v3 =	vld [tilespmem:s20+$0x460];
	[tilespmem:v2+s11+$0x0] =	vst.idx.msk $0xffff, v49;
	v45, v14, _ =	vpop (xrf1)  }
0xf9: {  	v37 =	vld [tilespmem:s20+$0x470];
	(xrf1) =	vsort.dscd.msk.f32 $0xffff, v35, v24;
	[tilespmem:$0x1FDA0] =	vst v14  }
0xfa: {  	(xrf1) =	vsort.ascd.msk.f32 $0xffff, v59, v18;
	[tilespmem:v58+s10+$0x0] =	vst.idx.msk $0xffff, v50  }
0xfb: {  	v15, v14, _ =	vpop (xrf1);
	(xrf1) =	vsort.dscd.msk.f32 $0xffff, v34, v4;
	[tilespmem:v58+s11+$0x0] =	vst.idx.msk $0xffff, v51  }
0xfc: {  	v62, v61, _ =	vpop (xrf1);
	(xrf1) =	vsort.ascd.msk.f32 $0xffff, v60, v5;
	[tilespmem:v1+s10+$0x0] =	vst.idx.msk $0xffff, v52  }
0xfd: {  	v2 =	vor.u32 s19, v17;
	[tilespmem:v1+s11+$0x0] =	vst.idx.msk $0xffff, v53;
	v1, v63, _ =	vpop (xrf1);
	(xrf1) =	vsort.dscd.msk.f32 $0xffff, v3, v32  }
0xfe: {  	v3, v52, _ =	vpop (xrf1);
	(xrf1) =	vsort.ascd.msk.f32 $0xffff, v37, v31;
	vm5 =	vge.f32 v62, v1  }
0xff: {  	v58 =	vmax.f32 v62, v1;
	v1 =	vmin.f32 v62, v1;
	v37, v36, _ =	vpop (xrf1);
	v59 =	vsel vm5, v61, v63  }
0x100: {  	v50 =	vsel vm5, v63, v61;
	(xrf1) =	vsort.dscd.msk.f32 $0xffff, v58, v59;
	vm5 =	vle.f32 v3, v37  }
0x101: {  	v61, v60, _ =	vpop (xrf1);
	(xrf1) =	vsort.dscd.msk.f32 $0xffff, v1, v50;
	v1 =	vmin.f32 v3, v37;
	v3 =	vmax.f32 v3, v37  }
0x102: {  	[tilespmem:v2+s10+$0x0] =	vst.idx.msk $0xffff, v54;
	v62 =	vsel vm5, v52, v36;
	v32, v63, _ =	vpop (xrf1)  }
0x103: {  	[tilespmem:v2+s11+$0x0] =	vst.idx.msk $0xffff, v55;
	v35 =	vsel vm5, v36, v52;
	(xrf1) =	vsort.ascd.msk.f32 $0xffff, v1, v62;
	v2, v36, _ =	vpop (xrf1)  }
0x104: {  	v1 =	vor.u32 s19, v11;
	vm5 =	vge.f32 v61, v32;
	v37 =	vmax.f32 v61, v32;
	(xrf1) =	vsort.ascd.msk.f32 $0xffff, v3, v35;
	v3, v49, _ =	vpop (xrf1)  }
0x105: {  	v59 =	vsel vm5, v60, v63;
	v51 =	vsel vm5, v63, v60;
	vm5 =	vle.f32 v2, v3  }
0x106: {  	v60 =	vmin.f32 v2, v3;
	v2 =	vmax.f32 v2, v3;
	v3 =	vsel vm5, v49, v36  }
0x107: {  	v34 =	vmin.f32 v61, v32;
	(xrf1) =	vsort.dscd.msk.f32 $0xffff, v37, v59;
	v52, v53, _ =	vpop (xrf1)  }
0x108: {  	(xrf1) =	vsort.dscd.msk.f32 $0xffff, v34, v51;
	v61 =	vsel vm5, v36, v49;
	v63, v62, _ =	vpop (xrf1)  }
0x109: {  	(xrf1) =	vsort.ascd.msk.f32 $0xffff, v60, v61;
	[tilespmem:v1+s10+$0x0] =	vst.idx.msk $0xffff, v56;
	v37, v36, _ =	vpop (xrf1);
	vm5 =	vge.f32 v52, v63  }
0x10a: {  	v56 =	vmax.f32 v52, v63;
	v58 =	vmin.f32 v52, v63;
	(xrf1) =	vsort.ascd.msk.f32 $0xffff, v2, v3;
	v2, v3, _ =	vpop (xrf1)  }
0x10b: {  	v59 =	vsel vm5, v53, v62;
	v53 =	vsel vm5, v62, v53;
	vm5 =	vle.f32 v37, v2  }
0x10c: {  	(xrf1) =	vsort.dscd.msk.f32 $0xffff, v56, v59;
	v50, v52, _ =	vpop (xrf1);
	v61 =	vsel vm5, v36, v3;
	v3 =	vsel vm5, v3, v36  }
0x10d: {  	(xrf1) =	vsort.dscd.msk.f32 $0xffff, v58, v53;
	v60 =	vmin.f32 v37, v2;
	v2 =	vmax.f32 v37, v2;
	v62, v63, _ =	vpop (xrf1)  }
0x10e: {  	[tilespmem:v1+s11+$0x0] =	vst.idx.msk $0xffff, v57;
	(xrf1) =	vsort.ascd.msk.f32 $0xffff, v60, v61;
	vm5 =	vge.f32 v50, v62  }
0x10f: {  	v1, v34, _ =	vpop (xrf1);
	v35 =	vmax.f32 v50, v62;
	(xrf1) =	vsort.ascd.msk.f32 $0xffff, v2, v3;
	v36 =	vsel vm5, v52, v63  }
0x110: {  	v50 =	vmin.f32 v50, v62;
	v52 =	vsel vm5, v63, v52;
	(xrf1) =	vsort.dscd.msk.f32 $0xffff, v35, v36;
	v2, v3, _ =	vpop (xrf1)  }
0x111: {  	(xrf1) =	vsort.dscd.msk.f32 $0xffff, v50, v52;
	v37, v60, _ =	vpop (xrf1);
	vm5 =	vle.f32 v1, v2;
	v61 =	vmin.f32 v1, v2  }
0x112: {  	v1 =	vmax.f32 v1, v2;
	v49, v51, _ =	vpop (xrf1);
	v62 =	vsel vm5, v34, v3;
	v2 =	vsel vm5, v3, v34  }
0x113: {  	v35, v63, _ =	vpop (xrf1);
	(xrf1) =	vsort.ascd.msk.f32 $0xffff, v61, v62  }
0x114: {  	(xrf1) =	vsort.ascd.msk.f32 $0xffff, v1, v2;
	vm5 =	vge.f32 v37, v35  }
0x115: {  	v1 =	vmax.f32 v37, v35;
	v34 =	vmin.f32 v37, v35;
	v2, v3, _ =	vpop (xrf1);
	v36 =	vsel vm5, v60, v63  }
0x116: {  	v37 =	vsel vm5, v63, v60;
	vm5 =	vge.f32 v49, v2;
	v56 =	vmax.f32 v49, v2  }
0x117: {  	v57 =	vsel vm5, v51, v3;
	v3 =	vsel vm5, v3, v51;
	vm5 =	vge.f32 v1, v56  }
0x118: {  	v2 =	vmin.f32 v49, v2;
	v49 =	vsel vm5, v57, v36  }
0x119: {  	v58 =	vmax.f32 v1, v56;
	v1 =	vmin.f32 v1, v56;
	v59 =	vsel vm5, v36, v57  }
0x11a: {  	v61, v60, _ =	vpop (xrf1);
	v35 =	vmax.f32 v34, v2;
	vm5 =	vge.f32 v34, v2;
	(xrf1) =	vsort.dscd.msk.f32 $0xffff, v58, v59  }
0x11b: {  	v62, v63, _ =	vpop (xrf1);
	v56 =	vsel vm5, v37, v3;
	v3 =	vsel vm5, v3, v37;
	(xrf1) =	vsort.dscd.msk.f32 $0xffff, v1, v49  }
0x11c: {  	v2 =	vmin.f32 v34, v2;
	(xrf1) =	vsort.dscd.msk.f32 $0xffff, v35, v56;
	v1, v49, _ =	vpop (xrf1)  }
0x11d: {  	(xrf1) =	vsort.dscd.msk.f32 $0xffff, v2, v3;
	vm5 =	vle.f32 v61, v1  }
0x11e: {  	v2 =	vmin.f32 v61, v1;
	v3, v36, _ =	vpop (xrf1);
	v1 =	vmax.f32 v61, v1;
	v37 =	vsel vm5, v60, v49  }
0x11f: {  	v49 =	vsel vm5, v49, v60;
	vm5 =	vle.f32 v62, v3;
	v56 =	vmin.f32 v62, v3  }
0x120: {  	v57 =	vsel vm5, v63, v36;
	v34 =	vsel vm5, v36, v63;
	vm5 =	vle.f32 v2, v56  }
0x121: {  	v3 =	vmax.f32 v62, v3;
	v58 =	vmin.f32 v2, v56;
	v50 =	vsel vm5, v57, v37  }
0x122: {  	v2 =	vmax.f32 v2, v56;
	v36 =	vmin.f32 v1, v3;
	v59 =	vsel vm5, v37, v57  }
0x123: {  	v60, v61, _ =	vpop (xrf1);
	vm5 =	vle.f32 v1, v3;
	v1 =	vmax.f32 v1, v3;
	(xrf1) =	vsort.ascd.msk.f32 $0xffff, v58, v59  }
0x124: {  	v63, v62, _ =	vpop (xrf1);
	v37 =	vsel vm5, v49, v34;
	v3 =	vsel vm5, v34, v49;
	(xrf1) =	vsort.ascd.msk.f32 $0xffff, v2, v50  }
0x125: {  	(xrf1) =	vsort.ascd.msk.f32 $0xffff, v36, v37;
	v2, v50, _ =	vpop (xrf1)  }
0x126: {  	(xrf1) =	vsort.ascd.msk.f32 $0xffff, v1, v3;
	vm5 =	vge.f32 v60, v2  }
0x127: {  	v1 =	vmax.f32 v60, v2;
	v3, v34, _ =	vpop (xrf1);
	v2 =	vmin.f32 v60, v2;
	v58 =	vsel vm5, v61, v50  }
0x128: {  	v50 =	vsel vm5, v50, v61;
	vm5 =	vge.f32 v63, v3;
	v59 =	vmax.f32 v63, v3  }
0x129: {  	v60 =	vsel vm5, v62, v34;
	v34 =	vsel vm5, v34, v62;
	vm5 =	vge.f32 v1, v59  }
0x12a: {  	v3 =	vmin.f32 v63, v3;
	v61 =	vmax.f32 v1, v59;
	v49 =	vsel vm5, v60, v58  }
0x12b: {  	v1 =	vmin.f32 v1, v59;
	v62 =	vsel vm5, v58, v60;
	vm5 =	vge.f32 v2, v3  }
0x12c: {  	v63, v36, _ =	vpop (xrf1);
	(xrf1) =	vsort.dscd.msk.f32 $0xffff, v61, v62;
	v61 =	vmax.f32 v2, v3;
	v62 =	vsel vm5, v50, v34  }
0x12d: {  	v2 =	vmin.f32 v2, v3;
	v3 =	vsel vm5, v34, v50;
	(xrf1) =	vsort.dscd.msk.f32 $0xffff, v1, v49;
	v37, v60, _ =	vpop (xrf1)  }
0x12e: {  	v1, v49, _ =	vpop (xrf1);
	(xrf1) =	vsort.dscd.msk.f32 $0xffff, v61, v62  }
0x12f: {  	v34 =	vor.u32 s19, v10;
	(xrf1) =	vsort.dscd.msk.f32 $0xffff, v2, v3;
	vm5 =	vle.f32 v63, v1;
	v2 =	vmin.f32 v63, v1  }
0x130: {  	v3, v50, _ =	vpop (xrf1);
	v1 =	vmax.f32 v63, v1;
	v53 =	vsel vm5, v36, v49;
	v49 =	vsel vm5, v49, v36  }
0x131: {  	vm5 =	vle.f32 v37, v3;
	v63 =	vmin.f32 v37, v3;
	v3 =	vmax.f32 v37, v3  }
0x132: {  	v32 =	vsel vm5, v60, v50;
	v50 =	vsel vm5, v50, v60;
	vm5 =	vle.f32 v2, v63  }
0x133: {  	v51, v55, _ =	vpop (xrf1);
	v35 =	vmin.f32 v2, v63;
	v36 =	vsel vm5, v53, v32;
	v53 =	vsel vm5, v32, v53  }
0x134: {  	v52, v57, _ =	vpop (xrf1);
	v2 =	vmax.f32 v2, v63;
	vm5 =	vle.f32 v1, v3;
	v32 =	vmin.f32 v1, v3  }
0x135: {  	v37, v60, _ =	vpop (xrf1);
	v1 =	vmax.f32 v1, v3;
	(xrf1) =	vsort.ascd.msk.f32 $0xffff, v35, v36;
	v3 =	vsel vm5, v50, v49  }
0x136: {  	v54, v56, _ =	vpop (xrf1);
	v35 =	vsel vm5, v49, v50;
	(xrf1) =	vsort.ascd.msk.f32 $0xffff, v2, v53  }
0x137: {  	(xrf1) =	vsort.ascd.msk.f32 $0xffff, v32, v35;
	v2, v53, _ =	vpop (xrf1)  }
0x138: {  	[tilespmem:v34+s10+$0x0] =	vst.idx.msk $0xffff, v48;
	(xrf1) =	vsort.ascd.msk.f32 $0xffff, v1, v3;
	vm5 =	vge.f32 v51, v2  }
0x139: {  	v1, v3, _ =	vpop (xrf1);
	v48 =	vmax.f32 v51, v2;
	v2 =	vmin.f32 v51, v2;
	v49 =	vsel vm5, v55, v53  }
0x13a: {  	v50 =	vsel vm5, v53, v55;
	vm5 =	vge.f32 v52, v1;
	v51 =	vmax.f32 v52, v1  }
0x13b: {  	v53, v55, _ =	vpop (xrf1);
	v1 =	vmin.f32 v52, v1;
	v52 =	vsel vm5, v57, v3;
	v3 =	vsel vm5, v3, v57  }
0x13c: {  	v36, v58, _ =	vpop (xrf1);
	vm5 =	vge.f32 v37, v53;
	v61 =	vmax.f32 v37, v53;
	v53 =	vmin.f32 v37, v53  }
0x13d: {  	v37 =	vsel vm5, v60, v55;
	v55 =	vsel vm5, v55, v60;
	vm5 =	vge.f32 v54, v36  }
0x13e: {  	v32 =	vmax.f32 v54, v36;
	v54 =	vmin.f32 v54, v36;
	v36 =	vmax.f32 v48, v61  }
0x13f: {  	v35 =	vsel vm5, v56, v58;
	v56 =	vsel vm5, v58, v56;
	vm5 =	vge.f32 v48, v61  }
0x140: {  	v57 =	vmax.f32 v2, v53;
	v48 =	vmin.f32 v48, v61;
	v61 =	vsel vm5, v49, v37  }
0x141: {  	v49 =	vsel vm5, v37, v49;
	vm5 =	vge.f32 v51, v32;
	v37 =	vmax.f32 v51, v32  }
0x142: {  	v51 =	vmin.f32 v51, v32;
	v32 =	vsel vm5, v52, v35;
	v52 =	vsel vm5, v35, v52  }
0x143: {  	vm5 =	vge.f32 v2, v53;
	v2 =	vmin.f32 v2, v53;
	v35 =	vmax.f32 v36, v37  }
0x144: {  	v58 =	vmin.f32 v36, v37;
	v53 =	vsel vm5, v50, v55;
	v50 =	vsel vm5, v55, v50  }
0x145: {  	vm5 =	vge.f32 v1, v54;
	v55 =	vmax.f32 v1, v54;
	v1 =	vmin.f32 v1, v54  }
0x146: {  	v54 =	vsel vm5, v3, v56;
	v3 =	vsel vm5, v56, v3;
	vm5 =	vge.f32 v36, v37  }
0x147: {  	v37 =	vmax.f32 v48, v51;
	v36 =	vsel vm5, v61, v32;
	v60 =	vsel vm5, v32, v61  }
0x148: {  	vm5 =	vge.f32 v48, v51;
	v48 =	vmin.f32 v48, v51;
	v32 =	vmax.f32 v57, v55  }
0x149: {  	(xrf1) =	vsort.dscd.msk.f32 $0xffff, v35, v36;
	v63 =	vsel vm5, v49, v52;
	v49 =	vsel vm5, v52, v49  }
0x14a: {  	vm5 =	vge.f32 v57, v55;
	v55 =	vmin.f32 v57, v55;
	(xrf1) =	vsort.dscd.msk.f32 $0xffff, v58, v60  }
0x14b: {  	v52, v56, _ =	vpop (xrf1);
	v36 =	vmax.f32 v2, v1;
	v35 =	vsel vm5, v53, v54;
	(xrf1) =	vsort.dscd.msk.f32 $0xffff, v37, v63  }
0x14c: {  	v51, v59, _ =	vpop (xrf1);
	v53 =	vsel vm5, v54, v53;
	vm5 =	vge.f32 v2, v1;
	(xrf1) =	vsort.dscd.msk.f32 $0xffff, v48, v49  }
0x14d: {  	v1 =	vmin.f32 v2, v1;
	v2 =	vsel vm5, v3, v50;
	v48, v49, _ =	vpop (xrf1);
	(xrf1) =	vsort.dscd.msk.f32 $0xffff, v32, v35  }
0x14e: {  	v37 =	vsel vm5, v50, v3;
	v54, v57, _ =	vpop (xrf1);
	(xrf1) =	vsort.dscd.msk.f32 $0xffff, v55, v53  }
0x14f: {  	v53, v55, _ =	vpop (xrf1);
	(xrf1) =	vsort.dscd.msk.f32 $0xffff, v36, v37  }
0x150: {  	[tilespmem:v34+s11+$0x0] =	vst.idx.msk $0xffff, v47;
	(xrf1) =	vsort.dscd.msk.f32 $0xffff, v1, v2  }
0x151: {  	vm5 =	vle.f32 v52, v53;
	v1, v2, _ =	vpop (xrf1);
	v3 =	vmin.f32 v52, v53;
	v34 =	vmax.f32 v52, v53  }
0x152: {  	v47 =	vsel vm5, v56, v55;
	v50 =	vsel vm5, v55, v56;
	vm5 =	vle.f32 v51, v1  }
0x153: {  	v52 =	vmin.f32 v51, v1;
	v60, v61, _ =	vpop (xrf1);
	v1 =	vmax.f32 v51, v1;
	v51 =	vsel vm5, v59, v2  }
0x154: {  	v2 =	vsel vm5, v2, v59;
	vm5 =	vle.f32 v48, v60;
	v32 =	vmin.f32 v48, v60  }
0x155: {  	v63, v62, _ =	vpop (xrf1);
	v48 =	vmax.f32 v48, v60;
	v35 =	vsel vm5, v49, v61;
	v49 =	vsel vm5, v61, v49  }
0x156: {  	vm5 =	vle.f32 v54, v63;
	v36 =	vmin.f32 v54, v63;
	v54 =	vmax.f32 v54, v63  }
0x157: {  	v60 =	vmin.f32 v3, v32;
	v56 =	vmin.f32 v34, v48;
	v37 =	vsel vm5, v57, v62  }
0x158: {  	v57 =	vsel vm5, v62, v57;
	vm5 =	vle.f32 v3, v32;
	v3 =	vmax.f32 v3, v32  }
0x159: {  	v62 =	vmin.f32 v52, v36;
	v61 =	vsel vm5, v47, v35;
	v47 =	vsel vm5, v35, v47  }
0x15a: {  	vm5 =	vle.f32 v52, v36;
	v52 =	vmax.f32 v52, v36;
	v35 =	vmin.f32 v1, v54  }
0x15b: {  	v53 =	vmax.f32 v60, v62;
	v63 =	vsel vm5, v51, v37;
	v51 =	vsel vm5, v37, v51  }
0x15c: {  	vm5 =	vle.f32 v34, v48;
	v34 =	vmax.f32 v34, v48;
	v37 =	vmin.f32 v60, v62  }
0x15d: {  	v32 =	vsel vm5, v50, v49;
	v49 =	vsel vm5, v49, v50;
	vm5 =	vle.f32 v1, v54  }
0x15e: {  	v36 =	vsel vm5, v2, v57;
	v2 =	vsel vm5, v57, v2;
	vm5 =	vle.f32 v60, v62  }
0x15f: {  	v1 =	vmax.f32 v1, v54;
	v50 =	vmax.f32 v56, v35;
	v60 =	vsel vm5, v61, v63  }
0x160: {  	v55 =	vsel vm5, v63, v61;
	vm5 =	vle.f32 v3, v52;
	v61 =	vmin.f32 v3, v52  }
0x161: {  	v3 =	vmax.f32 v3, v52;
	(xrf1) =	vsort.ascd.msk.f32 $0xffff, v37, v60;
	v62 =	vsel vm5, v47, v51  }
0x162: {  	v47 =	vsel vm5, v51, v47;
	vm5 =	vle.f32 v56, v35;
	(xrf1) =	vsort.ascd.msk.f32 $0xffff, v53, v55  }
0x163: {  	v63 =	vor.u32 s19, v12;
	v37 =	vmin.f32 v56, v35;
	v56 =	vsel vm5, v32, v36;
	(xrf1) =	vsort.ascd.msk.f32 $0xffff, v61, v62  }
0x164: {  	v57 =	vsel vm5, v36, v32;
	vm5 =	vle.f32 v34, v1;
	(xrf1) =	vsort.ascd.msk.f32 $0xffff, v3, v47  }
0x165: {  	v59 =	vsel vm5, v49, v2;
	v2 =	vsel vm5, v2, v49;
	v3 =	vor.u32 s19, v22;
	(xrf1) =	vsort.ascd.msk.f32 $0xffff, v37, v56  }
0x166: {  	(xrf1) =	vsort.ascd.msk.f32 $0xffff, v50, v57  }
0x167: {  	v58 =	vmin.f32 v34, v1;
	v60 =	vor.u32 s19, v6;
	v50, v4, _ =	vpop (xrf1)  }
0x168: {  	v1 =	vmax.f32 v34, v1;
	[tilespmem:v63+s10+$0x0] =	vst.idx.msk $0xffff, v46;
	(xrf1) =	vsort.ascd.msk.f32 $0xffff, v58, v59;
	v36, v5, _ =	vpop (xrf1)  }
0x169: {  	v61 =	vor.u32 s19, v7;
	[tilespmem:v63+s11+$0x0] =	vst.idx.msk $0xffff, v40;
	(xrf1) =	vsort.ascd.msk.f32 $0xffff, v1, v2;
	v35, v2, _ =	vpop (xrf1)  }
0x16a: {  	v48, v49, _ =	vpop (xrf1);
	[tilespmem:v3+s10+$0x0] =	vst.idx.msk $0xffff, v42  }
0x16b: {  	v53 =	vld [tilespmem:$0x1FDA0];
	v42, v51, _ =	vpop (xrf1);
	[tilespmem:v3+s11+$0x0] =	vst.idx.msk $0xffff, v38;
	v3 =	vor.u32 s19, v8  }
0x16c: {  	v1 =	vld [tilespmem:$0x1FFA0];
	v38, v52, _ =	vpop (xrf1);
	[tilespmem:v60+s10+$0x0] =	vst.idx.msk $0xffff, v43  }
0x16d: {  	v43, v54, _ =	vpop (xrf1);
	[tilespmem:v60+s11+$0x0] =	vst.idx.msk $0xffff, v39  }
0x16e: {  	[tilespmem:v61+s10+$0x0] =	vst.idx.msk $0xffff, v44;
	v39, v23, _ =	vpop (xrf1)  }
0x16f: {  	[tilespmem:v61+s11+$0x0] =	vst.idx.msk $0xffff, v41;
	v40, v46, _ =	vpop (xrf1)  }
0x170: {  	[tilespmem:v3+s10+$0x0] =	vst.idx.msk $0xffff, v45;
	v47, v55, _ =	vpop (xrf1);
	vm5 =	vge.f32 v50, v40;
	v58 =	vmax.f32 v50, v40  }
0x171: {  	v45 =	vor.u32 s19, v1;
	[tilespmem:v3+s11+$0x0] =	vst.idx.msk $0xffff, v53;
	v56, v57, _ =	vpop (xrf1);
	v59 =	vsel vm5, v4, v46;
	vm6 =	vge.f32 v36, v47  }
0x172: {  	v62 =	vmax.f32 v36, v47;
	v60, v61, _ =	vpop (xrf1);
	v63 =	vsel vm6, v5, v55;
	vm7 =	vge.f32 v35, v56  }
0x173: {  	[tilespmem:$0x1FDD0] =	vst v4;
	v6 =	vmax.f32 v35, v56;
	v4, v44, _ =	vpop (xrf1);
	v7 =	vsel vm7, v2, v57;
	vm8 =	vge.f32 v48, v60  }
0x174: {  	v10 =	vmax.f32 v48, v60;
	v8, v34, _ =	vpop (xrf1);
	v11 =	vsel vm8, v49, v61;
	vm9 =	vge.f32 v42, v4  }
0x175: {  	[tilespmem:$0x1FDB0] =	vst v15;
	v15 =	vmax.f32 v42, v4;
	v16 =	vsel vm9, v51, v44;
	vm12 =	vge.f32 v38, v8  }
0x176: {  	v12, v37, _ =	vpop (xrf1);
	v19 =	vmax.f32 v38, v8;
	vm13 =	vge.f32 v58, v15;
	v24 =	vmax.f32 v58, v15  }
0x177: {  	v20 =	vsel vm12, v52, v34;
	vm11 =	vge.f32 v43, v12;
	v21 =	vmax.f32 v43, v12  }
0x178: {  	v17, v41, _ =	vpop (xrf1);
	v25 =	vsel vm13, v59, v16;
	vm14 =	vge.f32 v62, v19;
	v26 =	vmax.f32 v62, v19  }
0x179: {  	[tilespmem:$0x1FDC0] =	vst v14;
	v14 =	vsel vm11, v54, v37;
	vm10 =	vge.f32 v39, v17;
	v22 =	vmax.f32 v39, v17  }
0x17a: {  	v27 =	vsel vm14, v63, v20;
	vm15 =	vge.f32 v6, v21;
	v28 =	vmax.f32 v6, v21  }
0x17b: {  	[tilespmem:$0x1FE00] =	vst v23;
	v6 =	vmin.f32 v6, v21;
	v23 =	vsel vm10, v23, v41;
	v29 =	vsel vm15, v7, v14  }
0x17c: {  	vm0 =	vge.f32 v10, v22;
	v30 =	vmax.f32 v10, v22;
	vm1 =	vge.f32 v24, v28  }
0x17d: {  	[tilespmem:$0x1FDE0] =	vst v5;
	v32 =	vmax.f32 v24, v28;
	v7 =	vsel vm15, v14, v7;
	v10 =	vmin.f32 v10, v22  }
0x17e: {  	[tilespmem:$0x1FDF0] =	vst v2;
	v14 =	vld [tilespmem:$0x1FDB0];
	v31 =	vsel vm0, v11, v23;
	vm2 =	vge.f32 v26, v30;
	v5 =	vmax.f32 v26, v30  }
0x17f: {  	v1 =	vmovc v18;
	v18 =	vsel vm1, v25, v29;
	v11 =	vsel vm0, v23, v11;
	v21 =	vmin.f32 v26, v30  }
0x180: {  	v2 =	vmovc v13;
	vm3 =	vge.f32 v32, v5;
	v13 =	vsel vm2, v27, v31;
	v3 =	vmax.f32 v32, v5  }
0x181: {  	v22 =	vsel vm2, v31, v27;
	v5 =	vmin.f32 v32, v5;
	v53 =	vsel vm3, v18, v13;
	v32 =	vmovc v1;
	v1 =	vld [tilespmem:$0x1FDC0]  }
0x182: {  	v13 =	vsel vm3, v13, v18;
	(xrf1) =	vsort.dscd.msk.f32 $0xffff, v3, v53;
	v3 =	vsel vm13, v16, v59  }
0x183: {  	v16 =	vsel vm14, v20, v63;
	v20 =	vsel vm1, v29, v25;
	[tilespmem:v45+s10+$0x0] =	vst.idx.msk $0xffff, v14  }
0x184: {  	v14 =	vmin.f32 v58, v15;
	v15 =	vmin.f32 v62, v19;
	v19 =	vmin.f32 v24, v28  }
0x185: {  	(xrf1) =	vsort.dscd.msk.f32 $0xffff, v5, v13;
	vm14 =	vge.f32 v14, v6;
	vm0 =	vge.f32 v19, v21  }
0x186: {  	v5 =	vmax.f32 v19, v21;
	vm15 =	vge.f32 v15, v10;
	[tilespmem:v45+s11+$0x0] =	vst.idx.msk $0xffff, v1;
	v1 =	vld [tilespmem:$0x1FDD0]  }
0x187: {  	v18 =	vmin.f32 v19, v21;
	v19 =	vmax.f32 v15, v10;
	v13 =	vsel vm0, v20, v22  }
0x188: {  	v20 =	vsel vm0, v22, v20;
	(xrf1) =	vsort.dscd.msk.f32 $0xffff, v5, v13;
	v5 =	vmax.f32 v14, v6  }
0x189: {  	v21 =	vsel vm15, v16, v11;
	v13 =	vsel vm14, v3, v7;
	vm13 =	vge.f32 v5, v19  }
0x18a: {  	(xrf1) =	vsort.dscd.msk.f32 $0xffff, v18, v20;
	v18 =	vmax.f32 v5, v19;
	v20 =	vsel vm13, v13, v21  }
0x18b: {  	(xrf1) =	vsort.dscd.msk.f32 $0xffff, v18, v20;
	v18 =	vsel vm5, v46, v1;
	v1 =	vld [tilespmem:$0x1FDE0];
	_ =	sdelay $0x2  }
0x18c: {  	v4 =	vmin.f32 v42, v4;
	v8 =	vmin.f32 v38, v8;
	v12 =	vmin.f32 v43, v12  }
0x18d: {  	v17 =	vmin.f32 v39, v17;
	v23 =	vsel vm8, v61, v49;
	v26 =	vmin.f32 v36, v47;
	v29 =	vld [tilespmem:$0x1FE00]  }
0x18e: {  	v27 =	vmin.f32 v48, v60;
	v25 =	vmin.f32 v50, v40;
	v20 =	vsel vm6, v55, v1;
	v1 =	vld [tilespmem:$0x1FDF0]  }
0x18f: {  	v31 =	vmovc v2;
	v2 =	vmin.f32 v35, v56;
	v24 =	vsel vm9, v44, v51;
	v28 =	vsel vm11, v37, v54  }
0x190: {  	vm9 =	vge.f32 v25, v4;
	vm11 =	vge.f32 v2, v12;
	v6 =	vmin.f32 v14, v6  }
0x191: {  	v3 =	vsel vm14, v7, v3;
	v7 =	vmin.f32 v15, v10;
	v10 =	vsel vm15, v11, v16  }
0x192: {  	v29 =	vsel vm10, v41, v29;
	vm10 =	vge.f32 v26, v8;
	v30 =	vsel vm9, v18, v24  }
0x193: {  	v18 =	vsel vm9, v24, v18;
	v22 =	vsel vm7, v57, v1;
	v1 =	vsel vm12, v34, v52  }
0x194: {  	vm12 =	vge.f32 v27, v17;
	v24 =	vsel vm10, v20, v1;
	v1 =	vsel vm10, v1, v20  }
0x195: {  	v20 =	vsel vm11, v22, v28;
	v22 =	vsel vm11, v28, v22;
	v28 =	vsel vm12, v23, v29  }
0x196: {  	v23 =	vsel vm12, v29, v23;
	v29 =	vmax.f32 v25, v4;
	v4 =	vmin.f32 v25, v4  }
0x197: {  	v25 =	vmax.f32 v26, v8;
	v8 =	vmin.f32 v26, v8;
	v26 =	vmax.f32 v2, v12  }
0x198: {  	v2 =	vmin.f32 v2, v12;
	v12 =	vmax.f32 v27, v17;
	vm15 =	vge.f32 v29, v26  }
0x199: {  	v11 =	vmax.f32 v29, v26;
	v14 =	vmin.f32 v29, v26;
	v29 =	vld [tilespmem:$0x1FEE0];
	vm8 =	vge.f32 v25, v12  }
0x19a: {  	v15 =	vsel vm15, v30, v20;
	v16 =	vsel vm15, v20, v30;
	v20 =	vmax.f32 v25, v12  }
0x19b: {  	v12 =	vmin.f32 v25, v12;
	v25 =	vsel vm8, v24, v28;
	v24 =	vsel vm8, v28, v24;
	v28 =	vld [tilespmem:$0x1FEF0]  }
0x19c: {  	v5 =	vmin.f32 v5, v19;
	v19 =	vmax.f32 v6, v7  }
0x19d: {  	s31 =	sadd.s32 $0x1, s19;
	v63 =	vld [tilespmem:$0x1FF00];
	v13 =	vsel vm13, v21, v13;
	vm9 =	vge.f32 v6, v7;
	v6 =	vmin.f32 v6, v7  }
0x19e: {  	(xrf1) =	vsort.dscd.msk.f32 $0xffff, v5, v13;
	v5 =	vsel vm9, v3, v10;
	v3 =	vsel vm9, v10, v3;
	v7 =	vor.u32 s31, v29  }
0x19f: {  	(xrf1) =	vsort.dscd.msk.f32 $0xffff, v19, v5;
	v17 =	vmin.f32 v27, v17;
	v30 =	vld [tilespmem:$0x1FF10];
	vm10 =	vge.f32 v11, v20  }
0x1a0: {  	(xrf1) =	vsort.dscd.msk.f32 $0xffff, v6, v3;
	v10 =	vmax.f32 v11, v20;
	v11 =	vmin.f32 v11, v20;
	v13 =	vor.u32 s31, v28  }
0x1a1: {  	vm11 =	vge.f32 v14, v12;
	v3 =	vmax.f32 v14, v12;
	v5 =	vsel vm10, v15, v25  }
0x1a2: {  	v6 =	vmin.f32 v14, v12;
	v12, v14, _ =	vpop (xrf1);
	(xrf1) =	vsort.dscd.msk.f32 $0xffff, v10, v5;
	v5 =	vor.u32 s31, v63;
	v10 =	vsel vm11, v16, v24  }
0x1a3: {  	vm12 =	vge.f32 v4, v2;
	v15 =	vsel vm10, v25, v15;
	[tilespmem:v7+s10+$0x0] =	vst.idx.msk $0xffff, v12  }
0x1a4: {  	vm13 =	vge.f32 v8, v17;
	(xrf1) =	vsort.dscd.msk.f32 $0xffff, v11, v15;
	v11, v12, _ =	vpop (xrf1);
	[tilespmem:v7+s11+$0x0] =	vst.idx.msk $0xffff, v14;
	v7 =	vor.u32 s31, v30  }
0x1a5: {  	v25 =	vld [tilespmem:$0x1FE20];
	v16 =	vsel vm11, v24, v16;
	(xrf1) =	vsort.dscd.msk.f32 $0xffff, v3, v10;
	[tilespmem:v13+s10+$0x0] =	vst.idx.msk $0xffff, v11  }
0x1a6: {  	v14 =	vmax.f32 v4, v2;
	v3, v10, _ =	vpop (xrf1);
	(xrf1) =	vsort.dscd.msk.f32 $0xffff, v6, v16;
	[tilespmem:v13+s11+$0x0] =	vst.idx.msk $0xffff, v12  }
0x1a7: {  	v27 =	vld [tilespmem:$0x1FE30];
	v11 =	vsel vm12, v18, v22;
	v13 =	vmax.f32 v8, v17;
	[tilespmem:v5+s10+$0x0] =	vst.idx.msk $0xffff, v3  }
0x1a8: {  	v6, v15, _ =	vpop (xrf1);
	v12 =	vor.u32 s31, v31;
	v3 =	vsel vm13, v1, v23;
	vm14 =	vge.f32 v14, v13;
	[tilespmem:v5+s11+$0x0] =	vst.idx.msk $0xffff, v10  }
0x1a9: {  	[tilespmem:v7+s10+$0x0] =	vst.idx.msk $0xffff, v6;
	v6 =	vsel vm14, v11, v3  }
0x1aa: {  	v5 =	vor.u32 s31, v25  }
0x1ab: {  	v10 =	vmax.f32 v14, v13  }
0x1ac: {  	(xrf1) =	vsort.dscd.msk.f32 $0xffff, v10, v6;
	[tilespmem:v7+s11+$0x0] =	vst.idx.msk $0xffff, v15;
	v10 =	vor.u32 s31, v27;
	v6, v7, _ =	vpop (xrf1)  }
0x1ad: {  	v3 =	vsel vm14, v3, v11;
	[tilespmem:v12+s10+$0x0] =	vst.idx.msk $0xffff, v6  }
0x1ae: {  	v2 =	vmin.f32 v4, v2;
	v4 =	vmin.f32 v8, v17;
	v17 =	vld [tilespmem:$0x1FF20];
	[tilespmem:v12+s11+$0x0] =	vst.idx.msk $0xffff, v7;
	v6, v7, _ =	vpop (xrf1)  }
0x1af: {  	v12 =	vmin.f32 v14, v13;
	[tilespmem:v5+s10+$0x0] =	vst.idx.msk $0xffff, v6  }
0x1b0: {  	v11 =	vld [tilespmem:$0x1FF30];
	(xrf1) =	vsort.dscd.msk.f32 $0xffff, v12, v3;
	v3, v6, _ =	vpop (xrf1);
	[tilespmem:v5+s11+$0x0] =	vst.idx.msk $0xffff, v7  }
0x1b1: {  	[tilespmem:v10+s10+$0x0] =	vst.idx.msk $0xffff, v3  }
0x1b2: {  	vm15 =	vge.f32 v2, v4;
	[tilespmem:v10+s11+$0x0] =	vst.idx.msk $0xffff, v6;
	v10 =	vld [tilespmem:$0x1FF40]  }
0x1b3: {  	v1 =	vsel vm13, v23, v1;
	v15 =	vsel vm12, v22, v18;
	v8 =	vor.u32 s31, v17  }
0x1b4: {  	v3 =	vsel vm15, v15, v1  }
0x1b5: {  	v5 =	vor.u32 s31, v11;
	v7 =	vmax.f32 v2, v4;
	v2 =	vmin.f32 v2, v4  }
0x1b6: {  	v1 =	vsel vm15, v1, v15  }
0x1b7: {  	v12 =	vld [tilespmem:$0x1FF50];
	(xrf1) =	vsort.dscd.msk.f32 $0xffff, v7, v3;
	v3, v6, _ =	vpop (xrf1);
	v7 =	vor.u32 s31, v10  }
0x1b8: {  	[tilespmem:v8+s10+$0x0] =	vst.idx.msk $0xffff, v3  }
0x1b9: {  	v22 =	vld [tilespmem:$0x1FF60];
	(xrf1) =	vsort.dscd.msk.f32 $0xffff, v2, v1;
	v1, v2, _ =	vpop (xrf1);
	[tilespmem:v8+s11+$0x0] =	vst.idx.msk $0xffff, v6  }
0x1ba: {  	[tilespmem:v5+s10+$0x0] =	vst.idx.msk $0xffff, v1  }
0x1bb: {  	v6 =	vld [tilespmem:$0x1FF70];
	[tilespmem:v5+s11+$0x0] =	vst.idx.msk $0xffff, v2;
	v1, v2, _ =	vpop (xrf1)  }
0x1bc: {  	v3 =	vor.u32 s31, v12;
	[tilespmem:v7+s10+$0x0] =	vst.idx.msk $0xffff, v1  }
0x1bd: {  	[tilespmem:v7+s11+$0x0] =	vst.idx.msk $0xffff, v2;
	v7 =	vld [tilespmem:$0x1FF80]  }
0x1be: {  	v4 =	vor.u32 s31, v22  }
0x1bf: {  	v8 =	vld [tilespmem:$0x1FF90]  }
0x1c0: {  	v5 =	vor.u32 s31, v6;
	v1, v2, _ =	vpop (xrf1)  }
0x1c1: {  	v62 =	vld [tilespmem:$0x1FFA0];
	[tilespmem:v3+s10+$0x0] =	vst.idx.msk $0xffff, v1  }
0x1c2: {  	[tilespmem:v3+s11+$0x0] =	vst.idx.msk $0xffff, v2;
	v1, v2, _ =	vpop (xrf1);
	v3 =	vor.u32 s31, v7  }
0x1c3: {  	v21 =	vld [tilespmem:$0x1FEB0];
	[tilespmem:v4+s10+$0x0] =	vst.idx.msk $0xffff, v1  }
0x1c4: {  	v19 =	vld [tilespmem:$0x1FE90];
	[tilespmem:v4+s11+$0x0] =	vst.idx.msk $0xffff, v2;
	v1, v2, _ =	vpop (xrf1);
	v4 =	vor.u32 s31, v8  }
0x1c5: {  	v20 =	vld [tilespmem:$0x1FEA0];
	[tilespmem:v5+s10+$0x0] =	vst.idx.msk $0xffff, v1  }
0x1c6: {  	v24 =	vld [tilespmem:$0x1FED0];
	[tilespmem:v5+s11+$0x0] =	vst.idx.msk $0xffff, v2;
	v1, v2, _ =	vpop (xrf1);
	v5 =	vor.u32 s31, v62  }
0x1c7: {  	p0 =	slt.u32 s19, $0xE;
	v16 =	vld [tilespmem:$0x1FE70];
	[tilespmem:v3+s10+$0x0] =	vst.idx.msk $0xffff, v1  }
.Ltmp0:
0x1c8: {  	v23 =	vld [tilespmem:$0x1FEC0];
	[tilespmem:v3+s11+$0x0] =	vst.idx.msk $0xffff, v2;
	v1, v2, _ =	vpop (xrf1);
	(pc) =	sbr.rel @p0 .LBB2_2-.Ltmp0, $4  }
0x1c9: {  	v18 =	vld [tilespmem:$0x1FE80];
	[tilespmem:v4+s10+$0x0] =	vst.idx.msk $0xffff, v1  }
0x1ca: {  	v14 =	vld [tilespmem:$0x1FE50];
	[tilespmem:v4+s11+$0x0] =	vst.idx.msk $0xffff, v2;
	v1, v2, _ =	vpop (xrf1)  }
0x1cb: {  	v13 =	vld [tilespmem:$0x1FE40];
	[tilespmem:v5+s10+$0x0] =	vst.idx.msk $0xffff, v1  }
0x1cc: {  	s17 =	sadd.s32 $0x100, s17;
	s18 =	sadd.s32 $0x200, s18;
	s19 =	sadd.s32 $0x2, s19;
	v26 =	vmov v29;
	v29 =	vmov v63;
	v15 =	vld [tilespmem:$0x1FE60];
	[tilespmem:v5+s11+$0x0] =	vst.idx.msk $0xffff, v2  }
0x1cd: {  	v1 =	vld [tilespmem:$0x1000];
	_ =	sdelay $0x1  }
0x1ce: {  	v2 =	vimm.s32 $0x1  }
0x1cf: {  	vm0 =	vlt.s32 v2, $0xFF  }
0x1d0: {  	v3 =	vimm.f32 $1.000000000e+00;
	v4 =	vnsel vm0, $0xFF, v2  }
0x1d1: {  	v35 =	vimm.f32 $0.0e+00;
	v6 =	vshll.u32 v4, $0x4;
	v1 =	vadd.f32 $-2.560000000e+02, v1  }
0x1d2: {  	v5 =	vimm.s32 $0x0;
	v36 =	vor.u32 $0xFFFFFFD0, v0;
	v6 =	vor.u32 v0, v6  }
0x1d3: {  	v45 =	vimm.f32 $0.0e+00;
	v7 =	vmul.f32 v35, v3;
	v8 =	vmul.f32 v35, v1  }
0x1d4: {  	v10 =	vshll.u32 v5, $0x4;
	vm1 =	vgt.s32 v5, $0x2;
	vm2 =	vgt.s32 v5, $0x0  }
0x1d5: {  	vm7 =	vlt.s32 v2, $0x100;
	v4 =	vcvt.s32.f32 v4;
	vm14 =	vge.f32 v8, v7  }
0x1d6: {  	v63 =	vadd.s32 v36, v10;
	v44 =	vsel vm7, v35, v35;
	vm1 =	vmand vm14, vm1  }
0x1d7: {  	v4 =	vsub.f32 $2.560000000e+02, v4;
	v6 =	vld.idx.msk [tilespmem:v6+s10+$0x0], $0xffff;
	vm5 =	vmand vm14, vm2;
	v7 =	vsel vm1, v63, v0  }
0x1d8: {  	v8 =	vsel vm5, $0xFFFFFFFF, v9;
	vm0 =	vmneg vm5;
	v10 =	vnsel vm5, $0x0, v35  }
0x1d9: {  	v5 =	vadd.s32 v8, v5;
	vm6 =	vmand vm7, vm0;
	v46 =	vadd.f32 v10, v1  }
0x1da: {  	v47 =	vadd.f32 v10, v3;
	v8 =	vshll.u32 v5, $0x4;
	v11 =	vsel vm6, $0x1, v9  }
0x1db: {  	v43 =	vor.u32 v0, v8;
	v39 =	vadd.s32 v11, v2;
	v41 =	vadd.s32 v11, v5  }
0x1dc: {  	v1 =	vsub.f32 v6, v4;
	v2 =	vsel vm7, v46, v35;
	vm15 =	vlt.s32 v39, $0xFF;
	v50 =	vld.idx.msk [tilespmem:v7+s13+$0x0], vm1  }
0x1dd: {  	v37 =	vsel vm5, v35, v2;
	v2 =	vsel vm7, v47, v35;
	v48 =	vnsel vm15, $0xFF, v39;
	v51 =	vld.idx.msk [tilespmem:v7+s12+$0x0], vm1  }
0x1de: {  	v40 =	vsel vm6, $0x3F800000, v47;
	v38 =	vsel vm5, v35, v2;
	v3 =	vshll.u32 v48, $0x4  }
0x1df: {  	s17 =	simm.s32 $0x1FC;
	v52 =	vmul.f32 v37, v40;
	v42 =	vsel vm6, v1, v46;
	v49 =	vor.u32 v0, v3  }
.LBB2_4:
0x1e0: {  	p0 =	sne.s32 s17, $0x1;
	s17 =	sadd.s32 $0xFFFFFFFF, s17;
	v1 =	vcvt.s32.f32 v48;
	v2 =	vmul.f32 v38, v42;
	v3 =	vshll.u32 v41, $0x4;
	[tilespmem:v43+s12+$0x0] =	vst.idx.msk vm6, v46  }
0x1e1: {  	v4 =	vsel vm7, v35, v45;
	v5 =	vsel vm5, v50, v44;
	[tilespmem:v43+s13+$0x0] =	vst.idx.msk vm6, v47  }
0x1e2: {  	vm1 =	vgt.s32 v41, $0x2;
	v35 =	vmovc v37;
	v45 =	vsel vm5, v51, v4;
	vm0 =	vge.f32 v2, v52  }
0x1e3: {  	vm2 =	vgt.s32 v41, $0x0;
	v2 =	vadd.s32 v36, v3;
	vm1 =	vmand vm0, vm1  }
0x1e4: {  	v1 =	vsub.f32 $2.560000000e+02, v1;
	vm5 =	vmand vm0, vm2;
	v3 =	vld.idx.msk [tilespmem:v49+s10+$0x0], $0xffff;
	v2 =	vsel vm1, v2, v0  }
0x1e5: {  	v4 =	vnsel vm5, $0x0, v37;
	v6 =	vsel vm5, $0xFFFFFFFF, v9;
	vm0 =	vmneg vm5  }
0x1e6: {  	vm7 =	vlt.s32 v39, $0x100;
	v7 =	vnsel vm5, $0x0, v38;
	v6 =	vadd.s32 v6, v41  }
0x1e7: {  	v44 =	vsel vm7, v38, v5;
	vm6 =	vmand vm7, vm0;
	v8 =	vshll.u32 v6, $0x4  }
0x1e8: {  	v46 =	vadd.f32 v4, v42;
	v4 =	vsel vm6, $0x1, v9;
	v43 =	vor.u32 v0, v8  }
.Ltmp1:
0x1e9: {  	v47 =	vadd.f32 v7, v40;
	v41 =	vadd.s32 v4, v6;
	v39 =	vadd.s32 v4, v39;
	v50 =	vld.idx.msk [tilespmem:v2+s13+$0x0], vm1;
	(pc) =	sbr.rel @p0 .LBB2_4-.Ltmp1, $4  }
0x1ea: {  	vm0 =	vlt.s32 v39, $0xFF;
	v1 =	vsub.f32 v3, v1;
	v51 =	vld.idx.msk [tilespmem:v2+s12+$0x0], vm1;
	v2 =	vsel vm7, v46, v37  }
0x1eb: {  	v48 =	vnsel vm0, $0xFF, v39;
	v37 =	vsel vm5, v45, v2;
	v2 =	vsel vm7, v47, v38  }
0x1ec: {  	v40 =	vsel vm6, $0x3F800000, v47;
	v3 =	vshll.u32 v48, $0x4;
	v38 =	vsel vm5, v5, v2  }
0x1ed: {  	v49 =	vor.u32 v0, v3;
	v42 =	vsel vm6, v1, v46;
	v52 =	vmul.f32 v37, v40  }
0x1ee: {  	_ = 	snop  }
0x1ef: {  	v1 =	vmul.f32 v38, v42;
	_ =	sdelay $0x1  }
0x1f0: {  	vm1 =	vgt.s32 v41, $0x0;
	vm0 =	vge.f32 v1, v52  }
0x1f1: {  	vm0 =	vmand vm0, vm1  }
0x1f2: {  	[tilespmem:v43+s12+$0x0] =	vst.idx.msk vm6, v46;
	vm2 =	vlt.s32 v39, $0x100;
	v1 =	vsel vm0, $0xFFFFFFFF, v9;
	vm1 =	vmneg vm0  }
0x1f3: {  	[tilespmem:v43+s13+$0x0] =	vst.idx.msk vm6, v47;
	v1 =	vadd.s32 v1, v41;
	vm1 =	vmand vm2, vm1  }
0x1f4: {  	v2 =	vld.idx.msk [tilespmem:v49+s10+$0x0], $0xffff;
	v3 =	vshll.u32 v1, $0x4;
	v4 =	vsel vm1, $0x1, v9  }
0x1f5: {  	v5 =	vcvt.s32.f32 v48;
	v3 =	vor.u32 v0, v3;
	v1 =	vadd.s32 v4, v1  }
0x1f6: {  	v1 =	vshll.u32 v1, $0x4  }
0x1f7: {  	v48 =	vsub.f32 $2.560000000e+02, v5;
	v49 =	vnsel vm0, $0x0, v37;
	v1 =	vor.u32 v0, v1  }
0x1f8: {  	v6 =	vnsel vm0, $0x0, v38;
	v5 =	vadd.f32 v49, v42  }
0x1f9: {  	v6 =	vadd.f32 v6, v40;
	v2 =	vsub.f32 v2, v48  }
0x1fa: {  	[tilespmem:v3+s12+$0x0] =	vst.idx.msk vm1, v5  }
0x1fb: {  	v2 =	vsel vm1, v2, v5;
	[tilespmem:v3+s13+$0x0] =	vst.idx.msk vm1, v6  }
0x1fc: {  	v3 =	vsel vm1, $0x3F800000, v6;
	[tilespmem:v1+s12+$0x0] =	vst.idx.msk $0xffff, v2  }
0x1fd: {  	[tilespmem:v1+s13+$0x0] =	vst.idx.msk $0xffff, v3  }
0x1fe: {  	v1 =	vld [tilespmem:$0x4000]  }
0x1ff: {  	v2 =	vld [tilespmem:$0x4010];
	_ =	sdelay $0x3  }
0x200: {  	vm5 =	vle.f32 v1, $0.0e+00  }
0x201: {  	v3 =	vimm.s32 $0x0;
	v50 =	vsel vm5, v2, v1;
	v51 =	vsel vm5, $0x1, v9  }
0x202: {  	v3 =	vadd.s32 v51, v3;
	v4 =	vadd.f32 $-1.000000000e+00, v50  }
0x203: {  	v5 =	vadd.s32 $0x1, v3  }
0x204: {  	vm11 =	vlt.s32 v5, $0xFF;
	vm12 =	vle.f32 v4, $0.0e+00  }
0x205: {  	v5 =	vnsel vm11, $0xFF, v5;
	v52 =	vsel vm12, $0x1, v9  }
0x206: {  	v5 =	vshll.u32 v5, $0x4;
	v3 =	vadd.s32 v52, v3  }
0x207: {  	v5 =	vor.u32 v0, v5;
	v6 =	vadd.s32 $0x1, v3  }
0x208: {  	vm13 =	vlt.s32 v6, $0xFF  }
0x209: {  	v6 =	vnsel vm13, $0xFF, v6  }
0x20a: {  	v6 =	vshll.u32 v6, $0x4  }
0x20b: {  	v6 =	vor.u32 v0, v6  }
0x20c: {  	v7 =	vld.idx.msk [tilespmem:v5+s13+$0x0], vm5  }
0x20d: {  	(erf) = vrcp.f32 v1  }
0x20e: {  	(erf) = vrcp.f32 v2;
	_ =	sdelay $0x1  }
0x20f: {  	vm8 =	vmmov vm5;
	v1 =	vld.idx.msk [tilespmem:v6+s13+$0x0], vm12  }
0x210: {  	vm6 =	vmmov vm12;
	v2 =	vsel vm8, v7, v2  }
0x211: {  	v53 =	vld [tilespmem:$0x3000];
	(erf) = vrcp.f32 v7;
	v4 =	vsel vm6, v2, v4  }
0x212: {  	v8 =	vld [tilespmem:$0x3010];
	v4 =	vadd.f32 $-1.000000000e+00, v4;
	_ =	sdelay $0x1  }
0x213: {  	s17 =	simm.s32 $0x2010;
	vm7 =	vle.f32 v4, $0.0e+00;
	v36 =	vsel vm6, v1, v2;
	(erf) = vrcp.f32 v1  }
0x214: {  	v56 =	vld [tilespmem:s17+$0xFFFFFFF0];
	v1 =	vpop (erf);
	v4 =	vsel vm7, v36, v4;
	v54 =	vsel vm7, $0x1, v9  }
0x215: {  	v2 =	vld.idx.msk [tilespmem:v5+s12+$0x0], vm5;
	v10 =	vpop (erf);
	v1 =	vmul.f32 v1, v53;
	v3 =	vadd.s32 v54, v3;
	v37 =	vadd.f32 $-1.000000000e+00, v4  }
0x216: {  	s18 =	simm.s32 $0x1010;
	v35 =	vimm.f32 $0.0e+00;
	v55 =	vmul.f32 v10, v8;
	v8 =	vld [tilespmem:s17+$0x0];
	v57 =	vadd.s32 $0x1, v3  }
0x217: {  	v12 =	vld [tilespmem:s18+$0xFFFFFFF0];
	v1 =	vadd.f32 $1.285000000e+02, v1;
	vm14 =	vlt.s32 v57, $0xFF;
	vm5 =	vle.f32 v37, $0.0e+00  }
0x218: {  	v6 =	vld.idx.msk [tilespmem:v6+s12+$0x0], vm12;
	v4 =	vadd.f32 $1.285000000e+02, v55;
	v7 =	vnsel vm14, $0xFF, v57;
	v10 =	vsel vm5, $0x1, v9  }
0x219: {  	v5 =	vshll.u32 v56, $0x3;
	v11 =	vpop (erf);
	v7 =	vshll.u32 v7, $0x4;
	v40 =	vadd.s32 v10, v3  }
0x21a: {  	v2 =	vmul.f32 v11, v2;
	v1 =	vsel vm8, v4, v1;
	v58 =	vadd.s32 $0x1, v40  }
0x21b: {  	v10 =	vld [tilespmem:s18+$0x0];
	v3 =	vor.u32 v0, v7;
	v8 =	vshll.u32 v8, $0x3;
	vm15 =	vlt.s32 v58, $0xFF  }
0x21c: {  	v44 =	vsub.f32 v12, v1;
	v2 =	vadd.f32 $1.285000000e+02, v2;
	v7 =	vnsel vm15, $0xFF, v58;
	v11 =	vpop (erf)  }
0x21d: {  	v8 =	vadd.s32 v33, v8;
	v59 =	vmul.f32 v11, v6;
	v60 =	vshll.u32 v7, $0x4  }
0x21e: {  	v45 =	vadd.s32 v33, v5;
	v2 =	vsel vm8, v2, v4;
	v42 =	vor.u32 v0, v60  }
0x21f: {  	v63 =	vmul.f32 v44, v44;
	v39 =	vsel vm6, v2, v1;
	v1 =	vadd.f32 $1.285000000e+02, v59  }
0x220: {  	v62 =	vadd.f32 v44, v35;
	v61 =	vsub.f32 v10, v39;
	v48 =	vld.idx.msk [tilespmem:v3+s13+$0x0], vm7  }
0x221: {  	s19 =	simm.s32 $0x5000;
	v47 =	vadd.f32 v63, v35;
	v43 =	vld.idx.msk [tilespmem:v3+s12+$0x0], vm7;
	vm7 =	vmmov vm7;
	v41 =	vsel vm6, v1, v2  }
0x222: {  	s20 =	simm.s32 $0x2;
	v46 =	vmul.f32 v61, v61;
	[tilespmem:v8+s19+$0x0] =	vst.idx.msk $0xffff, v61;
	vm6 =	vmmov vm5;
	v38 =	vadd.f32 v61, v62  }
.LBB2_6:
0x223: {  	s20 =	sadd.s32 $0x2, s20;
	v1 =	vld.idx.msk [tilespmem:v42+s13+$0x0], vm5;
	s17 =	sadd.s32 $0x20, s17;
	s18 =	sadd.s32 $0x20, s18  }
0x224: {  	p0 =	slt.u32 s20, $0xFE;
	[tilespmem:v45+s19+$0x0] =	vst.idx.msk $0xffff, v44;
	v2 =	vadd.f32 v46, v47  }
0x225: {  	v3 =	vsel vm7, v48, v36;
	(erf) = vrcp.f32 v48  }
0x226: {  	v4 =	vsel vm6, v3, v37  }
0x227: {  	v4 =	vadd.f32 $-1.000000000e+00, v4;
	_ =	sdelay $0x1  }
0x228: {  	vm8 =	vle.f32 v4, $0.0e+00;
	v36 =	vsel vm6, v1, v3;
	(erf) = vrcp.f32 v1  }
0x229: {  	v1 =	vsel vm8, v36, v4;
	v3 =	vsel vm8, $0x1, v9  }
0x22a: {  	v3 =	vadd.s32 v3, v40;
	v37 =	vadd.f32 $-1.000000000e+00, v1;
	v1 =	vld [tilespmem:s17+$0xFFFFFFF0]  }
0x22b: {  	v4 =	vadd.s32 $0x1, v3;
	v5 =	vld [tilespmem:s17+$0x0]  }
0x22c: {  	vm0 =	vlt.s32 v4, $0xFF;
	vm5 =	vle.f32 v37, $0.0e+00;
	v6 =	vld.idx.msk [tilespmem:v42+s12+$0x0], vm6  }
0x22d: {  	v4 =	vnsel vm0, $0xFF, v4;
	v7 =	vsel vm5, $0x1, v9;
	v8 =	vld [tilespmem:s18+$0xFFFFFFF0];
	v10 =	vpop (erf)  }
0x22e: {  	v4 =	vshll.u32 v4, $0x4;
	v40 =	vadd.s32 v7, v3;
	v3 =	vmul.f32 v10, v43  }
0x22f: {  	v4 =	vor.u32 v0, v4;
	v7 =	vadd.s32 $0x1, v40;
	v1 =	vshll.u32 v1, $0x3;
	v10 =	vld [tilespmem:s18+$0x0]  }
0x230: {  	vm0 =	vlt.s32 v7, $0xFF;
	v3 =	vadd.f32 $1.285000000e+02, v3;
	v5 =	vshll.u32 v5, $0x3  }
0x231: {  	v11 =	vsel vm7, v41, v39;
	v7 =	vnsel vm0, $0xFF, v7;
	v5 =	vadd.s32 v33, v5;
	v12 =	vpop (erf)  }
0x232: {  	v7 =	vshll.u32 v7, $0x4;
	v3 =	vsel vm7, v3, v41;
	v6 =	vmul.f32 v12, v6  }
.Ltmp2:
0x233: {  	v42 =	vor.u32 v0, v7;
	v44 =	vsub.f32 v8, v11;
	v39 =	vsel vm6, v3, v11;
	(pc) =	sbr.rel @p0 .LBB2_6-.Ltmp2, $4  }
0x234: {  	v45 =	vadd.s32 v33, v1;
	v48 =	vld.idx.msk [tilespmem:v4+s13+$0x0], vm8;
	v1 =	vadd.f32 $1.285000000e+02, v6;
	v6 =	vsub.f32 v10, v39  }
0x235: {  	vm7 =	vmmov vm8;
	v7 =	vmul.f32 v44, v44;
	v43 =	vld.idx.msk [tilespmem:v4+s12+$0x0], vm8;
	v4 =	vadd.f32 v44, v38  }
0x236: {  	v41 =	vsel vm6, v1, v3;
	[tilespmem:v5+s19+$0x0] =	vst.idx.msk $0xffff, v6;
	v46 =	vmul.f32 v6, v6;
	vm6 =	vmmov vm5  }
0x237: {  	v47 =	vadd.f32 v7, v2;
	v38 =	vadd.f32 v6, v4  }
0x238: {  	_ = 	snop  }
0x239: {  	(erf) = vrcp.f32 v48;
	_ =	sdelay $0x4  }
0x23a: {  	s17 =	sadd.s32 $0x20, s17  }
0x23b: {  	v2 =	vld [tilespmem:s17+$0xFFFFFFF0]  }
0x23c: {  	v1 =	vld [tilespmem:s17+$0x0];
	_ =	sdelay $0x1  }
0x23d: {  	s29 =	sadd.s32 $0x20, s18;
	v3 =	vpop (erf)  }
0x23e: {  	v5 =	vld [tilespmem:s29+$0xFFFFFFF0];
	v3 =	vmul.f32 v3, v43  }
0x23f: {  	v4 =	vld [tilespmem:s29+$0x0];
	v2 =	vshll.u32 v2, $0x3  }
0x240: {  	v1 =	vshll.u32 v1, $0x3;
	v2 =	vadd.s32 v33, v2;
	v3 =	vadd.f32 $1.285000000e+02, v3  }
0x241: {  	v6 =	vld.idx.msk [tilespmem:v42+s13+$0x0], vm5;
	v1 =	vadd.s32 v33, v1  }
0x242: {  	v7 =	vsel vm7, v41, v39;
	v3 =	vsel vm7, v3, v41  }
0x243: {  	v60 =	vsub.f32 v5, v7;
	v3 =	vsel vm6, v3, v7  }
0x244: {  	[tilespmem:v45+s19+$0x0] =	vst.idx.msk $0xffff, v44;
	s30 =	simm.s32 $0x5000;
	v3 =	vsub.f32 v4, v3  }
0x245: {  	[tilespmem:v2+s30+$0x0] =	vst.idx.msk $0xffff, v60  }
0x246: {  	s31 =	simm.s32 $0x0;
	(erf) = vrcp.f32 v6;
	[tilespmem:v1+s30+$0x0] =	vst.idx.msk $0xffff, v3  }
0x247: {  	s17 =	sand.u32 $0x7C0, s31;
	v1 =	vld [tilespmem:s30+$0x0]  }
0x248: {  	v2 =	vld [tilespmem:s17+$0x5800]  }
0x249: {  	v39 =	vld [tilespmem:s30+$0x10]  }
0x24a: {  	p0 =	por $0x1, $0x1;
	v42 =	vld [tilespmem:s30+$0x810]  }
.Ltmp3:
0x24b: {  	v61 =	vadd.f32 v46, v47;
	v62 =	vmul.f32 v60, v60;
	v36 =	vld [tilespmem:s30+$0x20];
	(pc) =	sbr.rel @!p0 .LBB2_9-.Ltmp3, $4  }
0x24c: {  	v41 =	vld [tilespmem:s30+$0x820]  }
0x24d: {  	v5 =	vadd.f32 v62, v61;
	v4 =	vadd.f32 v60, v38;
	v63 =	vmul.f32 v3, v3;
	v38 =	vld [tilespmem:s30+$0x30]  }
0x24e: {  	v43 =	vld [tilespmem:s30+$0x830];
	v44 =	vmul.f32 v2, v1  }
0x24f: {  	s18 =	simm.s32 $0x40;
	s19 =	simm.s32 $0x5040;
	v40 =	vadd.f32 v3, v4;
	s17 =	simm.s32 $0x0;
	v12 =	vld [tilespmem:$0x1FF50];
	v3 =	vpop (erf);
	v37 =	vadd.f32 v63, v5  }
.LBB2_8:
0x250: {  	v1 =	vld [tilespmem:s19+$0x0];
	s20 =	sand.u32 $0x7C0, s18;
	s17 =	sadd.s32 $0x4, s17;
	v2 =	vadd.f32 v44, v35;
	v3 =	vmul.f32 v42, v39  }
0x251: {  	v4 =	vld [tilespmem:s20+$0x5800];
	p0 =	slt.u32 s17, $0x7C  }
0x252: {  	v39 =	vld [tilespmem:s19+$0x10];
	v2 =	vadd.f32 v3, v2;
	v3 =	vmul.f32 v41, v36  }
.Ltmp4:
0x253: {  	v42 =	vld [tilespmem:s19+$0x810];
	(pc) =	sbr.rel @p0 .LBB2_8-.Ltmp4, $4  }
0x254: {  	v36 =	vld [tilespmem:s19+$0x20];
	v2 =	vadd.f32 v3, v2;
	v3 =	vmul.f32 v43, v38  }
0x255: {  	v41 =	vld [tilespmem:s19+$0x820]  }
0x256: {  	v44 =	vmul.f32 v4, v1;
	v38 =	vld [tilespmem:s19+$0x30];
	v35 =	vadd.f32 v3, v2  }
0x257: {  	s18 =	sadd.s32 $0x40, s18;
	v43 =	vld [tilespmem:s19+$0x830];
	s19 =	sadd.s32 $0x40, s19  }
.LBB2_9:
0x258: {  	vm0 =	vmmov $0xff  }
0x259: {  	v1 =	vnsel vm0, $0x0, v40  }
0x25a: {  	v2 =	vadd.f32 v44, v35;
	v3 =	vmul.f32 v42, v39;
	(xrf2) =	vadd.scan.msk.f32 $0xffff, v1;
	v1 =	vsel vm0, $0x0, v40  }
0x25b: {  	(xrf2) =	vadd.scan.msk.f32 $0xffff, v1;
	v1 =	vnsel vm0, $0x0, v37  }
0x25c: {  	v2 =	vadd.f32 v3, v2;
	v3 =	vmul.f32 v41, v36;
	(xrf2) =	vadd.scan.msk.f32 $0xffff, v1;
	_ =	sdelay $0x1  }
0x25d: {  	v1 =	vadd.f32 v3, v2;
	v2 =	vmul.f32 v43, v38  }
0x25e: {  	v3 =	vsel vm0, $0x0, v37  }
0x25f: {  	(xrf2) =	vadd.scan.msk.f32 $0xffff, v3;
	v1 =	vadd.f32 v2, v1;
	_ =	sdelay $0x1  }
0x260: {  	(xrf2) =	vadd.scan.msk.f32 $0xffff, v1;
	_ =	sdelay $0x1  }
0x261: {  	v1, _, _ =	vpop (xrf2)  }
0x262: {  	vm12 =	vcmask $0x300;
	v6 =	vimm.f32 $0.0e+00;
	v2, _, _ =	vpop (xrf2);
	v1 =	vbroadcast v1, $0xF  }
0x263: {  	vm13 =	vcmask $0x704;
	v4 =	vsel vm12, $0x3F800000, v6;
	v3, _, _ =	vpop (xrf2)  }
0x264: {  	v3 =	vbroadcast v3, $0xF;
	v1 =	vmul.f32 v4, v1;
	v4 =	vsel vm13, $0x3F800000, v6;
	_ =	sdelay $0x1  }
0x265: {  	vm14 =	vcmask $0xB08;
	v2 =	vbroadcast v2, $0xF;
	v3 =	vmul.f32 v4, v3  }
0x266: {  	vm15 =	vcmask $0xF0C;
	v5 =	vsel vm14, $0x3F800000, v6;
	v4, _, _ =	vpop (xrf2)  }
0x267: {  	v2 =	vmul.f32 v5, v2;
	v1 =	vadd.f32 v3, v1;
	v3 =	vbroadcast v4, $0xF  }
0x268: {  	v5 =	vsel vm15, $0x3F800000, v6;
	v4, _, _ =	vpop (xrf2)  }
0x269: {  	v1 =	vadd.f32 v1, v2;
	v2 =	vmul.f32 v5, v3;
	v3 =	vbroadcast v4, $0xF  }
0x26a: {  	v4 =	vsel vm4, $0x3F800000, v6  }
0x26b: {  	v1 =	vadd.f32 v1, v2;
	v2 =	vmul.f32 v4, v3;
	_ =	sdelay $0x1  }
0x26c: {  	v1 =	vadd.f32 v2, v1;
	_ =	sdelay $0x1  }
0x26d: {  	[tilespmem:$0x6000] =	vst v1  }
0x26e: {  	[hbm4b:s5+s2] =	stream.linear.scatter [tilespmem:s14], [sflag:$0x3], $0x80, $0x38;
	[tilespmem:$0x6080] =	vst v63  }
0x26f: {  	_ =	swait.ge [sflag:s15], $0x80  }
0x270: {  	s16 =	sadd.s32 $0x1, s16;
	v17 =	vld [tilespmem:$0x1FF20]  }
0x271: {  	p0 =	sne.s32 s16, s6;
	v11 =	vld [tilespmem:$0x1FF30]  }
.Ltmp5:
0x272: {  	v10 =	vld [tilespmem:$0x1FF40];
	(pc) =	sbr.rel @p0 .LBB2_1-.Ltmp5, $4  }
0x273: {  	v22 =	vld [tilespmem:$0x1FF60]  }
0x274: {  	v6 =	vld [tilespmem:$0x1FF70]  }
0x275: {  	[sflag:s15] =	ssyncset.done $0x0;
	v7 =	vld [tilespmem:$0x1FF80]  }
0x276: {  	v8 =	vld [tilespmem:$0x1FF90];
	[sflag:s15] =	ssyncadd.s32 $0xFFFFFF80  }
0x277: {  	_ =	sfence.sel $0x180000  }
0x278: {  	[bflag:$0x0] =	sbarrier.arrive $0xFFFF  }
0x279: {  	p0 =	sne.s32 s1, $0x0;
	_ =	strace $0x90000047  }
0x27a: {  	s0 =	sadd.s32 @!p0 $0x100000, s0;
	[bflag:$0x2] =	sbarrier.arrive $0xFFFF  }
0x27b: {  	[sflag:s0] =	ssyncadd.tile.s32 @!p0 $0x1;
	_ =	shalt  }
.Lfunc_end2:
_tile_overlayer_lowered:
.L_overlay_start_2:
0x27c: {  	(tag) =	ssettag $0x2  }
0x27d: {  	s0 =	rddreg [dreg:$0x0];
	s2 =	stileid.u32  }
0x27e: {  	s1 =	rddreg [dreg:$0x1];
	p0 =	sne.s32 s2, $0x0  }
0x27f: {  	s3 =	rddreg [dreg:$0x2];
	[bflag:$0x3] =	sbarrier.arrive $0xFFFF;
	s2 =	simm.s32 @!p0 $0x1C03  }
0x280: {  	[timem:s3], [sflag:s2] =	dma.local @!p0 [hbm:s0], s1  }
0x281: {  	s0 =	simm.s32 @!p0 $0x3  }
0x282: {  	_ =	swait.ge @!p0 [sflag:s0], s1  }
0x283: {  	s1 =	ssub.s32 @!p0 $0x0, s1;
	[sflag:s0] =	ssyncset.done @!p0 $0x0  }
0x284: {  	[sflag:s0] =	ssyncadd.s32 @!p0 s1  }
0x285: {  	[bflag:$0x3] =	sbarrier.arrive $0xFFFF  }
0x286: {  	_ =	shalt  }

</sc_bundles>
